<compile_context>
chip_gen: v7x
topology: tpu7x:2x2x1
jax: 0.10.2.dev20260603
libtpu: 0.0.44.dev20260713+nightly
codegen_flags: <defaults>
</compile_context>

<pallas_src>
import functools

import jax
import jax.numpy as jnp
from jax import lax
from jax.experimental import pallas as pl
from jax.experimental.pallas import tpu as pltpu
from jax.experimental.pallas import tpu_sc as plsc

N = 10000
E = 320000
D = 128
H = 128

NUM_SUBCORES = 16
CH = 128
N_ACC = 10240
ROWS_PER_TILE = N_ACC // NUM_SUBCORES
CHUNKS = 157
E_PER_TILE = CHUNKS * CH
E_PAD = NUM_SUBCORES * E_PER_TILE
DUMMY = N

ROW_BLK = 512
GRID = N_ACC // ROW_BLK

_MESH = plsc.VectorSubcoreMesh(core_axis_name="c", subcore_axis_name="s")


def _zero_slab(zeros_hbm, slab, row_base, sem):
    n = ROWS_PER_TILE // CH
    for k in range(n):
        pltpu.async_copy(zeros_hbm, slab.at[pl.ds(row_base + k * CH, CH)], sem)
    for k in range(n):
        pltpu.make_async_copy(zeros_hbm,
                              slab.at[pl.ds(row_base + k * CH, CH)], sem).wait()


def _writeback(slab, out_hbm, row_base, sem):
    n = ROWS_PER_TILE // CH
    for k in range(n):
        sl = pl.ds(row_base + k * CH, CH)
        pltpu.async_copy(slab.at[sl], out_hbm.at[sl], sem)
    for k in range(n):
        sl = pl.ds(row_base + k * CH, CH)
        pltpu.make_async_copy(slab.at[sl], out_hbm.at[sl], sem).wait()


HIST_ROWS = N_ACC // 128


def _hist_body(dst_hbm, dstf_hbm, ident_hbm, zeros_hbm, out_hbm, outf_hbm,
               idx_v, ident_v, local_v, table_sh, sem):
    cid = lax.axis_index("c")
    sid = lax.axis_index("s")

    pltpu.sync_copy(zeros_hbm, local_v)
    pltpu.sync_copy(ident_hbm, ident_v)
    pltpu.sync_copy(zeros_hbm.at[pl.ds(0, 8)], table_sh.at[pl.ds(sid * 8, 8)])
    plsc.subcore_barrier()

    def run(edges_hbm):
        pltpu.sync_copy(edges_hbm.at[sid], idx_v)

        def chunk(g, carry):
            for j in range(8):
                idx = idx_v[g, pl.ds(j * 16, 16)]
                row = lax.shift_right_logical(idx, 7)
                col = lax.bitwise_and(idx, 127)
                plsc.addupdate_scatter(local_v, [row, col],
                                       jnp.ones((16,), jnp.float32))
            return carry
        lax.fori_loop(0, CHUNKS, chunk, 0)

    @pl.when(cid == 0)
    def _():
        run(dst_hbm)

    @pl.when(cid == 1)
    def _():
        run(dstf_hbm)

    plsc.subcore_barrier()
    pltpu.sync_copy(local_v, table_sh.at[ident_v], add=True)
    plsc.subcore_barrier()

    @pl.when(cid == 0)
    def _():
        pltpu.sync_copy(table_sh.at[pl.ds(sid * 8, 8)],
                        out_hbm.at[pl.ds(sid * 8, 8)])

    @pl.when(cid == 1)
    def _():
        pltpu.sync_copy(table_sh.at[pl.ds(sid * 8, 8)],
                        outf_hbm.at[pl.ds(sid * 8, 8)])


def _sc_hist(dst_pad, dstf_pad, ident, zeros128):
    return pl.kernel(
        _hist_body,
        out_type=[
            jax.ShapeDtypeStruct((128, 128), jnp.float32),
            jax.ShapeDtypeStruct((128, 128), jnp.float32),
        ],
        mesh=_MESH,
        compiler_params=pltpu.CompilerParams(needs_layout_passes=False),
        scratch_types=[
            pltpu.VMEM((CHUNKS, CH), jnp.int32),
            pltpu.VMEM((128,), jnp.int32),
            pltpu.VMEM((128, 128), jnp.float32),
            pltpu.VMEM_SHARED((128, 128), jnp.float32),
            pltpu.SemaphoreType.DMA,
        ],
    )(dst_pad, dstf_pad, ident, zeros128)


def _spmv_body(u_hbm, uf_hbm, e_hbm, ef_hbm, zeros_hbm,
               out_hbm, outf_hbm, idx2_v, rows_a, acc_sh, sem_a):
    cid = lax.axis_index("c")
    sid = lax.axis_index("s")
    row_base = sid * ROWS_PER_TILE

    _zero_slab(zeros_hbm, acc_sh, row_base, sem_a)
    plsc.subcore_barrier()

    def run(table_hbm, edges):
        def chunk(g, carry):
            pltpu.sync_copy(edges.at[sid, g], idx2_v)
            pltpu.async_copy(table_hbm.at[idx2_v.at[0]], rows_a, sem_a).wait()
            pltpu.sync_copy(rows_a, acc_sh.at[idx2_v.at[1]], add=True)
            return carry
        lax.fori_loop(0, CHUNKS, chunk, 0)

    @pl.when(cid == 0)
    def _():
        run(u_hbm, e_hbm)

    @pl.when(cid == 1)
    def _():
        run(uf_hbm, ef_hbm)

    plsc.subcore_barrier()

    @pl.when(cid == 0)
    def _():
        _writeback(acc_sh, out_hbm, row_base, sem_a)

    @pl.when(cid == 1)
    def _():
        _writeback(acc_sh, outf_hbm, row_base, sem_a)


def _sc_spmv(u_pad, uf_pad, edges, edgesf, zeros128):
    return pl.kernel(
        _spmv_body,
        out_type=[
            jax.ShapeDtypeStruct((N_ACC, H), jnp.float32),
            jax.ShapeDtypeStruct((N_ACC, H), jnp.float32),
        ],
        mesh=_MESH,
        scratch_types=[
            pltpu.VMEM((2, CH), jnp.int32),
            pltpu.VMEM((CH, H), jnp.float32),
            pltpu.VMEM_SHARED((N_ACC, H), jnp.float32),
            pltpu.SemaphoreType.DMA,
        ],
    )(u_pad, uf_pad, edges, edgesf, zeros128)


def _stage_a_body(hist_ref, histf_ref, x_ref, fx_ref, w1_ref,
                  u1_ref, u1f_ref, dis_ref, disf_ref):
    dis = lax.rsqrt(hist_ref[...] + 1.0)
    disf = lax.rsqrt(histf_ref[...] + 1.0)
    dis_ref[...] = dis
    disf_ref[...] = disf
    u1_ref[...] = jnp.dot(x_ref[...], w1_ref[...],
                          preferred_element_type=jnp.float32) * dis
    u1f_ref[...] = jnp.dot(fx_ref[...], w1_ref[...],
                           preferred_element_type=jnp.float32) * disf


def _stage_a(hist, histf, x, fx, W1):
    row = pl.BlockSpec((ROW_BLK, 1), lambda i: (i, 0))
    mat = pl.BlockSpec((ROW_BLK, D), lambda i: (i, 0))
    full = pl.BlockSpec((D, H), lambda i: (0, 0))
    return pl.pallas_call(
        _stage_a_body,
        grid=(GRID,),
        in_specs=[row, row, mat, mat, full],
        out_specs=[mat, mat, row, row],
        out_shape=[
            jax.ShapeDtypeStruct((N_ACC, H), jnp.float32),
            jax.ShapeDtypeStruct((N_ACC, H), jnp.float32),
            jax.ShapeDtypeStruct((N_ACC, 1), jnp.float32),
            jax.ShapeDtypeStruct((N_ACC, 1), jnp.float32),
        ],
    )(hist, histf, x, fx, W1)


def _stage_b_body(acc_ref, u_ref, dis_ref, accf_ref, uf_ref, disf_ref,
                  b1_ref, w2_ref, u2_ref, u2f_ref):
    h1 = jax.nn.relu(dis_ref[...] * (acc_ref[...] + u_ref[...]) + b1_ref[...])
    u2_ref[...] = jnp.dot(h1, w2_ref[...],
                          preferred_element_type=jnp.float32) * dis_ref[...]
    h1f = jax.nn.relu(disf_ref[...] * (accf_ref[...] + uf_ref[...]) + b1_ref[...])
    u2f_ref[...] = jnp.dot(h1f, w2_ref[...],
                           preferred_element_type=jnp.float32) * disf_ref[...]


def _stage_b(acc, u, dis, accf, uf, disf, b1, W2):
    row = pl.BlockSpec((ROW_BLK, 1), lambda i: (i, 0))
    mat = pl.BlockSpec((ROW_BLK, H), lambda i: (i, 0))
    vec = pl.BlockSpec((1, H), lambda i: (0, 0))
    full = pl.BlockSpec((H, H), lambda i: (0, 0))
    return pl.pallas_call(
        _stage_b_body,
        grid=(GRID,),
        in_specs=[mat, mat, row, mat, mat, row, vec, full],
        out_specs=[mat, mat],
        out_shape=[
            jax.ShapeDtypeStruct((N_ACC, H), jnp.float32),
            jax.ShapeDtypeStruct((N_ACC, H), jnp.float32),
        ],
    )(acc, u, dis, accf, uf, disf, b1.reshape(1, H), W2)


def _stage_c_body(acc_ref, u_ref, dis_ref, accf_ref, uf_ref, disf_ref,
                  b2_ref, wh_ref, bh_ref, heads_ref, headsf_ref):
    z2 = dis_ref[...] * (acc_ref[...] + u_ref[...]) + b2_ref[...]
    heads_ref[...] = jax.nn.relu(
        jnp.dot(z2, wh_ref[...], preferred_element_type=jnp.float32)
        + bh_ref[...])
    z2f = disf_ref[...] * (accf_ref[...] + uf_ref[...]) + b2_ref[...]
    headsf_ref[...] = jax.nn.relu(
        jnp.dot(z2f, wh_ref[...], preferred_element_type=jnp.float32)
        + bh_ref[...])


def _stage_c(acc, u, dis, accf, uf, disf, b2, Wh, bh):
    row = pl.BlockSpec((ROW_BLK, 1), lambda i: (i, 0))
    mat = pl.BlockSpec((ROW_BLK, H), lambda i: (i, 0))
    vec = pl.BlockSpec((1, H), lambda i: (0, 0))
    wh_spec = pl.BlockSpec((H, 3), lambda i: (0, 0))
    bh_spec = pl.BlockSpec((1, 3), lambda i: (0, 0))
    out3 = pl.BlockSpec((ROW_BLK, 3), lambda i: (i, 0))
    return pl.pallas_call(
        _stage_c_body,
        grid=(GRID,),
        in_specs=[mat, mat, row, mat, mat, row, vec, wh_spec, bh_spec],
        out_specs=[out3, out3],
        out_shape=[
            jax.ShapeDtypeStruct((N_ACC, 3), jnp.float32),
            jax.ShapeDtypeStruct((N_ACC, 3), jnp.float32),
        ],
    )(acc, u, dis, accf, uf, disf, b2.reshape(1, H), Wh, bh.reshape(1, 3))


def _pad_edges(e):
    per_tile = E // NUM_SUBCORES
    e2 = e.reshape(NUM_SUBCORES, per_tile)
    e2 = jnp.pad(e2, ((0, 0), (0, E_PER_TILE - per_tile)),
                 constant_values=DUMMY)
    return e2.reshape(NUM_SUBCORES, CHUNKS, CH)


def kernel(x, edge_index, fake_x, fake_edge_index, W1, b1, W2, b2,
           Wy, by, Wp, bp, Wb, bb):
    src = _pad_edges(edge_index[0])
    dst = _pad_edges(edge_index[1])
    srcf = _pad_edges(fake_edge_index[0])
    dstf = _pad_edges(fake_edge_index[1])
    edges = jnp.stack([src, dst], axis=2)
    edgesf = jnp.stack([srcf, dstf], axis=2)

    zeros128 = jnp.zeros((CH, H), jnp.float32)
    ident = jnp.concatenate([
        jnp.arange(HIST_ROWS, dtype=jnp.int32),
        jnp.full((128 - HIST_ROWS,), HIST_ROWS, jnp.int32),
    ])

    hist, histf = _sc_hist(dst, dstf, ident, zeros128)
    hist = hist.reshape(N_ACC + 6144, 1)[:N_ACC]
    histf = histf.reshape(N_ACC + 6144, 1)[:N_ACC]

    u1, u1f, dis, disf = _stage_a(hist, histf, x, fake_x, W1)

    acc1, acc1f = _sc_spmv(u1, u1f, edges, edgesf, zeros128)

    u2, u2f = _stage_b(acc1, u1, dis, acc1f, u1f, disf, b1, W2)

    acc2, acc2f = _sc_spmv(u2, u2f, edges, edgesf, zeros128)

    Wh = jnp.concatenate([Wy, Wp, Wb], axis=1)
    bh = jnp.stack([by[0], bp[0], bb[0]])
    heads, headsf = _stage_c(acc2, u2, dis, acc2f, u2f, disf, b2, Wh, bh)

    yi = heads[:N, 0:1]
    fact_prob = heads[:N, 1:2]
    treat_prob = heads[:N, 2:3]
    fact_prob_f = headsf[:N, 1:2]
    return (yi, fact_prob, fact_prob_f, treat_prob)

# --- scband reference (transcript-rebuilt; emitter-appended) ---
"""Pipeline reference for scband-impact-detect-48309792145899 (READ-ONLY COPY).

The authoritative reference and input builder live on the scoring server;
editing this copy changes nothing except your own understanding.
"""

import jax, jax.numpy as jnp
import numpy as np

N = 10000
E = 320000
D = 128
H = 128
OUT = 1


def _init_linear(key, fan_in, fan_out):
    k1, k2 = jax.random.split(key)
    bound = 1.0 / np.sqrt(fan_in)
    W = jax.random.uniform(k1, (fan_in, fan_out), minval=-bound, maxval=bound, dtype=jnp.float32)
    b = jax.random.uniform(k2, (fan_out,), minval=-bound, maxval=bound, dtype=jnp.float32)
    return W, b


def setup_inputs(seed: int = 0) -> dict:
    key = jax.random.key(seed)
    ks = jax.random.split(key, 10)
    x = jax.random.normal(ks[0], (N, D), dtype=jnp.float32)
    fake_x = jax.random.normal(ks[1], (N, D), dtype=jnp.float32)
    edge_index = jax.random.randint(ks[2], (2, E), 0, N, dtype=jnp.int32)
    fake_edge_index = jax.random.randint(ks[3], (2, E), 0, N, dtype=jnp.int32)
    W1, b1 = _init_linear(ks[4], D, H)
    W2, b2 = _init_linear(ks[5], H, H)
    Wy, by = _init_linear(ks[6], H, OUT)
    Wp, bp = _init_linear(ks[7], H, OUT)
    Wb, bb = _init_linear(ks[8], H, OUT)
    return {"x": x, "edge_index": edge_index, "fake_x": fake_x, "fake_edge_index": fake_edge_index,
            "W1": W1, "b1": b1, "W2": W2, "b2": b2,
            "Wy": Wy, "by": by, "Wp": Wp, "bp": bp, "Wb": Wb, "bb": bb}


def gcn_conv(x, edge_index, W, b):
    # GCNConv with self-loops and symmetric normalization (PyG semantics)
    num_nodes = x.shape[0]
    src = edge_index[0]
    dst = edge_index[1]
    loop = jnp.arange(num_nodes, dtype=src.dtype)
    src = jnp.concatenate([src, loop])
    dst = jnp.concatenate([dst, loop])
    xw = x @ W
    deg = jnp.zeros((num_nodes,), dtype=xw.dtype).at[dst].add(1.0)
    deg_inv_sqrt = jnp.where(deg > 0, jax.lax.rsqrt(jnp.maximum(deg, 1e-12)), 0.0)
    norm = deg_inv_sqrt[src] * deg_inv_sqrt[dst]
    msgs = jnp.take(xw, src, axis=0) * norm[:, None]
    out = jnp.zeros_like(xw).at[dst].add(msgs)
    return out + b


def reference(x, edge_index, fake_x, fake_edge_index, W1, b1, W2, b2, Wy, by, Wp, bp, Wb, bb):
    # eval mode: dropout(p=0.5) is identity
    xZ1 = jax.nn.relu(gcn_conv(x, edge_index, W1, b1))
    xfZ1 = jax.nn.relu(gcn_conv(fake_x, fake_edge_index, W1, b1))
    xZ2 = gcn_conv(xZ1, edge_index, W2, b2)
    xfZ2 = gcn_conv(xfZ1, fake_edge_index, W2, b2)
    yi = jax.nn.relu(xZ2 @ Wy + by)
    fact_prob = jax.nn.relu(xZ2 @ Wp + bp)
    fact_prob_f = jax.nn.relu(xfZ2 @ Wp + bp)
    treat_prob = jax.nn.relu(xZ2 @ Wb + bb)
    return (yi, fact_prob, fact_prob_f, treat_prob)

if __name__ == "__main__":
    import jax
    _d = setup_inputs()
    print(jax.jit(kernel)(*tuple(_d.values())))

</pallas_src>

<mosaic_0001>
#map = affine_map<(d0, d1) -> (0, 0)>
#map1 = affine_map<(d0, d1) -> (0, 0, 0, 0)>
module attributes {stable_mosaic.version = 14 : i64} {
  func.func @_spmv_body(%arg0: i32, %arg1: i32, %arg2: memref<10240x128xf32, #tpu.memory_space<hbm>>, %arg3: memref<10240x128xf32, #tpu.memory_space<hbm>>, %arg4: memref<16x157x2x128xi32, #tpu.memory_space<hbm>>, %arg5: memref<16x157x2x128xi32, #tpu.memory_space<hbm>>, %arg6: memref<128x128xf32, #tpu.memory_space<hbm>>, %arg7: memref<10240x128xf32, #tpu.memory_space<hbm>>, %arg8: memref<10240x128xf32, #tpu.memory_space<hbm>>, %arg9: memref<2x128xi32, #tpu.memory_space<vmem>>, %arg10: memref<128x128xf32, #tpu.memory_space<vmem>>, %arg11: memref<10240x128xf32, #tpu.memory_space<vmem_shared>>, %arg12: memref<!tpu.dma_semaphore, #tpu.memory_space<semaphore_mem>>) attributes {dimension_semantics = [#tpu.dimension_semantics<core_parallel>, #tpu.dimension_semantics<subcore_parallel>], iteration_bounds = array<i64: 2, 16>, scalar_prefetch = 0 : i64, scratch_operands = 4 : i64, tpu.core_type = #tpu.core_type<sc_vector_subcore>, window_params = [{transform_indices = #map}, {transform_indices = #map}, {transform_indices = #map1}, {transform_indices = #map1}, {transform_indices = #map}, {transform_indices = #map}, {transform_indices = #map}]} {
    %mul3A = arith.constant 640 : i32
    %mul3A_0 = arith.muli %arg1, %mul3A : i32
    %add3A = arith.constant 0 : i32
    %add3A_1 = arith.addi %mul3A_0, %add3A : i32
    %dma_start3A = arith.constant 0 : i32
    %dma_start3A_2 = tpu.memref_slice %arg11[%add3A_1, %dma_start3A] : memref<10240x128xf32, #tpu.memory_space<vmem_shared>> -> memref<128x128xf32, #tpu.memory_space<vmem_shared>>
    tpu.enqueue_dma source(%arg6 : memref<128x128xf32, #tpu.memory_space<hbm>>) target(%dma_start3A_2 : memref<128x128xf32, #tpu.memory_space<vmem_shared>>) target_semaphore(%arg12 : memref<!tpu.dma_semaphore, #tpu.memory_space<semaphore_mem>>)
    %add3A_3 = arith.constant 128 : i32
    %add3A_4 = arith.addi %mul3A_0, %add3A_3 : i32
    %dma_start3A_5 = arith.constant 0 : i32
    %dma_start3A_6 = tpu.memref_slice %arg11[%add3A_4, %dma_start3A_5] : memref<10240x128xf32, #tpu.memory_space<vmem_shared>> -> memref<128x128xf32, #tpu.memory_space<vmem_shared>>
    tpu.enqueue_dma source(%arg6 : memref<128x128xf32, #tpu.memory_space<hbm>>) target(%dma_start3A_6 : memref<128x128xf32, #tpu.memory_space<vmem_shared>>) target_semaphore(%arg12 : memref<!tpu.dma_semaphore, #tpu.memory_space<semaphore_mem>>)
    %add3A_7 = arith.constant 256 : i32
    %add3A_8 = arith.addi %mul3A_0, %add3A_7 : i32
    %dma_start3A_9 = arith.constant 0 : i32
    %dma_start3A_10 = tpu.memref_slice %arg11[%add3A_8, %dma_start3A_9] : memref<10240x128xf32, #tpu.memory_space<vmem_shared>> -> memref<128x128xf32, #tpu.memory_space<vmem_shared>>
    tpu.enqueue_dma source(%arg6 : memref<128x128xf32, #tpu.memory_space<hbm>>) target(%dma_start3A_10 : memref<128x128xf32, #tpu.memory_space<vmem_shared>>) target_semaphore(%arg12 : memref<!tpu.dma_semaphore, #tpu.memory_space<semaphore_mem>>)
    %add3A_11 = arith.constant 384 : i32
    %add3A_12 = arith.addi %mul3A_0, %add3A_11 : i32
    %dma_start3A_13 = arith.constant 0 : i32
    %dma_start3A_14 = tpu.memref_slice %arg11[%add3A_12, %dma_start3A_13] : memref<10240x128xf32, #tpu.memory_space<vmem_shared>> -> memref<128x128xf32, #tpu.memory_space<vmem_shared>>
    tpu.enqueue_dma source(%arg6 : memref<128x128xf32, #tpu.memory_space<hbm>>) target(%dma_start3A_14 : memref<128x128xf32, #tpu.memory_space<vmem_shared>>) target_semaphore(%arg12 : memref<!tpu.dma_semaphore, #tpu.memory_space<semaphore_mem>>)
    %add3A_15 = arith.constant 512 : i32
    %add3A_16 = arith.addi %mul3A_0, %add3A_15 : i32
    %dma_start3A_17 = arith.constant 0 : i32
    %dma_start3A_18 = tpu.memref_slice %arg11[%add3A_16, %dma_start3A_17] : memref<10240x128xf32, #tpu.memory_space<vmem_shared>> -> memref<128x128xf32, #tpu.memory_space<vmem_shared>>
    tpu.enqueue_dma source(%arg6 : memref<128x128xf32, #tpu.memory_space<hbm>>) target(%dma_start3A_18 : memref<128x128xf32, #tpu.memory_space<vmem_shared>>) target_semaphore(%arg12 : memref<!tpu.dma_semaphore, #tpu.memory_space<semaphore_mem>>)
    %add3A_19 = arith.constant 0 : i32
    %add3A_20 = arith.addi %mul3A_0, %add3A_19 : i32
    %dma_wait3A = arith.constant 0 : i32
    %dma_wait3A_21 = tpu.memref_slice %arg11[%add3A_20, %dma_wait3A] : memref<10240x128xf32, #tpu.memory_space<vmem_shared>> -> memref<128x128xf32, #tpu.memory_space<vmem_shared>>
    tpu.wait_dma2 semaphore(%arg12 : memref<!tpu.dma_semaphore, #tpu.memory_space<semaphore_mem>>) src(%arg6 : memref<128x128xf32, #tpu.memory_space<hbm>>) dst(%dma_wait3A_21 : memref<128x128xf32, #tpu.memory_space<vmem_shared>>)
    %add3A_22 = arith.constant 128 : i32
    %add3A_23 = arith.addi %mul3A_0, %add3A_22 : i32
    %dma_wait3A_24 = arith.constant 0 : i32
    %dma_wait3A_25 = tpu.memref_slice %arg11[%add3A_23, %dma_wait3A_24] : memref<10240x128xf32, #tpu.memory_space<vmem_shared>> -> memref<128x128xf32, #tpu.memory_space<vmem_shared>>
    tpu.wait_dma2 semaphore(%arg12 : memref<!tpu.dma_semaphore, #tpu.memory_space<semaphore_mem>>) src(%arg6 : memref<128x128xf32, #tpu.memory_space<hbm>>) dst(%dma_wait3A_25 : memref<128x128xf32, #tpu.memory_space<vmem_shared>>)
    %add3A_26 = arith.constant 256 : i32
    %add3A_27 = arith.addi %mul3A_0, %add3A_26 : i32
    %dma_wait3A_28 = arith.constant 0 : i32
    %dma_wait3A_29 = tpu.memref_slice %arg11[%add3A_27, %dma_wait3A_28] : memref<10240x128xf32, #tpu.memory_space<vmem_shared>> -> memref<128x128xf32, #tpu.memory_space<vmem_shared>>
    tpu.wait_dma2 semaphore(%arg12 : memref<!tpu.dma_semaphore, #tpu.memory_space<semaphore_mem>>) src(%arg6 : memref<128x128xf32, #tpu.memory_space<hbm>>) dst(%dma_wait3A_29 : memref<128x128xf32, #tpu.memory_space<vmem_shared>>)
    %add3A_30 = arith.constant 384 : i32
    %add3A_31 = arith.addi %mul3A_0, %add3A_30 : i32
    %dma_wait3A_32 = arith.constant 0 : i32
    %dma_wait3A_33 = tpu.memref_slice %arg11[%add3A_31, %dma_wait3A_32] : memref<10240x128xf32, #tpu.memory_space<vmem_shared>> -> memref<128x128xf32, #tpu.memory_space<vmem_shared>>
    tpu.wait_dma2 semaphore(%arg12 : memref<!tpu.dma_semaphore, #tpu.memory_space<semaphore_mem>>) src(%arg6 : memref<128x128xf32, #tpu.memory_space<hbm>>) dst(%dma_wait3A_33 : memref<128x128xf32, #tpu.memory_space<vmem_shared>>)
    %add3A_34 = arith.constant 512 : i32
    %add3A_35 = arith.addi %mul3A_0, %add3A_34 : i32
    %dma_wait3A_36 = arith.constant 0 : i32
    %dma_wait3A_37 = tpu.memref_slice %arg11[%add3A_35, %dma_wait3A_36] : memref<10240x128xf32, #tpu.memory_space<vmem_shared>> -> memref<128x128xf32, #tpu.memory_space<vmem_shared>>
    tpu.wait_dma2 semaphore(%arg12 : memref<!tpu.dma_semaphore, #tpu.memory_space<semaphore_mem>>) src(%arg6 : memref<128x128xf32, #tpu.memory_space<hbm>>) dst(%dma_wait3A_37 : memref<128x128xf32, #tpu.memory_space<vmem_shared>>)
    %barrier3A = arith.constant 0 : index
    tpu.barrier barrier_id(%barrier3A)
    %eq3A = arith.constant 0 : i32
    %eq3A_38 = arith.cmpi eq, %arg0, %eq3A : i32
    %convert_element_type3A = arith.extui %eq3A_38 : i1 to i32
    %cond3A = arith.constant 0 : i32
    %cond3A_39 = arith.cmpi ne, %convert_element_type3A, %cond3A : i32
    scf.if %cond3A_39 {
      %scan3A = arith.constant 0 : i32
      %scan3A_56 = arith.constant 0 : i32
      %scan3A_57 = arith.constant 157 : i32
      %scan3A_58 = arith.addi %scan3A_56, %scan3A_57 : i32
      %scan3A_59 = arith.constant 1 : i32
      scf.for %scan3A_61 = %scan3A_56 to %scan3A_58 step %scan3A_59  : i32 {
        "tpu.region"() ({
          %run_scoped3A_76 = tpu.sem_alloc : memref<!tpu.dma_semaphore, #tpu.memory_space<semaphore_mem>>
          %dma_start3A_77 = arith.constant 0 : i32
          %dma_start3A_78 = arith.constant 0 : i32
          %dma_start3A_79 = tpu.memref_slice %arg4[%arg1, %scan3A_61, %dma_start3A_77, %dma_start3A_78] : memref<16x157x2x128xi32, #tpu.memory_space<hbm>> -> memref<1x1x2x128xi32, #tpu.memory_space<hbm>>
          %dma_start3A_80 = tpu.memref_squeeze %dma_start3A_79 : memref<1x1x2x128xi32, #tpu.memory_space<hbm>> -> memref<2x128xi32, #tpu.memory_space<hbm>>
          %dma_start3A_81 = arith.constant 0 : i32
          %dma_start3A_82 = arith.constant 0 : i32
          %dma_start3A_83 = tpu.memref_slice %arg4[%arg1, %scan3A_61, %dma_start3A_81, %dma_start3A_82] : memref<16x157x2x128xi32, #tpu.memory_space<hbm>> -> memref<1x1x2x128xi32, #tpu.memory_space<hbm>>
          %dma_start3A_84 = tpu.memref_squeeze %dma_start3A_83 : memref<1x1x2x128xi32, #tpu.memory_space<hbm>> -> memref<2x128xi32, #tpu.memory_space<hbm>>
          tpu.enqueue_dma source(%dma_start3A_84 : memref<2x128xi32, #tpu.memory_space<hbm>>) target(%arg9 : memref<2x128xi32, #tpu.memory_space<vmem>>) target_semaphore(%run_scoped3A_76 : memref<!tpu.dma_semaphore, #tpu.memory_space<semaphore_mem>>)
          %dma_wait3A_85 = arith.constant 0 : i32
          %dma_wait3A_86 = arith.constant 0 : i32
          %dma_wait3A_87 = tpu.memref_slice %arg4[%arg1, %scan3A_61, %dma_wait3A_85, %dma_wait3A_86] : memref<16x157x2x128xi32, #tpu.memory_space<hbm>> -> memref<1x1x2x128xi32, #tpu.memory_space<hbm>>
          %dma_wait3A_88 = tpu.memref_squeeze %dma_wait3A_87 : memref<1x1x2x128xi32, #tpu.memory_space<hbm>> -> memref<2x128xi32, #tpu.memory_space<hbm>>
          %dma_wait3A_89 = arith.constant 0 : i32
          %dma_wait3A_90 = arith.constant 0 : i32
          %dma_wait3A_91 = tpu.memref_slice %arg4[%arg1, %scan3A_61, %dma_wait3A_89, %dma_wait3A_90] : memref<16x157x2x128xi32, #tpu.memory_space<hbm>> -> memref<1x1x2x128xi32, #tpu.memory_space<hbm>>
          %dma_wait3A_92 = tpu.memref_squeeze %dma_wait3A_91 : memref<1x1x2x128xi32, #tpu.memory_space<hbm>> -> memref<2x128xi32, #tpu.memory_space<hbm>>
          tpu.wait_dma2 semaphore(%run_scoped3A_76 : memref<!tpu.dma_semaphore, #tpu.memory_space<semaphore_mem>>) src(%dma_wait3A_92 : memref<2x128xi32, #tpu.memory_space<hbm>>) dst(%arg9 : memref<2x128xi32, #tpu.memory_space<vmem>>)
          tpu.yield
        }) : () -> ()
        %dma_start3A_62 = arith.constant 0 : i32
        %dma_start3A_63 = arith.constant 0 : i32
        %dma_start3A_64 = tpu.memref_slice %arg9[%dma_start3A_62, %dma_start3A_63] : memref<2x128xi32, #tpu.memory_space<vmem>> -> memref<1x128xi32, #tpu.memory_space<vmem>>
        %dma_start3A_65 = tpu.memref_squeeze %dma_start3A_64 : memref<1x128xi32, #tpu.memory_space<vmem>> -> memref<128xi32, #tpu.memory_space<vmem>>
        %dma_start3A_66 = arith.constant 0 : i32
        %dma_start3A_67 = arith.constant 0 : i32
        %dma_start3A_68 = tpu.memref_slice %arg2[%dma_start3A_66, %dma_start3A_67] : memref<10240x128xf32, #tpu.memory_space<hbm>> -> memref<10240x128xf32, #tpu.memory_space<hbm>>
        tpu.enqueue_indirect_dma source(%dma_start3A_68 : memref<10240x128xf32, #tpu.memory_space<hbm>>) target(%arg10 : memref<128x128xf32, #tpu.memory_space<vmem>>) offsets(%dma_start3A_65 : memref<128xi32, #tpu.memory_space<vmem>>) semaphore(%arg12 : memref<!tpu.dma_semaphore, #tpu.memory_space<semaphore_mem>>)
        %dma_wait3A_69 = arith.constant 0 : i32
        %dma_wait3A_70 = arith.constant 0 : i32
        %dma_wait3A_71 = tpu.memref_slice %arg9[%dma_wait3A_69, %dma_wait3A_70] : memref<2x128xi32, #tpu.memory_space<vmem>> -> memref<1x128xi32, #tpu.memory_space<vmem>>
        %dma_wait3A_72 = tpu.memref_squeeze %dma_wait3A_71 : memref<1x128xi32, #tpu.memory_space<vmem>> -> memref<128xi32, #tpu.memory_space<vmem>>
        %dma_wait3A_73 = arith.constant 0 : i32
        %dma_wait3A_74 = arith.constant 0 : i32
        %dma_wait3A_75 = tpu.memref_slice %arg2[%dma_wait3A_73, %dma_wait3A_74] : memref<10240x128xf32, #tpu.memory_space<hbm>> -> memref<10240x128xf32, #tpu.memory_space<hbm>>
        tpu.wait_indirect_dma semaphore(%arg12 : memref<!tpu.dma_semaphore, #tpu.memory_space<semaphore_mem>>) src(%dma_wait3A_75 : memref<10240x128xf32, #tpu.memory_space<hbm>>) dst(%arg10 : memref<128x128xf32, #tpu.memory_space<vmem>>)
        %run_scoped3A = arith.constant 1 : i32
        "tpu.region"() ({
          %run_scoped3A_76 = tpu.sem_alloc : memref<!tpu.dma_semaphore, #tpu.memory_space<semaphore_mem>>
          %dma_start3A_77 = arith.constant 0 : i32
          %dma_start3A_78 = tpu.memref_slice %arg9[%run_scoped3A, %dma_start3A_77] : memref<2x128xi32, #tpu.memory_space<vmem>> -> memref<1x128xi32, #tpu.memory_space<vmem>>
          %dma_start3A_79 = tpu.memref_squeeze %dma_start3A_78 : memref<1x128xi32, #tpu.memory_space<vmem>> -> memref<128xi32, #tpu.memory_space<vmem>>
          %dma_start3A_80 = arith.constant 0 : i32
          %dma_start3A_81 = arith.constant 0 : i32
          %dma_start3A_82 = tpu.memref_slice %arg11[%dma_start3A_80, %dma_start3A_81] : memref<10240x128xf32, #tpu.memory_space<vmem_shared>> -> memref<10240x128xf32, #tpu.memory_space<vmem_shared>>
          tpu.enqueue_indirect_dma source(%arg10 : memref<128x128xf32, #tpu.memory_space<vmem>>) target(%dma_start3A_82 : memref<10240x128xf32, #tpu.memory_space<vmem_shared>>) offsets(%dma_start3A_79 : memref<128xi32, #tpu.memory_space<vmem>>) semaphore(%run_scoped3A_76 : memref<!tpu.dma_semaphore, #tpu.memory_space<semaphore_mem>>) {add = true}
          %dma_wait3A_83 = arith.constant 0 : i32
          %dma_wait3A_84 = tpu.memref_slice %arg9[%run_scoped3A, %dma_wait3A_83] : memref<2x128xi32, #tpu.memory_space<vmem>> -> memref<1x128xi32, #tpu.memory_space<vmem>>
          %dma_wait3A_85 = tpu.memref_squeeze %dma_wait3A_84 : memref<1x128xi32, #tpu.memory_space<vmem>> -> memref<128xi32, #tpu.memory_space<vmem>>
          %dma_wait3A_86 = arith.constant 0 : i32
          %dma_wait3A_87 = arith.constant 0 : i32
          %dma_wait3A_88 = tpu.memref_slice %arg11[%dma_wait3A_86, %dma_wait3A_87] : memref<10240x128xf32, #tpu.memory_space<vmem_shared>> -> memref<10240x128xf32, #tpu.memory_space<vmem_shared>>
          tpu.wait_indirect_dma semaphore(%run_scoped3A_76 : memref<!tpu.dma_semaphore, #tpu.memory_space<semaphore_mem>>) src(%arg10 : memref<128x128xf32, #tpu.memory_space<vmem>>) dst(%dma_wait3A_88 : memref<10240x128xf32, #tpu.memory_space<vmem_shared>>)
          tpu.yield
        }) : () -> ()
      }
      %scan3A_60 = arith.constant 157 : i32
    } else {
    }
    %eq3A_40 = arith.constant 1 : i32
    %eq3A_41 = arith.cmpi eq, %arg0, %eq3A_40 : i32
    %convert_element_type3A_42 = arith.extui %eq3A_41 : i1 to i32
    %cond3A_43 = arith.constant 0 : i32
    %cond3A_44 = arith.cmpi ne, %convert_element_type3A_42, %cond3A_43 : i32
    scf.if %cond3A_44 {
      %scan3A = arith.constant 0 : i32
      %scan3A_56 = arith.constant 0 : i32
      %scan3A_57 = arith.constant 157 : i32
      %scan3A_58 = arith.addi %scan3A_56, %scan3A_57 : i32
      %scan3A_59 = arith.constant 1 : i32
      scf.for %scan3A_61 = %scan3A_56 to %scan3A_58 step %scan3A_59  : i32 {
        "tpu.region"() ({
          %run_scoped3A_76 = tpu.sem_alloc : memref<!tpu.dma_semaphore, #tpu.memory_space<semaphore_mem>>
          %dma_start3A_77 = arith.constant 0 : i32
          %dma_start3A_78 = arith.constant 0 : i32
          %dma_start3A_79 = tpu.memref_slice %arg5[%arg1, %scan3A_61, %dma_start3A_77, %dma_start3A_78] : memref<16x157x2x128xi32, #tpu.memory_space<hbm>> -> memref<1x1x2x128xi32, #tpu.memory_space<hbm>>
          %dma_start3A_80 = tpu.memref_squeeze %dma_start3A_79 : memref<1x1x2x128xi32, #tpu.memory_space<hbm>> -> memref<2x128xi32, #tpu.memory_space<hbm>>
          %dma_start3A_81 = arith.constant 0 : i32
          %dma_start3A_82 = arith.constant 0 : i32
          %dma_start3A_83 = tpu.memref_slice %arg5[%arg1, %scan3A_61, %dma_start3A_81, %dma_start3A_82] : memref<16x157x2x128xi32, #tpu.memory_space<hbm>> -> memref<1x1x2x128xi32, #tpu.memory_space<hbm>>
          %dma_start3A_84 = tpu.memref_squeeze %dma_start3A_83 : memref<1x1x2x128xi32, #tpu.memory_space<hbm>> -> memref<2x128xi32, #tpu.memory_space<hbm>>
          tpu.enqueue_dma source(%dma_start3A_84 : memref<2x128xi32, #tpu.memory_space<hbm>>) target(%arg9 : memref<2x128xi32, #tpu.memory_space<vmem>>) target_semaphore(%run_scoped3A_76 : memref<!tpu.dma_semaphore, #tpu.memory_space<semaphore_mem>>)
          %dma_wait3A_85 = arith.constant 0 : i32
          %dma_wait3A_86 = arith.constant 0 : i32
          %dma_wait3A_87 = tpu.memref_slice %arg5[%arg1, %scan3A_61, %dma_wait3A_85, %dma_wait3A_86] : memref<16x157x2x128xi32, #tpu.memory_space<hbm>> -> memref<1x1x2x128xi32, #tpu.memory_space<hbm>>
          %dma_wait3A_88 = tpu.memref_squeeze %dma_wait3A_87 : memref<1x1x2x128xi32, #tpu.memory_space<hbm>> -> memref<2x128xi32, #tpu.memory_space<hbm>>
          %dma_wait3A_89 = arith.constant 0 : i32
          %dma_wait3A_90 = arith.constant 0 : i32
          %dma_wait3A_91 = tpu.memref_slice %arg5[%arg1, %scan3A_61, %dma_wait3A_89, %dma_wait3A_90] : memref<16x157x2x128xi32, #tpu.memory_space<hbm>> -> memref<1x1x2x128xi32, #tpu.memory_space<hbm>>
          %dma_wait3A_92 = tpu.memref_squeeze %dma_wait3A_91 : memref<1x1x2x128xi32, #tpu.memory_space<hbm>> -> memref<2x128xi32, #tpu.memory_space<hbm>>
          tpu.wait_dma2 semaphore(%run_scoped3A_76 : memref<!tpu.dma_semaphore, #tpu.memory_space<semaphore_mem>>) src(%dma_wait3A_92 : memref<2x128xi32, #tpu.memory_space<hbm>>) dst(%arg9 : memref<2x128xi32, #tpu.memory_space<vmem>>)
          tpu.yield
        }) : () -> ()
        %dma_start3A_62 = arith.constant 0 : i32
        %dma_start3A_63 = arith.constant 0 : i32
        %dma_start3A_64 = tpu.memref_slice %arg9[%dma_start3A_62, %dma_start3A_63] : memref<2x128xi32, #tpu.memory_space<vmem>> -> memref<1x128xi32, #tpu.memory_space<vmem>>
        %dma_start3A_65 = tpu.memref_squeeze %dma_start3A_64 : memref<1x128xi32, #tpu.memory_space<vmem>> -> memref<128xi32, #tpu.memory_space<vmem>>
        %dma_start3A_66 = arith.constant 0 : i32
        %dma_start3A_67 = arith.constant 0 : i32
        %dma_start3A_68 = tpu.memref_slice %arg3[%dma_start3A_66, %dma_start3A_67] : memref<10240x128xf32, #tpu.memory_space<hbm>> -> memref<10240x128xf32, #tpu.memory_space<hbm>>
        tpu.enqueue_indirect_dma source(%dma_start3A_68 : memref<10240x128xf32, #tpu.memory_space<hbm>>) target(%arg10 : memref<128x128xf32, #tpu.memory_space<vmem>>) offsets(%dma_start3A_65 : memref<128xi32, #tpu.memory_space<vmem>>) semaphore(%arg12 : memref<!tpu.dma_semaphore, #tpu.memory_space<semaphore_mem>>)
        %dma_wait3A_69 = arith.constant 0 : i32
        %dma_wait3A_70 = arith.constant 0 : i32
        %dma_wait3A_71 = tpu.memref_slice %arg9[%dma_wait3A_69, %dma_wait3A_70] : memref<2x128xi32, #tpu.memory_space<vmem>> -> memref<1x128xi32, #tpu.memory_space<vmem>>
        %dma_wait3A_72 = tpu.memref_squeeze %dma_wait3A_71 : memref<1x128xi32, #tpu.memory_space<vmem>> -> memref<128xi32, #tpu.memory_space<vmem>>
        %dma_wait3A_73 = arith.constant 0 : i32
        %dma_wait3A_74 = arith.constant 0 : i32
        %dma_wait3A_75 = tpu.memref_slice %arg3[%dma_wait3A_73, %dma_wait3A_74] : memref<10240x128xf32, #tpu.memory_space<hbm>> -> memref<10240x128xf32, #tpu.memory_space<hbm>>
        tpu.wait_indirect_dma semaphore(%arg12 : memref<!tpu.dma_semaphore, #tpu.memory_space<semaphore_mem>>) src(%dma_wait3A_75 : memref<10240x128xf32, #tpu.memory_space<hbm>>) dst(%arg10 : memref<128x128xf32, #tpu.memory_space<vmem>>)
        %run_scoped3A = arith.constant 1 : i32
        "tpu.region"() ({
          %run_scoped3A_76 = tpu.sem_alloc : memref<!tpu.dma_semaphore, #tpu.memory_space<semaphore_mem>>
          %dma_start3A_77 = arith.constant 0 : i32
          %dma_start3A_78 = tpu.memref_slice %arg9[%run_scoped3A, %dma_start3A_77] : memref<2x128xi32, #tpu.memory_space<vmem>> -> memref<1x128xi32, #tpu.memory_space<vmem>>
          %dma_start3A_79 = tpu.memref_squeeze %dma_start3A_78 : memref<1x128xi32, #tpu.memory_space<vmem>> -> memref<128xi32, #tpu.memory_space<vmem>>
          %dma_start3A_80 = arith.constant 0 : i32
          %dma_start3A_81 = arith.constant 0 : i32
          %dma_start3A_82 = tpu.memref_slice %arg11[%dma_start3A_80, %dma_start3A_81] : memref<10240x128xf32, #tpu.memory_space<vmem_shared>> -> memref<10240x128xf32, #tpu.memory_space<vmem_shared>>
          tpu.enqueue_indirect_dma source(%arg10 : memref<128x128xf32, #tpu.memory_space<vmem>>) target(%dma_start3A_82 : memref<10240x128xf32, #tpu.memory_space<vmem_shared>>) offsets(%dma_start3A_79 : memref<128xi32, #tpu.memory_space<vmem>>) semaphore(%run_scoped3A_76 : memref<!tpu.dma_semaphore, #tpu.memory_space<semaphore_mem>>) {add = true}
          %dma_wait3A_83 = arith.constant 0 : i32
          %dma_wait3A_84 = tpu.memref_slice %arg9[%run_scoped3A, %dma_wait3A_83] : memref<2x128xi32, #tpu.memory_space<vmem>> -> memref<1x128xi32, #tpu.memory_space<vmem>>
          %dma_wait3A_85 = tpu.memref_squeeze %dma_wait3A_84 : memref<1x128xi32, #tpu.memory_space<vmem>> -> memref<128xi32, #tpu.memory_space<vmem>>
          %dma_wait3A_86 = arith.constant 0 : i32
          %dma_wait3A_87 = arith.constant 0 : i32
          %dma_wait3A_88 = tpu.memref_slice %arg11[%dma_wait3A_86, %dma_wait3A_87] : memref<10240x128xf32, #tpu.memory_space<vmem_shared>> -> memref<10240x128xf32, #tpu.memory_space<vmem_shared>>
          tpu.wait_indirect_dma semaphore(%run_scoped3A_76 : memref<!tpu.dma_semaphore, #tpu.memory_space<semaphore_mem>>) src(%arg10 : memref<128x128xf32, #tpu.memory_space<vmem>>) dst(%dma_wait3A_88 : memref<10240x128xf32, #tpu.memory_space<vmem_shared>>)
          tpu.yield
        }) : () -> ()
      }
      %scan3A_60 = arith.constant 157 : i32
    } else {
    }
    %barrier3A_45 = arith.constant 0 : index
    tpu.barrier barrier_id(%barrier3A_45)
    %eq3A_46 = arith.constant 0 : i32
    %eq3A_47 = arith.cmpi eq, %arg0, %eq3A_46 : i32
    %convert_element_type3A_48 = arith.extui %eq3A_47 : i1 to i32
    %cond3A_49 = arith.constant 0 : i32
    %cond3A_50 = arith.cmpi ne, %convert_element_type3A_48, %cond3A_49 : i32
    scf.if %cond3A_50 {
      %add3A_56 = arith.constant 0 : i32
      %add3A_57 = arith.addi %mul3A_0, %add3A_56 : i32
      %dma_start3A_58 = arith.constant 0 : i32
      %dma_start3A_59 = tpu.memref_slice %arg7[%add3A_57, %dma_start3A_58] : memref<10240x128xf32, #tpu.memory_space<hbm>> -> memref<128x128xf32, #tpu.memory_space<hbm>>
      %dma_start3A_60 = arith.constant 0 : i32
      %dma_start3A_61 = tpu.memref_slice %arg11[%add3A_57, %dma_start3A_60] : memref<10240x128xf32, #tpu.memory_space<vmem_shared>> -> memref<128x128xf32, #tpu.memory_space<vmem_shared>>
      tpu.enqueue_dma source(%dma_start3A_61 : memref<128x128xf32, #tpu.memory_space<vmem_shared>>) target(%dma_start3A_59 : memref<128x128xf32, #tpu.memory_space<hbm>>) target_semaphore(%arg12 : memref<!tpu.dma_semaphore, #tpu.memory_space<semaphore_mem>>)
      %add3A_62 = arith.constant 128 : i32
      %add3A_63 = arith.addi %mul3A_0, %add3A_62 : i32
      %dma_start3A_64 = arith.constant 0 : i32
      %dma_start3A_65 = tpu.memref_slice %arg7[%add3A_63, %dma_start3A_64] : memref<10240x128xf32, #tpu.memory_space<hbm>> -> memref<128x128xf32, #tpu.memory_space<hbm>>
      %dma_start3A_66 = arith.constant 0 : i32
      %dma_start3A_67 = tpu.memref_slice %arg11[%add3A_63, %dma_start3A_66] : memref<10240x128xf32, #tpu.memory_space<vmem_shared>> -> memref<128x128xf32, #tpu.memory_space<vmem_shared>>
      tpu.enqueue_dma source(%dma_start3A_67 : memref<128x128xf32, #tpu.memory_space<vmem_shared>>) target(%dma_start3A_65 : memref<128x128xf32, #tpu.memory_space<hbm>>) target_semaphore(%arg12 : memref<!tpu.dma_semaphore, #tpu.memory_space<semaphore_mem>>)
      %add3A_68 = arith.constant 256 : i32
      %add3A_69 = arith.addi %mul3A_0, %add3A_68 : i32
      %dma_start3A_70 = arith.constant 0 : i32
      %dma_start3A_71 = tpu.memref_slice %arg7[%add3A_69, %dma_start3A_70] : memref<10240x128xf32, #tpu.memory_space<hbm>> -> memref<128x128xf32, #tpu.memory_space<hbm>>
      %dma_start3A_72 = arith.constant 0 : i32
      %dma_start3A_73 = tpu.memref_slice %arg11[%add3A_69, %dma_start3A_72] : memref<10240x128xf32, #tpu.memory_space<vmem_shared>> -> memref<128x128xf32, #tpu.memory_space<vmem_shared>>
      tpu.enqueue_dma source(%dma_start3A_73 : memref<128x128xf32, #tpu.memory_space<vmem_shared>>) target(%dma_start3A_71 : memref<128x128xf32, #tpu.memory_space<hbm>>) target_semaphore(%arg12 : memref<!tpu.dma_semaphore, #tpu.memory_space<semaphore_mem>>)
      %add3A_74 = arith.constant 384 : i32
      %add3A_75 = arith.addi %mul3A_0, %add3A_74 : i32
      %dma_start3A_76 = arith.constant 0 : i32
      %dma_start3A_77 = tpu.memref_slice %arg7[%add3A_75, %dma_start3A_76] : memref<10240x128xf32, #tpu.memory_space<hbm>> -> memref<128x128xf32, #tpu.memory_space<hbm>>
      %dma_start3A_78 = arith.constant 0 : i32
      %dma_start3A_79 = tpu.memref_slice %arg11[%add3A_75, %dma_start3A_78] : memref<10240x128xf32, #tpu.memory_space<vmem_shared>> -> memref<128x128xf32, #tpu.memory_space<vmem_shared>>
      tpu.enqueue_dma source(%dma_start3A_79 : memref<128x128xf32, #tpu.memory_space<vmem_shared>>) target(%dma_start3A_77 : memref<128x128xf32, #tpu.memory_space<hbm>>) target_semaphore(%arg12 : memref<!tpu.dma_semaphore, #tpu.memory_space<semaphore_mem>>)
      %add3A_80 = arith.constant 512 : i32
      %add3A_81 = arith.addi %mul3A_0, %add3A_80 : i32
      %dma_start3A_82 = arith.constant 0 : i32
      %dma_start3A_83 = tpu.memref_slice %arg7[%add3A_81, %dma_start3A_82] : memref<10240x128xf32, #tpu.memory_space<hbm>> -> memref<128x128xf32, #tpu.memory_space<hbm>>
      %dma_start3A_84 = arith.constant 0 : i32
      %dma_start3A_85 = tpu.memref_slice %arg11[%add3A_81, %dma_start3A_84] : memref<10240x128xf32, #tpu.memory_space<vmem_shared>> -> memref<128x128xf32, #tpu.memory_space<vmem_shared>>
      tpu.enqueue_dma source(%dma_start3A_85 : memref<128x128xf32, #tpu.memory_space<vmem_shared>>) target(%dma_start3A_83 : memref<128x128xf32, #tpu.memory_space<hbm>>) target_semaphore(%arg12 : memref<!tpu.dma_semaphore, #tpu.memory_space<semaphore_mem>>)
      %add3A_86 = arith.constant 0 : i32
      %add3A_87 = arith.addi %mul3A_0, %add3A_86 : i32
      %dma_wait3A_88 = arith.constant 0 : i32
      %dma_wait3A_89 = tpu.memref_slice %arg7[%add3A_87, %dma_wait3A_88] : memref<10240x128xf32, #tpu.memory_space<hbm>> -> memref<128x128xf32, #tpu.memory_space<hbm>>
      %dma_wait3A_90 = arith.constant 0 : i32
      %dma_wait3A_91 = tpu.memref_slice %arg11[%add3A_87, %dma_wait3A_90] : memref<10240x128xf32, #tpu.memory_space<vmem_shared>> -> memref<128x128xf32, #tpu.memory_space<vmem_shared>>
      tpu.wait_dma2 semaphore(%arg12 : memref<!tpu.dma_semaphore, #tpu.memory_space<semaphore_mem>>) src(%dma_wait3A_91 : memref<128x128xf32, #tpu.memory_space<vmem_shared>>) dst(%dma_wait3A_89 : memref<128x128xf32, #tpu.memory_space<hbm>>)
      %add3A_92 = arith.constant 128 : i32
      %add3A_93 = arith.addi %mul3A_0, %add3A_92 : i32
      %dma_wait3A_94 = arith.constant 0 : i32
      %dma_wait3A_95 = tpu.memref_slice %arg7[%add3A_93, %dma_wait3A_94] : memref<10240x128xf32, #tpu.memory_space<hbm>> -> memref<128x128xf32, #tpu.memory_space<hbm>>
      %dma_wait3A_96 = arith.constant 0 : i32
      %dma_wait3A_97 = tpu.memref_slice %arg11[%add3A_93, %dma_wait3A_96] : memref<10240x128xf32, #tpu.memory_space<vmem_shared>> -> memref<128x128xf32, #tpu.memory_space<vmem_shared>>
      tpu.wait_dma2 semaphore(%arg12 : memref<!tpu.dma_semaphore, #tpu.memory_space<semaphore_mem>>) src(%dma_wait3A_97 : memref<128x128xf32, #tpu.memory_space<vmem_shared>>) dst(%dma_wait3A_95 : memref<128x128xf32, #tpu.memory_space<hbm>>)
      %add3A_98 = arith.constant 256 : i32
      %add3A_99 = arith.addi %mul3A_0, %add3A_98 : i32
      %dma_wait3A_100 = arith.constant 0 : i32
      %dma_wait3A_101 = tpu.memref_slice %arg7[%add3A_99, %dma_wait3A_100] : memref<10240x128xf32, #tpu.memory_space<hbm>> -> memref<128x128xf32, #tpu.memory_space<hbm>>
      %dma_wait3A_102 = arith.constant 0 : i32
      %dma_wait3A_103 = tpu.memref_slice %arg11[%add3A_99, %dma_wait3A_102] : memref<10240x128xf32, #tpu.memory_space<vmem_shared>> -> memref<128x128xf32, #tpu.memory_space<vmem_shared>>
      tpu.wait_dma2 semaphore(%arg12 : memref<!tpu.dma_semaphore, #tpu.memory_space<semaphore_mem>>) src(%dma_wait3A_103 : memref<128x128xf32, #tpu.memory_space<vmem_shared>>) dst(%dma_wait3A_101 : memref<128x128xf32, #tpu.memory_space<hbm>>)
      %add3A_104 = arith.constant 384 : i32
      %add3A_105 = arith.addi %mul3A_0, %add3A_104 : i32
      %dma_wait3A_106 = arith.constant 0 : i32
      %dma_wait3A_107 = tpu.memref_slice %arg7[%add3A_105, %dma_wait3A_106] : memref<10240x128xf32, #tpu.memory_space<hbm>> -> memref<128x128xf32, #tpu.memory_space<hbm>>
      %dma_wait3A_108 = arith.constant 0 : i32
      %dma_wait3A_109 = tpu.memref_slice %arg11[%add3A_105, %dma_wait3A_108] : memref<10240x128xf32, #tpu.memory_space<vmem_shared>> -> memref<128x128xf32, #tpu.memory_space<vmem_shared>>
      tpu.wait_dma2 semaphore(%arg12 : memref<!tpu.dma_semaphore, #tpu.memory_space<semaphore_mem>>) src(%dma_wait3A_109 : memref<128x128xf32, #tpu.memory_space<vmem_shared>>) dst(%dma_wait3A_107 : memref<128x128xf32, #tpu.memory_space<hbm>>)
      %add3A_110 = arith.constant 512 : i32
      %add3A_111 = arith.addi %mul3A_0, %add3A_110 : i32
      %dma_wait3A_112 = arith.constant 0 : i32
      %dma_wait3A_113 = tpu.memref_slice %arg7[%add3A_111, %dma_wait3A_112] : memref<10240x128xf32, #tpu.memory_space<hbm>> -> memref<128x128xf32, #tpu.memory_space<hbm>>
      %dma_wait3A_114 = arith.constant 0 : i32
      %dma_wait3A_115 = tpu.memref_slice %arg11[%add3A_111, %dma_wait3A_114] : memref<10240x128xf32, #tpu.memory_space<vmem_shared>> -> memref<128x128xf32, #tpu.memory_space<vmem_shared>>
      tpu.wait_dma2 semaphore(%arg12 : memref<!tpu.dma_semaphore, #tpu.memory_space<semaphore_mem>>) src(%dma_wait3A_115 : memref<128x128xf32, #tpu.memory_space<vmem_shared>>) dst(%dma_wait3A_113 : memref<128x128xf32, #tpu.memory_space<hbm>>)
    } else {
    }
    %eq3A_51 = arith.constant 1 : i32
    %eq3A_52 = arith.cmpi eq, %arg0, %eq3A_51 : i32
    %convert_element_type3A_53 = arith.extui %eq3A_52 : i1 to i32
    %cond3A_54 = arith.constant 0 : i32
    %cond3A_55 = arith.cmpi ne, %convert_element_type3A_53, %cond3A_54 : i32
    scf.if %cond3A_55 {
      %add3A_56 = arith.constant 0 : i32
      %add3A_57 = arith.addi %mul3A_0, %add3A_56 : i32
      %dma_start3A_58 = arith.constant 0 : i32
      %dma_start3A_59 = tpu.memref_slice %arg8[%add3A_57, %dma_start3A_58] : memref<10240x128xf32, #tpu.memory_space<hbm>> -> memref<128x128xf32, #tpu.memory_space<hbm>>
      %dma_start3A_60 = arith.constant 0 : i32
      %dma_start3A_61 = tpu.memref_slice %arg11[%add3A_57, %dma_start3A_60] : memref<10240x128xf32, #tpu.memory_space<vmem_shared>> -> memref<128x128xf32, #tpu.memory_space<vmem_shared>>
      tpu.enqueue_dma source(%dma_start3A_61 : memref<128x128xf32, #tpu.memory_space<vmem_shared>>) target(%dma_start3A_59 : memref<128x128xf32, #tpu.memory_space<hbm>>) target_semaphore(%arg12 : memref<!tpu.dma_semaphore, #tpu.memory_space<semaphore_mem>>)
      %add3A_62 = arith.constant 128 : i32
      %add3A_63 = arith.addi %mul3A_0, %add3A_62 : i32
      %dma_start3A_64 = arith.constant 0 : i32
      %dma_start3A_65 = tpu.memref_slice %arg8[%add3A_63, %dma_start3A_64] : memref<10240x128xf32, #tpu.memory_space<hbm>> -> memref<128x128xf32, #tpu.memory_space<hbm>>
      %dma_start3A_66 = arith.constant 0 : i32
      %dma_start3A_67 = tpu.memref_slice %arg11[%add3A_63, %dma_start3A_66] : memref<10240x128xf32, #tpu.memory_space<vmem_shared>> -> memref<128x128xf32, #tpu.memory_space<vmem_shared>>
      tpu.enqueue_dma source(%dma_start3A_67 : memref<128x128xf32, #tpu.memory_space<vmem_shared>>) target(%dma_start3A_65 : memref<128x128xf32, #tpu.memory_space<hbm>>) target_semaphore(%arg12 : memref<!tpu.dma_semaphore, #tpu.memory_space<semaphore_mem>>)
      %add3A_68 = arith.constant 256 : i32
      %add3A_69 = arith.addi %mul3A_0, %add3A_68 : i32
      %dma_start3A_70 = arith.constant 0 : i32
      %dma_start3A_71 = tpu.memref_slice %arg8[%add3A_69, %dma_start3A_70] : memref<10240x128xf32, #tpu.memory_space<hbm>> -> memref<128x128xf32, #tpu.memory_space<hbm>>
      %dma_start3A_72 = arith.constant 0 : i32
      %dma_start3A_73 = tpu.memref_slice %arg11[%add3A_69, %dma_start3A_72] : memref<10240x128xf32, #tpu.memory_space<vmem_shared>> -> memref<128x128xf32, #tpu.memory_space<vmem_shared>>
      tpu.enqueue_dma source(%dma_start3A_73 : memref<128x128xf32, #tpu.memory_space<vmem_shared>>) target(%dma_start3A_71 : memref<128x128xf32, #tpu.memory_space<hbm>>) target_semaphore(%arg12 : memref<!tpu.dma_semaphore, #tpu.memory_space<semaphore_mem>>)
      %add3A_74 = arith.constant 384 : i32
      %add3A_75 = arith.addi %mul3A_0, %add3A_74 : i32
      %dma_start3A_76 = arith.constant 0 : i32
      %dma_start3A_77 = tpu.memref_slice %arg8[%add3A_75, %dma_start3A_76] : memref<10240x128xf32, #tpu.memory_space<hbm>> -> memref<128x128xf32, #tpu.memory_space<hbm>>
      %dma_start3A_78 = arith.constant 0 : i32
      %dma_start3A_79 = tpu.memref_slice %arg11[%add3A_75, %dma_start3A_78] : memref<10240x128xf32, #tpu.memory_space<vmem_shared>> -> memref<128x128xf32, #tpu.memory_space<vmem_shared>>
      tpu.enqueue_dma source(%dma_start3A_79 : memref<128x128xf32, #tpu.memory_space<vmem_shared>>) target(%dma_start3A_77 : memref<128x128xf32, #tpu.memory_space<hbm>>) target_semaphore(%arg12 : memref<!tpu.dma_semaphore, #tpu.memory_space<semaphore_mem>>)
      %add3A_80 = arith.constant 512 : i32
      %add3A_81 = arith.addi %mul3A_0, %add3A_80 : i32
      %dma_start3A_82 = arith.constant 0 : i32
      %dma_start3A_83 = tpu.memref_slice %arg8[%add3A_81, %dma_start3A_82] : memref<10240x128xf32, #tpu.memory_space<hbm>> -> memref<128x128xf32, #tpu.memory_space<hbm>>
      %dma_start3A_84 = arith.constant 0 : i32
      %dma_start3A_85 = tpu.memref_slice %arg11[%add3A_81, %dma_start3A_84] : memref<10240x128xf32, #tpu.memory_space<vmem_shared>> -> memref<128x128xf32, #tpu.memory_space<vmem_shared>>
      tpu.enqueue_dma source(%dma_start3A_85 : memref<128x128xf32, #tpu.memory_space<vmem_shared>>) target(%dma_start3A_83 : memref<128x128xf32, #tpu.memory_space<hbm>>) target_semaphore(%arg12 : memref<!tpu.dma_semaphore, #tpu.memory_space<semaphore_mem>>)
      %add3A_86 = arith.constant 0 : i32
      %add3A_87 = arith.addi %mul3A_0, %add3A_86 : i32
      %dma_wait3A_88 = arith.constant 0 : i32
      %dma_wait3A_89 = tpu.memref_slice %arg8[%add3A_87, %dma_wait3A_88] : memref<10240x128xf32, #tpu.memory_space<hbm>> -> memref<128x128xf32, #tpu.memory_space<hbm>>
      %dma_wait3A_90 = arith.constant 0 : i32
      %dma_wait3A_91 = tpu.memref_slice %arg11[%add3A_87, %dma_wait3A_90] : memref<10240x128xf32, #tpu.memory_space<vmem_shared>> -> memref<128x128xf32, #tpu.memory_space<vmem_shared>>
      tpu.wait_dma2 semaphore(%arg12 : memref<!tpu.dma_semaphore, #tpu.memory_space<semaphore_mem>>) src(%dma_wait3A_91 : memref<128x128xf32, #tpu.memory_space<vmem_shared>>) dst(%dma_wait3A_89 : memref<128x128xf32, #tpu.memory_space<hbm>>)
      %add3A_92 = arith.constant 128 : i32
      %add3A_93 = arith.addi %mul3A_0, %add3A_92 : i32
      %dma_wait3A_94 = arith.constant 0 : i32
      %dma_wait3A_95 = tpu.memref_slice %arg8[%add3A_93, %dma_wait3A_94] : memref<10240x128xf32, #tpu.memory_space<hbm>> -> memref<128x128xf32, #tpu.memory_space<hbm>>
      %dma_wait3A_96 = arith.constant 0 : i32
      %dma_wait3A_97 = tpu.memref_slice %arg11[%add3A_93, %dma_wait3A_96] : memref<10240x128xf32, #tpu.memory_space<vmem_shared>> -> memref<128x128xf32, #tpu.memory_space<vmem_shared>>
      tpu.wait_dma2 semaphore(%arg12 : memref<!tpu.dma_semaphore, #tpu.memory_space<semaphore_mem>>) src(%dma_wait3A_97 : memref<128x128xf32, #tpu.memory_space<vmem_shared>>) dst(%dma_wait3A_95 : memref<128x128xf32, #tpu.memory_space<hbm>>)
      %add3A_98 = arith.constant 256 : i32
      %add3A_99 = arith.addi %mul3A_0, %add3A_98 : i32
      %dma_wait3A_100 = arith.constant 0 : i32
      %dma_wait3A_101 = tpu.memref_slice %arg8[%add3A_99, %dma_wait3A_100] : memref<10240x128xf32, #tpu.memory_space<hbm>> -> memref<128x128xf32, #tpu.memory_space<hbm>>
      %dma_wait3A_102 = arith.constant 0 : i32
      %dma_wait3A_103 = tpu.memref_slice %arg11[%add3A_99, %dma_wait3A_102] : memref<10240x128xf32, #tpu.memory_space<vmem_shared>> -> memref<128x128xf32, #tpu.memory_space<vmem_shared>>
      tpu.wait_dma2 semaphore(%arg12 : memref<!tpu.dma_semaphore, #tpu.memory_space<semaphore_mem>>) src(%dma_wait3A_103 : memref<128x128xf32, #tpu.memory_space<vmem_shared>>) dst(%dma_wait3A_101 : memref<128x128xf32, #tpu.memory_space<hbm>>)
      %add3A_104 = arith.constant 384 : i32
      %add3A_105 = arith.addi %mul3A_0, %add3A_104 : i32
      %dma_wait3A_106 = arith.constant 0 : i32
      %dma_wait3A_107 = tpu.memref_slice %arg8[%add3A_105, %dma_wait3A_106] : memref<10240x128xf32, #tpu.memory_space<hbm>> -> memref<128x128xf32, #tpu.memory_space<hbm>>
      %dma_wait3A_108 = arith.constant 0 : i32
      %dma_wait3A_109 = tpu.memref_slice %arg11[%add3A_105, %dma_wait3A_108] : memref<10240x128xf32, #tpu.memory_space<vmem_shared>> -> memref<128x128xf32, #tpu.memory_space<vmem_shared>>
      tpu.wait_dma2 semaphore(%arg12 : memref<!tpu.dma_semaphore, #tpu.memory_space<semaphore_mem>>) src(%dma_wait3A_109 : memref<128x128xf32, #tpu.memory_space<vmem_shared>>) dst(%dma_wait3A_107 : memref<128x128xf32, #tpu.memory_space<hbm>>)
      %add3A_110 = arith.constant 512 : i32
      %add3A_111 = arith.addi %mul3A_0, %add3A_110 : i32
      %dma_wait3A_112 = arith.constant 0 : i32
      %dma_wait3A_113 = tpu.memref_slice %arg8[%add3A_111, %dma_wait3A_112] : memref<10240x128xf32, #tpu.memory_space<hbm>> -> memref<128x128xf32, #tpu.memory_space<hbm>>
      %dma_wait3A_114 = arith.constant 0 : i32
      %dma_wait3A_115 = tpu.memref_slice %arg11[%add3A_111, %dma_wait3A_114] : memref<10240x128xf32, #tpu.memory_space<vmem_shared>> -> memref<128x128xf32, #tpu.memory_space<vmem_shared>>
      tpu.wait_dma2 semaphore(%arg12 : memref<!tpu.dma_semaphore, #tpu.memory_space<semaphore_mem>>) src(%dma_wait3A_115 : memref<128x128xf32, #tpu.memory_space<vmem_shared>>) dst(%dma_wait3A_113 : memref<128x128xf32, #tpu.memory_space<hbm>>)
    } else {
    }
    return
  }
}

#map = affine_map<(d0, d1) -> (0, 0, 0)>
#map1 = affine_map<(d0, d1) -> (0)>
#map2 = affine_map<(d0, d1) -> (0, 0)>
module attributes {stable_mosaic.version = 14 : i64} {
  func.func @_hist_body(%arg0: i32, %arg1: i32, %arg2: memref<16x157x128xi32, #tpu.memory_space<hbm>>, %arg3: memref<16x157x128xi32, #tpu.memory_space<hbm>>, %arg4: memref<128xi32, #tpu.memory_space<hbm>>, %arg5: memref<128x128xf32, #tpu.memory_space<hbm>>, %arg6: memref<128x128xf32, #tpu.memory_space<hbm>>, %arg7: memref<128x128xf32, #tpu.memory_space<hbm>>, %arg8: memref<157x128xi32, #tpu.memory_space<vmem>>, %arg9: memref<128xi32, #tpu.memory_space<vmem>>, %arg10: memref<128x128xf32, #tpu.memory_space<vmem>>, %arg11: memref<128x128xf32, #tpu.memory_space<vmem_shared>>, %arg12: memref<!tpu.dma_semaphore, #tpu.memory_space<semaphore_mem>>) attributes {dimension_semantics = [#tpu.dimension_semantics<core_parallel>, #tpu.dimension_semantics<subcore_parallel>], iteration_bounds = array<i64: 2, 16>, scalar_prefetch = 0 : i64, scratch_operands = 5 : i64, tpu.core_type = #tpu.core_type<sc_vector_subcore>, window_params = [{transform_indices = #map}, {transform_indices = #map}, {transform_indices = #map1}, {transform_indices = #map2}, {transform_indices = #map2}, {transform_indices = #map2}]} {
    "tpu.region"() ({
      %run_scoped3A = tpu.sem_alloc : memref<!tpu.dma_semaphore, #tpu.memory_space<semaphore_mem>>
      tpu.enqueue_dma source(%arg5 : memref<128x128xf32, #tpu.memory_space<hbm>>) target(%arg10 : memref<128x128xf32, #tpu.memory_space<vmem>>) target_semaphore(%run_scoped3A : memref<!tpu.dma_semaphore, #tpu.memory_space<semaphore_mem>>)
      tpu.wait_dma2 semaphore(%run_scoped3A : memref<!tpu.dma_semaphore, #tpu.memory_space<semaphore_mem>>) src(%arg5 : memref<128x128xf32, #tpu.memory_space<hbm>>) dst(%arg10 : memref<128x128xf32, #tpu.memory_space<vmem>>)
      tpu.yield
    }) : () -> ()
    "tpu.region"() ({
      %run_scoped3A = tpu.sem_alloc : memref<!tpu.dma_semaphore, #tpu.memory_space<semaphore_mem>>
      tpu.enqueue_dma source(%arg4 : memref<128xi32, #tpu.memory_space<hbm>>) target(%arg9 : memref<128xi32, #tpu.memory_space<vmem>>) target_semaphore(%run_scoped3A : memref<!tpu.dma_semaphore, #tpu.memory_space<semaphore_mem>>)
      tpu.wait_dma2 semaphore(%run_scoped3A : memref<!tpu.dma_semaphore, #tpu.memory_space<semaphore_mem>>) src(%arg4 : memref<128xi32, #tpu.memory_space<hbm>>) dst(%arg9 : memref<128xi32, #tpu.memory_space<vmem>>)
      tpu.yield
    }) : () -> ()
    %mul3A = arith.constant 8 : i32
    %mul3A_0 = arith.muli %arg1, %mul3A : i32
    "tpu.region"() ({
      %run_scoped3A = tpu.sem_alloc : memref<!tpu.dma_semaphore, #tpu.memory_space<semaphore_mem>>
      %dma_start3A = arith.constant 0 : i32
      %dma_start3A_20 = tpu.memref_slice %arg11[%mul3A_0, %dma_start3A] : memref<128x128xf32, #tpu.memory_space<vmem_shared>> -> memref<8x128xf32, #tpu.memory_space<vmem_shared>>
      %dma_start3A_21 = arith.constant 0 : i32
      %dma_start3A_22 = arith.constant 0 : i32
      %dma_start3A_23 = tpu.memref_slice %arg5[%dma_start3A_21, %dma_start3A_22] : memref<128x128xf32, #tpu.memory_space<hbm>> -> memref<8x128xf32, #tpu.memory_space<hbm>>
      tpu.enqueue_dma source(%dma_start3A_23 : memref<8x128xf32, #tpu.memory_space<hbm>>) target(%dma_start3A_20 : memref<8x128xf32, #tpu.memory_space<vmem_shared>>) target_semaphore(%run_scoped3A : memref<!tpu.dma_semaphore, #tpu.memory_space<semaphore_mem>>)
      %dma_wait3A = arith.constant 0 : i32
      %dma_wait3A_24 = tpu.memref_slice %arg11[%mul3A_0, %dma_wait3A] : memref<128x128xf32, #tpu.memory_space<vmem_shared>> -> memref<8x128xf32, #tpu.memory_space<vmem_shared>>
      %dma_wait3A_25 = arith.constant 0 : i32
      %dma_wait3A_26 = arith.constant 0 : i32
      %dma_wait3A_27 = tpu.memref_slice %arg5[%dma_wait3A_25, %dma_wait3A_26] : memref<128x128xf32, #tpu.memory_space<hbm>> -> memref<8x128xf32, #tpu.memory_space<hbm>>
      tpu.wait_dma2 semaphore(%run_scoped3A : memref<!tpu.dma_semaphore, #tpu.memory_space<semaphore_mem>>) src(%dma_wait3A_27 : memref<8x128xf32, #tpu.memory_space<hbm>>) dst(%dma_wait3A_24 : memref<8x128xf32, #tpu.memory_space<vmem_shared>>)
      tpu.yield
    }) : () -> ()
    %barrier3A = arith.constant 0 : index
    tpu.barrier barrier_id(%barrier3A)
    %eq3A = arith.constant 0 : i32
    %eq3A_1 = arith.cmpi eq, %arg0, %eq3A : i32
    %convert_element_type3A = arith.extui %eq3A_1 : i1 to i32
    %cond3A = arith.constant 0 : i32
    %cond3A_2 = arith.cmpi ne, %convert_element_type3A, %cond3A : i32
    scf.if %cond3A_2 {
      "tpu.region"() ({
        %run_scoped3A = tpu.sem_alloc : memref<!tpu.dma_semaphore, #tpu.memory_space<semaphore_mem>>
        %dma_start3A = arith.constant 0 : i32
        %dma_start3A_25 = arith.constant 0 : i32
        %dma_start3A_26 = tpu.memref_slice %arg2[%arg1, %dma_start3A, %dma_start3A_25] : memref<16x157x128xi32, #tpu.memory_space<hbm>> -> memref<1x157x128xi32, #tpu.memory_space<hbm>>
        %dma_start3A_27 = tpu.memref_squeeze %dma_start3A_26 : memref<1x157x128xi32, #tpu.memory_space<hbm>> -> memref<157x128xi32, #tpu.memory_space<hbm>>
        %dma_start3A_28 = arith.constant 0 : i32
        %dma_start3A_29 = arith.constant 0 : i32
        %dma_start3A_30 = tpu.memref_slice %arg2[%arg1, %dma_start3A_28, %dma_start3A_29] : memref<16x157x128xi32, #tpu.memory_space<hbm>> -> memref<1x157x128xi32, #tpu.memory_space<hbm>>
        %dma_start3A_31 = tpu.memref_squeeze %dma_start3A_30 : memref<1x157x128xi32, #tpu.memory_space<hbm>> -> memref<157x128xi32, #tpu.memory_space<hbm>>
        tpu.enqueue_dma source(%dma_start3A_31 : memref<157x128xi32, #tpu.memory_space<hbm>>) target(%arg8 : memref<157x128xi32, #tpu.memory_space<vmem>>) target_semaphore(%run_scoped3A : memref<!tpu.dma_semaphore, #tpu.memory_space<semaphore_mem>>)
        %dma_wait3A = arith.constant 0 : i32
        %dma_wait3A_32 = arith.constant 0 : i32
        %dma_wait3A_33 = tpu.memref_slice %arg2[%arg1, %dma_wait3A, %dma_wait3A_32] : memref<16x157x128xi32, #tpu.memory_space<hbm>> -> memref<1x157x128xi32, #tpu.memory_space<hbm>>
        %dma_wait3A_34 = tpu.memref_squeeze %dma_wait3A_33 : memref<1x157x128xi32, #tpu.memory_space<hbm>> -> memref<157x128xi32, #tpu.memory_space<hbm>>
        %dma_wait3A_35 = arith.constant 0 : i32
        %dma_wait3A_36 = arith.constant 0 : i32
        %dma_wait3A_37 = tpu.memref_slice %arg2[%arg1, %dma_wait3A_35, %dma_wait3A_36] : memref<16x157x128xi32, #tpu.memory_space<hbm>> -> memref<1x157x128xi32, #tpu.memory_space<hbm>>
        %dma_wait3A_38 = tpu.memref_squeeze %dma_wait3A_37 : memref<1x157x128xi32, #tpu.memory_space<hbm>> -> memref<157x128xi32, #tpu.memory_space<hbm>>
        tpu.wait_dma2 semaphore(%run_scoped3A : memref<!tpu.dma_semaphore, #tpu.memory_space<semaphore_mem>>) src(%dma_wait3A_38 : memref<157x128xi32, #tpu.memory_space<hbm>>) dst(%arg8 : memref<157x128xi32, #tpu.memory_space<vmem>>)
        tpu.yield
      }) : () -> ()
      %scan3A = arith.constant 0 : i32
      %scan3A_20 = arith.constant 0 : i32
      %scan3A_21 = arith.constant 157 : i32
      %scan3A_22 = arith.addi %scan3A_20, %scan3A_21 : i32
      %scan3A_23 = arith.constant 1 : i32
      scf.for %scan3A_25 = %scan3A_20 to %scan3A_22 step %scan3A_23  : i32 {
        %get3A = arith.index_cast %scan3A_25 : i32 to index
        %get3A_26 = arith.constant 0 : index
        %get3A_27 = tpu.vector_load %arg8[%get3A, %get3A_26] {strides = array<i32>} : memref<157x128xi32, #tpu.memory_space<vmem>>, vector<16xi32>,
        %shift_right_logical3A = arith.constant 7 : i32
        %shift_right_logical3A_28 = vector.broadcast %shift_right_logical3A : i32 to vector<16xi32>
        %shift_right_logical3A_29 = arith.shrui %get3A_27, %shift_right_logical3A_28 : vector<16xi32>
        %and3A = arith.constant 127 : i32
        %and3A_30 = vector.broadcast %and3A : i32 to vector<16xi32>
        %and3A_31 = arith.andi %get3A_27, %and3A_30 : vector<16xi32>
        %broadcast_in_dim3A = arith.constant 1.000000e+00 : f32
        %broadcast_in_dim3A_32 = vector.broadcast %broadcast_in_dim3A : f32 to vector<16xf32>
        tpu.vector_store_idx %arg10[%shift_right_logical3A_29, %and3A_31], %broadcast_in_dim3A_32 {add = true} : memref<128x128xf32, #tpu.memory_space<vmem>>[vector<16xi32>, vector<16xi32>], vector<16xf32>,
        %get3A_33 = arith.index_cast %scan3A_25 : i32 to index
        %get3A_34 = arith.constant 16 : index
        %get3A_35 = tpu.vector_load %arg8[%get3A_33, %get3A_34] {strides = array<i32>} : memref<157x128xi32, #tpu.memory_space<vmem>>, vector<16xi32>,
        %shift_right_logical3A_36 = arith.constant 7 : i32
        %shift_right_logical3A_37 = vector.broadcast %shift_right_logical3A_36 : i32 to vector<16xi32>
        %shift_right_logical3A_38 = arith.shrui %get3A_35, %shift_right_logical3A_37 : vector<16xi32>
        %and3A_39 = arith.constant 127 : i32
        %and3A_40 = vector.broadcast %and3A_39 : i32 to vector<16xi32>
        %and3A_41 = arith.andi %get3A_35, %and3A_40 : vector<16xi32>
        %broadcast_in_dim3A_42 = arith.constant 1.000000e+00 : f32
        %broadcast_in_dim3A_43 = vector.broadcast %broadcast_in_dim3A_42 : f32 to vector<16xf32>
        tpu.vector_store_idx %arg10[%shift_right_logical3A_38, %and3A_41], %broadcast_in_dim3A_43 {add = true} : memref<128x128xf32, #tpu.memory_space<vmem>>[vector<16xi32>, vector<16xi32>], vector<16xf32>,
        %get3A_44 = arith.index_cast %scan3A_25 : i32 to index
        %get3A_45 = arith.constant 32 : index
        %get3A_46 = tpu.vector_load %arg8[%get3A_44, %get3A_45] {strides = array<i32>} : memref<157x128xi32, #tpu.memory_space<vmem>>, vector<16xi32>,
        %shift_right_logical3A_47 = arith.constant 7 : i32
        %shift_right_logical3A_48 = vector.broadcast %shift_right_logical3A_47 : i32 to vector<16xi32>
        %shift_right_logical3A_49 = arith.shrui %get3A_46, %shift_right_logical3A_48 : vector<16xi32>
        %and3A_50 = arith.constant 127 : i32
        %and3A_51 = vector.broadcast %and3A_50 : i32 to vector<16xi32>
        %and3A_52 = arith.andi %get3A_46, %and3A_51 : vector<16xi32>
        %broadcast_in_dim3A_53 = arith.constant 1.000000e+00 : f32
        %broadcast_in_dim3A_54 = vector.broadcast %broadcast_in_dim3A_53 : f32 to vector<16xf32>
        tpu.vector_store_idx %arg10[%shift_right_logical3A_49, %and3A_52], %broadcast_in_dim3A_54 {add = true} : memref<128x128xf32, #tpu.memory_space<vmem>>[vector<16xi32>, vector<16xi32>], vector<16xf32>,
        %get3A_55 = arith.index_cast %scan3A_25 : i32 to index
        %get3A_56 = arith.constant 48 : index
        %get3A_57 = tpu.vector_load %arg8[%get3A_55, %get3A_56] {strides = array<i32>} : memref<157x128xi32, #tpu.memory_space<vmem>>, vector<16xi32>,
        %shift_right_logical3A_58 = arith.constant 7 : i32
        %shift_right_logical3A_59 = vector.broadcast %shift_right_logical3A_58 : i32 to vector<16xi32>
        %shift_right_logical3A_60 = arith.shrui %get3A_57, %shift_right_logical3A_59 : vector<16xi32>
        %and3A_61 = arith.constant 127 : i32
        %and3A_62 = vector.broadcast %and3A_61 : i32 to vector<16xi32>
        %and3A_63 = arith.andi %get3A_57, %and3A_62 : vector<16xi32>
        %broadcast_in_dim3A_64 = arith.constant 1.000000e+00 : f32
        %broadcast_in_dim3A_65 = vector.broadcast %broadcast_in_dim3A_64 : f32 to vector<16xf32>
        tpu.vector_store_idx %arg10[%shift_right_logical3A_60, %and3A_63], %broadcast_in_dim3A_65 {add = true} : memref<128x128xf32, #tpu.memory_space<vmem>>[vector<16xi32>, vector<16xi32>], vector<16xf32>,
        %get3A_66 = arith.index_cast %scan3A_25 : i32 to index
        %get3A_67 = arith.constant 64 : index
        %get3A_68 = tpu.vector_load %arg8[%get3A_66, %get3A_67] {strides = array<i32>} : memref<157x128xi32, #tpu.memory_space<vmem>>, vector<16xi32>,
        %shift_right_logical3A_69 = arith.constant 7 : i32
        %shift_right_logical3A_70 = vector.broadcast %shift_right_logical3A_69 : i32 to vector<16xi32>
        %shift_right_logical3A_71 = arith.shrui %get3A_68, %shift_right_logical3A_70 : vector<16xi32>
        %and3A_72 = arith.constant 127 : i32
        %and3A_73 = vector.broadcast %and3A_72 : i32 to vector<16xi32>
        %and3A_74 = arith.andi %get3A_68, %and3A_73 : vector<16xi32>
        %broadcast_in_dim3A_75 = arith.constant 1.000000e+00 : f32
        %broadcast_in_dim3A_76 = vector.broadcast %broadcast_in_dim3A_75 : f32 to vector<16xf32>
        tpu.vector_store_idx %arg10[%shift_right_logical3A_71, %and3A_74], %broadcast_in_dim3A_76 {add = true} : memref<128x128xf32, #tpu.memory_space<vmem>>[vector<16xi32>, vector<16xi32>], vector<16xf32>,
        %get3A_77 = arith.index_cast %scan3A_25 : i32 to index
        %get3A_78 = arith.constant 80 : index
        %get3A_79 = tpu.vector_load %arg8[%get3A_77, %get3A_78] {strides = array<i32>} : memref<157x128xi32, #tpu.memory_space<vmem>>, vector<16xi32>,
        %shift_right_logical3A_80 = arith.constant 7 : i32
        %shift_right_logical3A_81 = vector.broadcast %shift_right_logical3A_80 : i32 to vector<16xi32>
        %shift_right_logical3A_82 = arith.shrui %get3A_79, %shift_right_logical3A_81 : vector<16xi32>
        %and3A_83 = arith.constant 127 : i32
        %and3A_84 = vector.broadcast %and3A_83 : i32 to vector<16xi32>
        %and3A_85 = arith.andi %get3A_79, %and3A_84 : vector<16xi32>
        %broadcast_in_dim3A_86 = arith.constant 1.000000e+00 : f32
        %broadcast_in_dim3A_87 = vector.broadcast %broadcast_in_dim3A_86 : f32 to vector<16xf32>
        tpu.vector_store_idx %arg10[%shift_right_logical3A_82, %and3A_85], %broadcast_in_dim3A_87 {add = true} : memref<128x128xf32, #tpu.memory_space<vmem>>[vector<16xi32>, vector<16xi32>], vector<16xf32>,
        %get3A_88 = arith.index_cast %scan3A_25 : i32 to index
        %get3A_89 = arith.constant 96 : index
        %get3A_90 = tpu.vector_load %arg8[%get3A_88, %get3A_89] {strides = array<i32>} : memref<157x128xi32, #tpu.memory_space<vmem>>, vector<16xi32>,
        %shift_right_logical3A_91 = arith.constant 7 : i32
        %shift_right_logical3A_92 = vector.broadcast %shift_right_logical3A_91 : i32 to vector<16xi32>
        %shift_right_logical3A_93 = arith.shrui %get3A_90, %shift_right_logical3A_92 : vector<16xi32>
        %and3A_94 = arith.constant 127 : i32
        %and3A_95 = vector.broadcast %and3A_94 : i32 to vector<16xi32>
        %and3A_96 = arith.andi %get3A_90, %and3A_95 : vector<16xi32>
        %broadcast_in_dim3A_97 = arith.constant 1.000000e+00 : f32
        %broadcast_in_dim3A_98 = vector.broadcast %broadcast_in_dim3A_97 : f32 to vector<16xf32>
        tpu.vector_store_idx %arg10[%shift_right_logical3A_93, %and3A_96], %broadcast_in_dim3A_98 {add = true} : memref<128x128xf32, #tpu.memory_space<vmem>>[vector<16xi32>, vector<16xi32>], vector<16xf32>,
        %get3A_99 = arith.index_cast %scan3A_25 : i32 to index
        %get3A_100 = arith.constant 112 : index
        %get3A_101 = tpu.vector_load %arg8[%get3A_99, %get3A_100] {strides = array<i32>} : memref<157x128xi32, #tpu.memory_space<vmem>>, vector<16xi32>,
        %shift_right_logical3A_102 = arith.constant 7 : i32
        %shift_right_logical3A_103 = vector.broadcast %shift_right_logical3A_102 : i32 to vector<16xi32>
        %shift_right_logical3A_104 = arith.shrui %get3A_101, %shift_right_logical3A_103 : vector<16xi32>
        %and3A_105 = arith.constant 127 : i32
        %and3A_106 = vector.broadcast %and3A_105 : i32 to vector<16xi32>
        %and3A_107 = arith.andi %get3A_101, %and3A_106 : vector<16xi32>
        %broadcast_in_dim3A_108 = arith.constant 1.000000e+00 : f32
        %broadcast_in_dim3A_109 = vector.broadcast %broadcast_in_dim3A_108 : f32 to vector<16xf32>
        tpu.vector_store_idx %arg10[%shift_right_logical3A_104, %and3A_107], %broadcast_in_dim3A_109 {add = true} : memref<128x128xf32, #tpu.memory_space<vmem>>[vector<16xi32>, vector<16xi32>], vector<16xf32>,
      }
      %scan3A_24 = arith.constant 157 : i32
    } else {
    }
    %eq3A_3 = arith.constant 1 : i32
    %eq3A_4 = arith.cmpi eq, %arg0, %eq3A_3 : i32
    %convert_element_type3A_5 = arith.extui %eq3A_4 : i1 to i32
    %cond3A_6 = arith.constant 0 : i32
    %cond3A_7 = arith.cmpi ne, %convert_element_type3A_5, %cond3A_6 : i32
    scf.if %cond3A_7 {
      "tpu.region"() ({
        %run_scoped3A = tpu.sem_alloc : memref<!tpu.dma_semaphore, #tpu.memory_space<semaphore_mem>>
        %dma_start3A = arith.constant 0 : i32
        %dma_start3A_25 = arith.constant 0 : i32
        %dma_start3A_26 = tpu.memref_slice %arg3[%arg1, %dma_start3A, %dma_start3A_25] : memref<16x157x128xi32, #tpu.memory_space<hbm>> -> memref<1x157x128xi32, #tpu.memory_space<hbm>>
        %dma_start3A_27 = tpu.memref_squeeze %dma_start3A_26 : memref<1x157x128xi32, #tpu.memory_space<hbm>> -> memref<157x128xi32, #tpu.memory_space<hbm>>
        %dma_start3A_28 = arith.constant 0 : i32
        %dma_start3A_29 = arith.constant 0 : i32
        %dma_start3A_30 = tpu.memref_slice %arg3[%arg1, %dma_start3A_28, %dma_start3A_29] : memref<16x157x128xi32, #tpu.memory_space<hbm>> -> memref<1x157x128xi32, #tpu.memory_space<hbm>>
        %dma_start3A_31 = tpu.memref_squeeze %dma_start3A_30 : memref<1x157x128xi32, #tpu.memory_space<hbm>> -> memref<157x128xi32, #tpu.memory_space<hbm>>
        tpu.enqueue_dma source(%dma_start3A_31 : memref<157x128xi32, #tpu.memory_space<hbm>>) target(%arg8 : memref<157x128xi32, #tpu.memory_space<vmem>>) target_semaphore(%run_scoped3A : memref<!tpu.dma_semaphore, #tpu.memory_space<semaphore_mem>>)
        %dma_wait3A = arith.constant 0 : i32
        %dma_wait3A_32 = arith.constant 0 : i32
        %dma_wait3A_33 = tpu.memref_slice %arg3[%arg1, %dma_wait3A, %dma_wait3A_32] : memref<16x157x128xi32, #tpu.memory_space<hbm>> -> memref<1x157x128xi32, #tpu.memory_space<hbm>>
        %dma_wait3A_34 = tpu.memref_squeeze %dma_wait3A_33 : memref<1x157x128xi32, #tpu.memory_space<hbm>> -> memref<157x128xi32, #tpu.memory_space<hbm>>
        %dma_wait3A_35 = arith.constant 0 : i32
        %dma_wait3A_36 = arith.constant 0 : i32
        %dma_wait3A_37 = tpu.memref_slice %arg3[%arg1, %dma_wait3A_35, %dma_wait3A_36] : memref<16x157x128xi32, #tpu.memory_space<hbm>> -> memref<1x157x128xi32, #tpu.memory_space<hbm>>
        %dma_wait3A_38 = tpu.memref_squeeze %dma_wait3A_37 : memref<1x157x128xi32, #tpu.memory_space<hbm>> -> memref<157x128xi32, #tpu.memory_space<hbm>>
        tpu.wait_dma2 semaphore(%run_scoped3A : memref<!tpu.dma_semaphore, #tpu.memory_space<semaphore_mem>>) src(%dma_wait3A_38 : memref<157x128xi32, #tpu.memory_space<hbm>>) dst(%arg8 : memref<157x128xi32, #tpu.memory_space<vmem>>)
        tpu.yield
      }) : () -> ()
      %scan3A = arith.constant 0 : i32
      %scan3A_20 = arith.constant 0 : i32
      %scan3A_21 = arith.constant 157 : i32
      %scan3A_22 = arith.addi %scan3A_20, %scan3A_21 : i32
      %scan3A_23 = arith.constant 1 : i32
      scf.for %scan3A_25 = %scan3A_20 to %scan3A_22 step %scan3A_23  : i32 {
        %get3A = arith.index_cast %scan3A_25 : i32 to index
        %get3A_26 = arith.constant 0 : index
        %get3A_27 = tpu.vector_load %arg8[%get3A, %get3A_26] {strides = array<i32>} : memref<157x128xi32, #tpu.memory_space<vmem>>, vector<16xi32>,
        %shift_right_logical3A = arith.constant 7 : i32
        %shift_right_logical3A_28 = vector.broadcast %shift_right_logical3A : i32 to vector<16xi32>
        %shift_right_logical3A_29 = arith.shrui %get3A_27, %shift_right_logical3A_28 : vector<16xi32>
        %and3A = arith.constant 127 : i32
        %and3A_30 = vector.broadcast %and3A : i32 to vector<16xi32>
        %and3A_31 = arith.andi %get3A_27, %and3A_30 : vector<16xi32>
        %broadcast_in_dim3A = arith.constant 1.000000e+00 : f32
        %broadcast_in_dim3A_32 = vector.broadcast %broadcast_in_dim3A : f32 to vector<16xf32>
        tpu.vector_store_idx %arg10[%shift_right_logical3A_29, %and3A_31], %broadcast_in_dim3A_32 {add = true} : memref<128x128xf32, #tpu.memory_space<vmem>>[vector<16xi32>, vector<16xi32>], vector<16xf32>,
        %get3A_33 = arith.index_cast %scan3A_25 : i32 to index
        %get3A_34 = arith.constant 16 : index
        %get3A_35 = tpu.vector_load %arg8[%get3A_33, %get3A_34] {strides = array<i32>} : memref<157x128xi32, #tpu.memory_space<vmem>>, vector<16xi32>,
        %shift_right_logical3A_36 = arith.constant 7 : i32
        %shift_right_logical3A_37 = vector.broadcast %shift_right_logical3A_36 : i32 to vector<16xi32>
        %shift_right_logical3A_38 = arith.shrui %get3A_35, %shift_right_logical3A_37 : vector<16xi32>
        %and3A_39 = arith.constant 127 : i32
        %and3A_40 = vector.broadcast %and3A_39 : i32 to vector<16xi32>
        %and3A_41 = arith.andi %get3A_35, %and3A_40 : vector<16xi32>
        %broadcast_in_dim3A_42 = arith.constant 1.000000e+00 : f32
        %broadcast_in_dim3A_43 = vector.broadcast %broadcast_in_dim3A_42 : f32 to vector<16xf32>
        tpu.vector_store_idx %arg10[%shift_right_logical3A_38, %and3A_41], %broadcast_in_dim3A_43 {add = true} : memref<128x128xf32, #tpu.memory_space<vmem>>[vector<16xi32>, vector<16xi32>], vector<16xf32>,
        %get3A_44 = arith.index_cast %scan3A_25 : i32 to index
        %get3A_45 = arith.constant 32 : index
        %get3A_46 = tpu.vector_load %arg8[%get3A_44, %get3A_45] {strides = array<i32>} : memref<157x128xi32, #tpu.memory_space<vmem>>, vector<16xi32>,
        %shift_right_logical3A_47 = arith.constant 7 : i32
        %shift_right_logical3A_48 = vector.broadcast %shift_right_logical3A_47 : i32 to vector<16xi32>
        %shift_right_logical3A_49 = arith.shrui %get3A_46, %shift_right_logical3A_48 : vector<16xi32>
        %and3A_50 = arith.constant 127 : i32
        %and3A_51 = vector.broadcast %and3A_50 : i32 to vector<16xi32>
        %and3A_52 = arith.andi %get3A_46, %and3A_51 : vector<16xi32>
        %broadcast_in_dim3A_53 = arith.constant 1.000000e+00 : f32
        %broadcast_in_dim3A_54 = vector.broadcast %broadcast_in_dim3A_53 : f32 to vector<16xf32>
        tpu.vector_store_idx %arg10[%shift_right_logical3A_49, %and3A_52], %broadcast_in_dim3A_54 {add = true} : memref<128x128xf32, #tpu.memory_space<vmem>>[vector<16xi32>, vector<16xi32>], vector<16xf32>,
        %get3A_55 = arith.index_cast %scan3A_25 : i32 to index
        %get3A_56 = arith.constant 48 : index
        %get3A_57 = tpu.vector_load %arg8[%get3A_55, %get3A_56] {strides = array<i32>} : memref<157x128xi32, #tpu.memory_space<vmem>>, vector<16xi32>,
        %shift_right_logical3A_58 = arith.constant 7 : i32
        %shift_right_logical3A_59 = vector.broadcast %shift_right_logical3A_58 : i32 to vector<16xi32>
        %shift_right_logical3A_60 = arith.shrui %get3A_57, %shift_right_logical3A_59 : vector<16xi32>
        %and3A_61 = arith.constant 127 : i32
        %and3A_62 = vector.broadcast %and3A_61 : i32 to vector<16xi32>
        %and3A_63 = arith.andi %get3A_57, %and3A_62 : vector<16xi32>
        %broadcast_in_dim3A_64 = arith.constant 1.000000e+00 : f32
        %broadcast_in_dim3A_65 = vector.broadcast %broadcast_in_dim3A_64 : f32 to vector<16xf32>
        tpu.vector_store_idx %arg10[%shift_right_logical3A_60, %and3A_63], %broadcast_in_dim3A_65 {add = true} : memref<128x128xf32, #tpu.memory_space<vmem>>[vector<16xi32>, vector<16xi32>], vector<16xf32>,
        %get3A_66 = arith.index_cast %scan3A_25 : i32 to index
        %get3A_67 = arith.constant 64 : index
        %get3A_68 = tpu.vector_load %arg8[%get3A_66, %get3A_67] {strides = array<i32>} : memref<157x128xi32, #tpu.memory_space<vmem>>, vector<16xi32>,
        %shift_right_logical3A_69 = arith.constant 7 : i32
        %shift_right_logical3A_70 = vector.broadcast %shift_right_logical3A_69 : i32 to vector<16xi32>
        %shift_right_logical3A_71 = arith.shrui %get3A_68, %shift_right_logical3A_70 : vector<16xi32>
        %and3A_72 = arith.constant 127 : i32
        %and3A_73 = vector.broadcast %and3A_72 : i32 to vector<16xi32>
        %and3A_74 = arith.andi %get3A_68, %and3A_73 : vector<16xi32>
        %broadcast_in_dim3A_75 = arith.constant 1.000000e+00 : f32
        %broadcast_in_dim3A_76 = vector.broadcast %broadcast_in_dim3A_75 : f32 to vector<16xf32>
        tpu.vector_store_idx %arg10[%shift_right_logical3A_71, %and3A_74], %broadcast_in_dim3A_76 {add = true} : memref<128x128xf32, #tpu.memory_space<vmem>>[vector<16xi32>, vector<16xi32>], vector<16xf32>,
        %get3A_77 = arith.index_cast %scan3A_25 : i32 to index
        %get3A_78 = arith.constant 80 : index
        %get3A_79 = tpu.vector_load %arg8[%get3A_77, %get3A_78] {strides = array<i32>} : memref<157x128xi32, #tpu.memory_space<vmem>>, vector<16xi32>,
        %shift_right_logical3A_80 = arith.constant 7 : i32
        %shift_right_logical3A_81 = vector.broadcast %shift_right_logical3A_80 : i32 to vector<16xi32>
        %shift_right_logical3A_82 = arith.shrui %get3A_79, %shift_right_logical3A_81 : vector<16xi32>
        %and3A_83 = arith.constant 127 : i32
        %and3A_84 = vector.broadcast %and3A_83 : i32 to vector<16xi32>
        %and3A_85 = arith.andi %get3A_79, %and3A_84 : vector<16xi32>
        %broadcast_in_dim3A_86 = arith.constant 1.000000e+00 : f32
        %broadcast_in_dim3A_87 = vector.broadcast %broadcast_in_dim3A_86 : f32 to vector<16xf32>
        tpu.vector_store_idx %arg10[%shift_right_logical3A_82, %and3A_85], %broadcast_in_dim3A_87 {add = true} : memref<128x128xf32, #tpu.memory_space<vmem>>[vector<16xi32>, vector<16xi32>], vector<16xf32>,
        %get3A_88 = arith.index_cast %scan3A_25 : i32 to index
        %get3A_89 = arith.constant 96 : index
        %get3A_90 = tpu.vector_load %arg8[%get3A_88, %get3A_89] {strides = array<i32>} : memref<157x128xi32, #tpu.memory_space<vmem>>, vector<16xi32>,
        %shift_right_logical3A_91 = arith.constant 7 : i32
        %shift_right_logical3A_92 = vector.broadcast %shift_right_logical3A_91 : i32 to vector<16xi32>
        %shift_right_logical3A_93 = arith.shrui %get3A_90, %shift_right_logical3A_92 : vector<16xi32>
        %and3A_94 = arith.constant 127 : i32
        %and3A_95 = vector.broadcast %and3A_94 : i32 to vector<16xi32>
        %and3A_96 = arith.andi %get3A_90, %and3A_95 : vector<16xi32>
        %broadcast_in_dim3A_97 = arith.constant 1.000000e+00 : f32
        %broadcast_in_dim3A_98 = vector.broadcast %broadcast_in_dim3A_97 : f32 to vector<16xf32>
        tpu.vector_store_idx %arg10[%shift_right_logical3A_93, %and3A_96], %broadcast_in_dim3A_98 {add = true} : memref<128x128xf32, #tpu.memory_space<vmem>>[vector<16xi32>, vector<16xi32>], vector<16xf32>,
        %get3A_99 = arith.index_cast %scan3A_25 : i32 to index
        %get3A_100 = arith.constant 112 : index
        %get3A_101 = tpu.vector_load %arg8[%get3A_99, %get3A_100] {strides = array<i32>} : memref<157x128xi32, #tpu.memory_space<vmem>>, vector<16xi32>,
        %shift_right_logical3A_102 = arith.constant 7 : i32
        %shift_right_logical3A_103 = vector.broadcast %shift_right_logical3A_102 : i32 to vector<16xi32>
        %shift_right_logical3A_104 = arith.shrui %get3A_101, %shift_right_logical3A_103 : vector<16xi32>
        %and3A_105 = arith.constant 127 : i32
        %and3A_106 = vector.broadcast %and3A_105 : i32 to vector<16xi32>
        %and3A_107 = arith.andi %get3A_101, %and3A_106 : vector<16xi32>
        %broadcast_in_dim3A_108 = arith.constant 1.000000e+00 : f32
        %broadcast_in_dim3A_109 = vector.broadcast %broadcast_in_dim3A_108 : f32 to vector<16xf32>
        tpu.vector_store_idx %arg10[%shift_right_logical3A_104, %and3A_107], %broadcast_in_dim3A_109 {add = true} : memref<128x128xf32, #tpu.memory_space<vmem>>[vector<16xi32>, vector<16xi32>], vector<16xf32>,
      }
      %scan3A_24 = arith.constant 157 : i32
    } else {
    }
    %barrier3A_8 = arith.constant 0 : index
    tpu.barrier barrier_id(%barrier3A_8)
    "tpu.region"() ({
      %run_scoped3A = tpu.sem_alloc : memref<!tpu.dma_semaphore, #tpu.memory_space<semaphore_mem>>
      %dma_start3A = arith.constant 0 : i32
      %dma_start3A_20 = arith.constant 0 : i32
      %dma_start3A_21 = tpu.memref_slice %arg11[%dma_start3A, %dma_start3A_20] : memref<128x128xf32, #tpu.memory_space<vmem_shared>> -> memref<128x128xf32, #tpu.memory_space<vmem_shared>>
      tpu.enqueue_indirect_dma source(%arg10 : memref<128x128xf32, #tpu.memory_space<vmem>>) target(%dma_start3A_21 : memref<128x128xf32, #tpu.memory_space<vmem_shared>>) offsets(%arg9 : memref<128xi32, #tpu.memory_space<vmem>>) semaphore(%run_scoped3A : memref<!tpu.dma_semaphore, #tpu.memory_space<semaphore_mem>>) {add = true}
      %dma_wait3A = arith.constant 0 : i32
      %dma_wait3A_22 = arith.constant 0 : i32
      %dma_wait3A_23 = tpu.memref_slice %arg11[%dma_wait3A, %dma_wait3A_22] : memref<128x128xf32, #tpu.memory_space<vmem_shared>> -> memref<128x128xf32, #tpu.memory_space<vmem_shared>>
      tpu.wait_indirect_dma semaphore(%run_scoped3A : memref<!tpu.dma_semaphore, #tpu.memory_space<semaphore_mem>>) src(%arg10 : memref<128x128xf32, #tpu.memory_space<vmem>>) dst(%dma_wait3A_23 : memref<128x128xf32, #tpu.memory_space<vmem_shared>>)
      tpu.yield
    }) : () -> ()
    %barrier3A_9 = arith.constant 0 : index
    tpu.barrier barrier_id(%barrier3A_9)
    %eq3A_10 = arith.constant 0 : i32
    %eq3A_11 = arith.cmpi eq, %arg0, %eq3A_10 : i32
    %convert_element_type3A_12 = arith.extui %eq3A_11 : i1 to i32
    %cond3A_13 = arith.constant 0 : i32
    %cond3A_14 = arith.cmpi ne, %convert_element_type3A_12, %cond3A_13 : i32
    scf.if %cond3A_14 {
      %mul3A_20 = arith.constant 8 : i32
      %mul3A_21 = arith.muli %arg1, %mul3A_20 : i32
      %mul3A_22 = arith.constant 8 : i32
      %mul3A_23 = arith.muli %arg1, %mul3A_22 : i32
      "tpu.region"() ({
        %run_scoped3A = tpu.sem_alloc : memref<!tpu.dma_semaphore, #tpu.memory_space<semaphore_mem>>
        %dma_start3A = arith.constant 0 : i32
        %dma_start3A_24 = tpu.memref_slice %arg6[%mul3A_23, %dma_start3A] : memref<128x128xf32, #tpu.memory_space<hbm>> -> memref<8x128xf32, #tpu.memory_space<hbm>>
        %dma_start3A_25 = arith.constant 0 : i32
        %dma_start3A_26 = tpu.memref_slice %arg11[%mul3A_21, %dma_start3A_25] : memref<128x128xf32, #tpu.memory_space<vmem_shared>> -> memref<8x128xf32, #tpu.memory_space<vmem_shared>>
        tpu.enqueue_dma source(%dma_start3A_26 : memref<8x128xf32, #tpu.memory_space<vmem_shared>>) target(%dma_start3A_24 : memref<8x128xf32, #tpu.memory_space<hbm>>) target_semaphore(%run_scoped3A : memref<!tpu.dma_semaphore, #tpu.memory_space<semaphore_mem>>)
        %dma_wait3A = arith.constant 0 : i32
        %dma_wait3A_27 = tpu.memref_slice %arg6[%mul3A_23, %dma_wait3A] : memref<128x128xf32, #tpu.memory_space<hbm>> -> memref<8x128xf32, #tpu.memory_space<hbm>>
        %dma_wait3A_28 = arith.constant 0 : i32
        %dma_wait3A_29 = tpu.memref_slice %arg11[%mul3A_21, %dma_wait3A_28] : memref<128x128xf32, #tpu.memory_space<vmem_shared>> -> memref<8x128xf32, #tpu.memory_space<vmem_shared>>
        tpu.wait_dma2 semaphore(%run_scoped3A : memref<!tpu.dma_semaphore, #tpu.memory_space<semaphore_mem>>) src(%dma_wait3A_29 : memref<8x128xf32, #tpu.memory_space<vmem_shared>>) dst(%dma_wait3A_27 : memref<8x128xf32, #tpu.memory_space<hbm>>)
        tpu.yield
      }) : () -> ()
    } else {
    }
    %eq3A_15 = arith.constant 1 : i32
    %eq3A_16 = arith.cmpi eq, %arg0, %eq3A_15 : i32
    %convert_element_type3A_17 = arith.extui %eq3A_16 : i1 to i32
    %cond3A_18 = arith.constant 0 : i32
    %cond3A_19 = arith.cmpi ne, %convert_element_type3A_17, %cond3A_18 : i32
    scf.if %cond3A_19 {
      %mul3A_20 = arith.constant 8 : i32
      %mul3A_21 = arith.muli %arg1, %mul3A_20 : i32
      %mul3A_22 = arith.constant 8 : i32
      %mul3A_23 = arith.muli %arg1, %mul3A_22 : i32
      "tpu.region"() ({
        %run_scoped3A = tpu.sem_alloc : memref<!tpu.dma_semaphore, #tpu.memory_space<semaphore_mem>>
        %dma_start3A = arith.constant 0 : i32
        %dma_start3A_24 = tpu.memref_slice %arg7[%mul3A_23, %dma_start3A] : memref<128x128xf32, #tpu.memory_space<hbm>> -> memref<8x128xf32, #tpu.memory_space<hbm>>
        %dma_start3A_25 = arith.constant 0 : i32
        %dma_start3A_26 = tpu.memref_slice %arg11[%mul3A_21, %dma_start3A_25] : memref<128x128xf32, #tpu.memory_space<vmem_shared>> -> memref<8x128xf32, #tpu.memory_space<vmem_shared>>
        tpu.enqueue_dma source(%dma_start3A_26 : memref<8x128xf32, #tpu.memory_space<vmem_shared>>) target(%dma_start3A_24 : memref<8x128xf32, #tpu.memory_space<hbm>>) target_semaphore(%run_scoped3A : memref<!tpu.dma_semaphore, #tpu.memory_space<semaphore_mem>>)
        %dma_wait3A = arith.constant 0 : i32
        %dma_wait3A_27 = tpu.memref_slice %arg7[%mul3A_23, %dma_wait3A] : memref<128x128xf32, #tpu.memory_space<hbm>> -> memref<8x128xf32, #tpu.memory_space<hbm>>
        %dma_wait3A_28 = arith.constant 0 : i32
        %dma_wait3A_29 = tpu.memref_slice %arg11[%mul3A_21, %dma_wait3A_28] : memref<128x128xf32, #tpu.memory_space<vmem_shared>> -> memref<8x128xf32, #tpu.memory_space<vmem_shared>>
        tpu.wait_dma2 semaphore(%run_scoped3A : memref<!tpu.dma_semaphore, #tpu.memory_space<semaphore_mem>>) src(%dma_wait3A_29 : memref<8x128xf32, #tpu.memory_space<vmem_shared>>) dst(%dma_wait3A_27 : memref<8x128xf32, #tpu.memory_space<hbm>>)
        tpu.yield
      }) : () -> ()
    } else {
    }
    return
  }
}

#map = affine_map<(d0, d1) -> (0, 0)>
#map1 = affine_map<(d0, d1) -> (0, 0, 0, 0)>
module attributes {stable_mosaic.version = 14 : i64} {
  func.func @_spmv_body(%arg0: i32, %arg1: i32, %arg2: memref<10240x128xf32, #tpu.memory_space<hbm>>, %arg3: memref<10240x128xf32, #tpu.memory_space<hbm>>, %arg4: memref<16x157x2x128xi32, #tpu.memory_space<hbm>>, %arg5: memref<16x157x2x128xi32, #tpu.memory_space<hbm>>, %arg6: memref<128x128xf32, #tpu.memory_space<hbm>>, %arg7: memref<10240x128xf32, #tpu.memory_space<hbm>>, %arg8: memref<10240x128xf32, #tpu.memory_space<hbm>>, %arg9: memref<2x128xi32, #tpu.memory_space<vmem>>, %arg10: memref<128x128xf32, #tpu.memory_space<vmem>>, %arg11: memref<10240x128xf32, #tpu.memory_space<vmem_shared>>, %arg12: memref<!tpu.dma_semaphore, #tpu.memory_space<semaphore_mem>>) attributes {dimension_semantics = [#tpu.dimension_semantics<core_parallel>, #tpu.dimension_semantics<subcore_parallel>], iteration_bounds = array<i64: 2, 16>, scalar_prefetch = 0 : i64, scratch_operands = 4 : i64, tpu.core_type = #tpu.core_type<sc_vector_subcore>, window_params = [{transform_indices = #map}, {transform_indices = #map}, {transform_indices = #map1}, {transform_indices = #map1}, {transform_indices = #map}, {transform_indices = #map}, {transform_indices = #map}]} {
    %mul3A = arith.constant 640 : i32
    %mul3A_0 = arith.muli %arg1, %mul3A : i32
    %add3A = arith.constant 0 : i32
    %add3A_1 = arith.addi %mul3A_0, %add3A : i32
    %dma_start3A = arith.constant 0 : i32
    %dma_start3A_2 = tpu.memref_slice %arg11[%add3A_1, %dma_start3A] : memref<10240x128xf32, #tpu.memory_space<vmem_shared>> -> memref<128x128xf32, #tpu.memory_space<vmem_shared>>
    tpu.enqueue_dma source(%arg6 : memref<128x128xf32, #tpu.memory_space<hbm>>) target(%dma_start3A_2 : memref<128x128xf32, #tpu.memory_space<vmem_shared>>) target_semaphore(%arg12 : memref<!tpu.dma_semaphore, #tpu.memory_space<semaphore_mem>>)
    %add3A_3 = arith.constant 128 : i32
    %add3A_4 = arith.addi %mul3A_0, %add3A_3 : i32
    %dma_start3A_5 = arith.constant 0 : i32
    %dma_start3A_6 = tpu.memref_slice %arg11[%add3A_4, %dma_start3A_5] : memref<10240x128xf32, #tpu.memory_space<vmem_shared>> -> memref<128x128xf32, #tpu.memory_space<vmem_shared>>
    tpu.enqueue_dma source(%arg6 : memref<128x128xf32, #tpu.memory_space<hbm>>) target(%dma_start3A_6 : memref<128x128xf32, #tpu.memory_space<vmem_shared>>) target_semaphore(%arg12 : memref<!tpu.dma_semaphore, #tpu.memory_space<semaphore_mem>>)
    %add3A_7 = arith.constant 256 : i32
    %add3A_8 = arith.addi %mul3A_0, %add3A_7 : i32
    %dma_start3A_9 = arith.constant 0 : i32
    %dma_start3A_10 = tpu.memref_slice %arg11[%add3A_8, %dma_start3A_9] : memref<10240x128xf32, #tpu.memory_space<vmem_shared>> -> memref<128x128xf32, #tpu.memory_space<vmem_shared>>
    tpu.enqueue_dma source(%arg6 : memref<128x128xf32, #tpu.memory_space<hbm>>) target(%dma_start3A_10 : memref<128x128xf32, #tpu.memory_space<vmem_shared>>) target_semaphore(%arg12 : memref<!tpu.dma_semaphore, #tpu.memory_space<semaphore_mem>>)
    %add3A_11 = arith.constant 384 : i32
    %add3A_12 = arith.addi %mul3A_0, %add3A_11 : i32
    %dma_start3A_13 = arith.constant 0 : i32
    %dma_start3A_14 = tpu.memref_slice %arg11[%add3A_12, %dma_start3A_13] : memref<10240x128xf32, #tpu.memory_space<vmem_shared>> -> memref<128x128xf32, #tpu.memory_space<vmem_shared>>
    tpu.enqueue_dma source(%arg6 : memref<128x128xf32, #tpu.memory_space<hbm>>) target(%dma_start3A_14 : memref<128x128xf32, #tpu.memory_space<vmem_shared>>) target_semaphore(%arg12 : memref<!tpu.dma_semaphore, #tpu.memory_space<semaphore_mem>>)
    %add3A_15 = arith.constant 512 : i32
    %add3A_16 = arith.addi %mul3A_0, %add3A_15 : i32
    %dma_start3A_17 = arith.constant 0 : i32
    %dma_start3A_18 = tpu.memref_slice %arg11[%add3A_16, %dma_start3A_17] : memref<10240x128xf32, #tpu.memory_space<vmem_shared>> -> memref<128x128xf32, #tpu.memory_space<vmem_shared>>
    tpu.enqueue_dma source(%arg6 : memref<128x128xf32, #tpu.memory_space<hbm>>) target(%dma_start3A_18 : memref<128x128xf32, #tpu.memory_space<vmem_shared>>) target_semaphore(%arg12 : memref<!tpu.dma_semaphore, #tpu.memory_space<semaphore_mem>>)
    %add3A_19 = arith.constant 0 : i32
    %add3A_20 = arith.addi %mul3A_0, %add3A_19 : i32
    %dma_wait3A = arith.constant 0 : i32
    %dma_wait3A_21 = tpu.memref_slice %arg11[%add3A_20, %dma_wait3A] : memref<10240x128xf32, #tpu.memory_space<vmem_shared>> -> memref<128x128xf32, #tpu.memory_space<vmem_shared>>
    tpu.wait_dma2 semaphore(%arg12 : memref<!tpu.dma_semaphore, #tpu.memory_space<semaphore_mem>>) src(%arg6 : memref<128x128xf32, #tpu.memory_space<hbm>>) dst(%dma_wait3A_21 : memref<128x128xf32, #tpu.memory_space<vmem_shared>>)
    %add3A_22 = arith.constant 128 : i32
    %add3A_23 = arith.addi %mul3A_0, %add3A_22 : i32
    %dma_wait3A_24 = arith.constant 0 : i32
    %dma_wait3A_25 = tpu.memref_slice %arg11[%add3A_23, %dma_wait3A_24] : memref<10240x128xf32, #tpu.memory_space<vmem_shared>> -> memref<128x128xf32, #tpu.memory_space<vmem_shared>>
    tpu.wait_dma2 semaphore(%arg12 : memref<!tpu.dma_semaphore, #tpu.memory_space<semaphore_mem>>) src(%arg6 : memref<128x128xf32, #tpu.memory_space<hbm>>) dst(%dma_wait3A_25 : memref<128x128xf32, #tpu.memory_space<vmem_shared>>)
    %add3A_26 = arith.constant 256 : i32
    %add3A_27 = arith.addi %mul3A_0, %add3A_26 : i32
    %dma_wait3A_28 = arith.constant 0 : i32
    %dma_wait3A_29 = tpu.memref_slice %arg11[%add3A_27, %dma_wait3A_28] : memref<10240x128xf32, #tpu.memory_space<vmem_shared>> -> memref<128x128xf32, #tpu.memory_space<vmem_shared>>
    tpu.wait_dma2 semaphore(%arg12 : memref<!tpu.dma_semaphore, #tpu.memory_space<semaphore_mem>>) src(%arg6 : memref<128x128xf32, #tpu.memory_space<hbm>>) dst(%dma_wait3A_29 : memref<128x128xf32, #tpu.memory_space<vmem_shared>>)
    %add3A_30 = arith.constant 384 : i32
    %add3A_31 = arith.addi %mul3A_0, %add3A_30 : i32
    %dma_wait3A_32 = arith.constant 0 : i32
    %dma_wait3A_33 = tpu.memref_slice %arg11[%add3A_31, %dma_wait3A_32] : memref<10240x128xf32, #tpu.memory_space<vmem_shared>> -> memref<128x128xf32, #tpu.memory_space<vmem_shared>>
    tpu.wait_dma2 semaphore(%arg12 : memref<!tpu.dma_semaphore, #tpu.memory_space<semaphore_mem>>) src(%arg6 : memref<128x128xf32, #tpu.memory_space<hbm>>) dst(%dma_wait3A_33 : memref<128x128xf32, #tpu.memory_space<vmem_shared>>)
    %add3A_34 = arith.constant 512 : i32
    %add3A_35 = arith.addi %mul3A_0, %add3A_34 : i32
    %dma_wait3A_36 = arith.constant 0 : i32
    %dma_wait3A_37 = tpu.memref_slice %arg11[%add3A_35, %dma_wait3A_36] : memref<10240x128xf32, #tpu.memory_space<vmem_shared>> -> memref<128x128xf32, #tpu.memory_space<vmem_shared>>
    tpu.wait_dma2 semaphore(%arg12 : memref<!tpu.dma_semaphore, #tpu.memory_space<semaphore_mem>>) src(%arg6 : memref<128x128xf32, #tpu.memory_space<hbm>>) dst(%dma_wait3A_37 : memref<128x128xf32, #tpu.memory_space<vmem_shared>>)
    %barrier3A = arith.constant 0 : index
    tpu.barrier barrier_id(%barrier3A)
    %eq3A = arith.constant 0 : i32
    %eq3A_38 = arith.cmpi eq, %arg0, %eq3A : i32
    %convert_element_type3A = arith.extui %eq3A_38 : i1 to i32
    %cond3A = arith.constant 0 : i32
    %cond3A_39 = arith.cmpi ne, %convert_element_type3A, %cond3A : i32
    scf.if %cond3A_39 {
      %scan3A = arith.constant 0 : i32
      %scan3A_56 = arith.constant 0 : i32
      %scan3A_57 = arith.constant 157 : i32
      %scan3A_58 = arith.addi %scan3A_56, %scan3A_57 : i32
      %scan3A_59 = arith.constant 1 : i32
      scf.for %scan3A_61 = %scan3A_56 to %scan3A_58 step %scan3A_59  : i32 {
        "tpu.region"() ({
          %run_scoped3A_76 = tpu.sem_alloc : memref<!tpu.dma_semaphore, #tpu.memory_space<semaphore_mem>>
          %dma_start3A_77 = arith.constant 0 : i32
          %dma_start3A_78 = arith.constant 0 : i32
          %dma_start3A_79 = tpu.memref_slice %arg4[%arg1, %scan3A_61, %dma_start3A_77, %dma_start3A_78] : memref<16x157x2x128xi32, #tpu.memory_space<hbm>> -> memref<1x1x2x128xi32, #tpu.memory_space<hbm>>
          %dma_start3A_80 = tpu.memref_squeeze %dma_start3A_79 : memref<1x1x2x128xi32, #tpu.memory_space<hbm>> -> memref<2x128xi32, #tpu.memory_space<hbm>>
          %dma_start3A_81 = arith.constant 0 : i32
          %dma_start3A_82 = arith.constant 0 : i32
          %dma_start3A_83 = tpu.memref_slice %arg4[%arg1, %scan3A_61, %dma_start3A_81, %dma_start3A_82] : memref<16x157x2x128xi32, #tpu.memory_space<hbm>> -> memref<1x1x2x128xi32, #tpu.memory_space<hbm>>
          %dma_start3A_84 = tpu.memref_squeeze %dma_start3A_83 : memref<1x1x2x128xi32, #tpu.memory_space<hbm>> -> memref<2x128xi32, #tpu.memory_space<hbm>>
          tpu.enqueue_dma source(%dma_start3A_84 : memref<2x128xi32, #tpu.memory_space<hbm>>) target(%arg9 : memref<2x128xi32, #tpu.memory_space<vmem>>) target_semaphore(%run_scoped3A_76 : memref<!tpu.dma_semaphore, #tpu.memory_space<semaphore_mem>>)
          %dma_wait3A_85 = arith.constant 0 : i32
          %dma_wait3A_86 = arith.constant 0 : i32
          %dma_wait3A_87 = tpu.memref_slice %arg4[%arg1, %scan3A_61, %dma_wait3A_85, %dma_wait3A_86] : memref<16x157x2x128xi32, #tpu.memory_space<hbm>> -> memref<1x1x2x128xi32, #tpu.memory_space<hbm>>
          %dma_wait3A_88 = tpu.memref_squeeze %dma_wait3A_87 : memref<1x1x2x128xi32, #tpu.memory_space<hbm>> -> memref<2x128xi32, #tpu.memory_space<hbm>>
          %dma_wait3A_89 = arith.constant 0 : i32
          %dma_wait3A_90 = arith.constant 0 : i32
          %dma_wait3A_91 = tpu.memref_slice %arg4[%arg1, %scan3A_61, %dma_wait3A_89, %dma_wait3A_90] : memref<16x157x2x128xi32, #tpu.memory_space<hbm>> -> memref<1x1x2x128xi32, #tpu.memory_space<hbm>>
          %dma_wait3A_92 = tpu.memref_squeeze %dma_wait3A_91 : memref<1x1x2x128xi32, #tpu.memory_space<hbm>> -> memref<2x128xi32, #tpu.memory_space<hbm>>
          tpu.wait_dma2 semaphore(%run_scoped3A_76 : memref<!tpu.dma_semaphore, #tpu.memory_space<semaphore_mem>>) src(%dma_wait3A_92 : memref<2x128xi32, #tpu.memory_space<hbm>>) dst(%arg9 : memref<2x128xi32, #tpu.memory_space<vmem>>)
          tpu.yield
        }) : () -> ()
        %dma_start3A_62 = arith.constant 0 : i32
        %dma_start3A_63 = arith.constant 0 : i32
        %dma_start3A_64 = tpu.memref_slice %arg9[%dma_start3A_62, %dma_start3A_63] : memref<2x128xi32, #tpu.memory_space<vmem>> -> memref<1x128xi32, #tpu.memory_space<vmem>>
        %dma_start3A_65 = tpu.memref_squeeze %dma_start3A_64 : memref<1x128xi32, #tpu.memory_space<vmem>> -> memref<128xi32, #tpu.memory_space<vmem>>
        %dma_start3A_66 = arith.constant 0 : i32
        %dma_start3A_67 = arith.constant 0 : i32
        %dma_start3A_68 = tpu.memref_slice %arg2[%dma_start3A_66, %dma_start3A_67] : memref<10240x128xf32, #tpu.memory_space<hbm>> -> memref<10240x128xf32, #tpu.memory_space<hbm>>
        tpu.enqueue_indirect_dma source(%dma_start3A_68 : memref<10240x128xf32, #tpu.memory_space<hbm>>) target(%arg10 : memref<128x128xf32, #tpu.memory_space<vmem>>) offsets(%dma_start3A_65 : memref<128xi32, #tpu.memory_space<vmem>>) semaphore(%arg12 : memref<!tpu.dma_semaphore, #tpu.memory_space<semaphore_mem>>)
        %dma_wait3A_69 = arith.constant 0 : i32
        %dma_wait3A_70 = arith.constant 0 : i32
        %dma_wait3A_71 = tpu.memref_slice %arg9[%dma_wait3A_69, %dma_wait3A_70] : memref<2x128xi32, #tpu.memory_space<vmem>> -> memref<1x128xi32, #tpu.memory_space<vmem>>
        %dma_wait3A_72 = tpu.memref_squeeze %dma_wait3A_71 : memref<1x128xi32, #tpu.memory_space<vmem>> -> memref<128xi32, #tpu.memory_space<vmem>>
        %dma_wait3A_73 = arith.constant 0 : i32
        %dma_wait3A_74 = arith.constant 0 : i32
        %dma_wait3A_75 = tpu.memref_slice %arg2[%dma_wait3A_73, %dma_wait3A_74] : memref<10240x128xf32, #tpu.memory_space<hbm>> -> memref<10240x128xf32, #tpu.memory_space<hbm>>
        tpu.wait_indirect_dma semaphore(%arg12 : memref<!tpu.dma_semaphore, #tpu.memory_space<semaphore_mem>>) src(%dma_wait3A_75 : memref<10240x128xf32, #tpu.memory_space<hbm>>) dst(%arg10 : memref<128x128xf32, #tpu.memory_space<vmem>>)
        %run_scoped3A = arith.constant 1 : i32
        "tpu.region"() ({
          %run_scoped3A_76 = tpu.sem_alloc : memref<!tpu.dma_semaphore, #tpu.memory_space<semaphore_mem>>
          %dma_start3A_77 = arith.constant 0 : i32
          %dma_start3A_78 = tpu.memref_slice %arg9[%run_scoped3A, %dma_start3A_77] : memref<2x128xi32, #tpu.memory_space<vmem>> -> memref<1x128xi32, #tpu.memory_space<vmem>>
          %dma_start3A_79 = tpu.memref_squeeze %dma_start3A_78 : memref<1x128xi32, #tpu.memory_space<vmem>> -> memref<128xi32, #tpu.memory_space<vmem>>
          %dma_start3A_80 = arith.constant 0 : i32
          %dma_start3A_81 = arith.constant 0 : i32
          %dma_start3A_82 = tpu.memref_slice %arg11[%dma_start3A_80, %dma_start3A_81] : memref<10240x128xf32, #tpu.memory_space<vmem_shared>> -> memref<10240x128xf32, #tpu.memory_space<vmem_shared>>
          tpu.enqueue_indirect_dma source(%arg10 : memref<128x128xf32, #tpu.memory_space<vmem>>) target(%dma_start3A_82 : memref<10240x128xf32, #tpu.memory_space<vmem_shared>>) offsets(%dma_start3A_79 : memref<128xi32, #tpu.memory_space<vmem>>) semaphore(%run_scoped3A_76 : memref<!tpu.dma_semaphore, #tpu.memory_space<semaphore_mem>>) {add = true}
          %dma_wait3A_83 = arith.constant 0 : i32
          %dma_wait3A_84 = tpu.memref_slice %arg9[%run_scoped3A, %dma_wait3A_83] : memref<2x128xi32, #tpu.memory_space<vmem>> -> memref<1x128xi32, #tpu.memory_space<vmem>>
          %dma_wait3A_85 = tpu.memref_squeeze %dma_wait3A_84 : memref<1x128xi32, #tpu.memory_space<vmem>> -> memref<128xi32, #tpu.memory_space<vmem>>
          %dma_wait3A_86 = arith.constant 0 : i32
          %dma_wait3A_87 = arith.constant 0 : i32
          %dma_wait3A_88 = tpu.memref_slice %arg11[%dma_wait3A_86, %dma_wait3A_87] : memref<10240x128xf32, #tpu.memory_space<vmem_shared>> -> memref<10240x128xf32, #tpu.memory_space<vmem_shared>>
          tpu.wait_indirect_dma semaphore(%run_scoped3A_76 : memref<!tpu.dma_semaphore, #tpu.memory_space<semaphore_mem>>) src(%arg10 : memref<128x128xf32, #tpu.memory_space<vmem>>) dst(%dma_wait3A_88 : memref<10240x128xf32, #tpu.memory_space<vmem_shared>>)
          tpu.yield
        }) : () -> ()
      }
      %scan3A_60 = arith.constant 157 : i32
    } else {
    }
    %eq3A_40 = arith.constant 1 : i32
    %eq3A_41 = arith.cmpi eq, %arg0, %eq3A_40 : i32
    %convert_element_type3A_42 = arith.extui %eq3A_41 : i1 to i32
    %cond3A_43 = arith.constant 0 : i32
    %cond3A_44 = arith.cmpi ne, %convert_element_type3A_42, %cond3A_43 : i32
    scf.if %cond3A_44 {
      %scan3A = arith.constant 0 : i32
      %scan3A_56 = arith.constant 0 : i32
      %scan3A_57 = arith.constant 157 : i32
      %scan3A_58 = arith.addi %scan3A_56, %scan3A_57 : i32
      %scan3A_59 = arith.constant 1 : i32
      scf.for %scan3A_61 = %scan3A_56 to %scan3A_58 step %scan3A_59  : i32 {
        "tpu.region"() ({
          %run_scoped3A_76 = tpu.sem_alloc : memref<!tpu.dma_semaphore, #tpu.memory_space<semaphore_mem>>
          %dma_start3A_77 = arith.constant 0 : i32
          %dma_start3A_78 = arith.constant 0 : i32
          %dma_start3A_79 = tpu.memref_slice %arg5[%arg1, %scan3A_61, %dma_start3A_77, %dma_start3A_78] : memref<16x157x2x128xi32, #tpu.memory_space<hbm>> -> memref<1x1x2x128xi32, #tpu.memory_space<hbm>>
          %dma_start3A_80 = tpu.memref_squeeze %dma_start3A_79 : memref<1x1x2x128xi32, #tpu.memory_space<hbm>> -> memref<2x128xi32, #tpu.memory_space<hbm>>
          %dma_start3A_81 = arith.constant 0 : i32
          %dma_start3A_82 = arith.constant 0 : i32
          %dma_start3A_83 = tpu.memref_slice %arg5[%arg1, %scan3A_61, %dma_start3A_81, %dma_start3A_82] : memref<16x157x2x128xi32, #tpu.memory_space<hbm>> -> memref<1x1x2x128xi32, #tpu.memory_space<hbm>>
          %dma_start3A_84 = tpu.memref_squeeze %dma_start3A_83 : memref<1x1x2x128xi32, #tpu.memory_space<hbm>> -> memref<2x128xi32, #tpu.memory_space<hbm>>
          tpu.enqueue_dma source(%dma_start3A_84 : memref<2x128xi32, #tpu.memory_space<hbm>>) target(%arg9 : memref<2x128xi32, #tpu.memory_space<vmem>>) target_semaphore(%run_scoped3A_76 : memref<!tpu.dma_semaphore, #tpu.memory_space<semaphore_mem>>)
          %dma_wait3A_85 = arith.constant 0 : i32
          %dma_wait3A_86 = arith.constant 0 : i32
          %dma_wait3A_87 = tpu.memref_slice %arg5[%arg1, %scan3A_61, %dma_wait3A_85, %dma_wait3A_86] : memref<16x157x2x128xi32, #tpu.memory_space<hbm>> -> memref<1x1x2x128xi32, #tpu.memory_space<hbm>>
          %dma_wait3A_88 = tpu.memref_squeeze %dma_wait3A_87 : memref<1x1x2x128xi32, #tpu.memory_space<hbm>> -> memref<2x128xi32, #tpu.memory_space<hbm>>
          %dma_wait3A_89 = arith.constant 0 : i32
          %dma_wait3A_90 = arith.constant 0 : i32
          %dma_wait3A_91 = tpu.memref_slice %arg5[%arg1, %scan3A_61, %dma_wait3A_89, %dma_wait3A_90] : memref<16x157x2x128xi32, #tpu.memory_space<hbm>> -> memref<1x1x2x128xi32, #tpu.memory_space<hbm>>
          %dma_wait3A_92 = tpu.memref_squeeze %dma_wait3A_91 : memref<1x1x2x128xi32, #tpu.memory_space<hbm>> -> memref<2x128xi32, #tpu.memory_space<hbm>>
          tpu.wait_dma2 semaphore(%run_scoped3A_76 : memref<!tpu.dma_semaphore, #tpu.memory_space<semaphore_mem>>) src(%dma_wait3A_92 : memref<2x128xi32, #tpu.memory_space<hbm>>) dst(%arg9 : memref<2x128xi32, #tpu.memory_space<vmem>>)
          tpu.yield
        }) : () -> ()
        %dma_start3A_62 = arith.constant 0 : i32
        %dma_start3A_63 = arith.constant 0 : i32
        %dma_start3A_64 = tpu.memref_slice %arg9[%dma_start3A_62, %dma_start3A_63] : memref<2x128xi32, #tpu.memory_space<vmem>> -> memref<1x128xi32, #tpu.memory_space<vmem>>
        %dma_start3A_65 = tpu.memref_squeeze %dma_start3A_64 : memref<1x128xi32, #tpu.memory_space<vmem>> -> memref<128xi32, #tpu.memory_space<vmem>>
        %dma_start3A_66 = arith.constant 0 : i32
        %dma_start3A_67 = arith.constant 0 : i32
        %dma_start3A_68 = tpu.memref_slice %arg3[%dma_start3A_66, %dma_start3A_67] : memref<10240x128xf32, #tpu.memory_space<hbm>> -> memref<10240x128xf32, #tpu.memory_space<hbm>>
        tpu.enqueue_indirect_dma source(%dma_start3A_68 : memref<10240x128xf32, #tpu.memory_space<hbm>>) target(%arg10 : memref<128x128xf32, #tpu.memory_space<vmem>>) offsets(%dma_start3A_65 : memref<128xi32, #tpu.memory_space<vmem>>) semaphore(%arg12 : memref<!tpu.dma_semaphore, #tpu.memory_space<semaphore_mem>>)
        %dma_wait3A_69 = arith.constant 0 : i32
        %dma_wait3A_70 = arith.constant 0 : i32
        %dma_wait3A_71 = tpu.memref_slice %arg9[%dma_wait3A_69, %dma_wait3A_70] : memref<2x128xi32, #tpu.memory_space<vmem>> -> memref<1x128xi32, #tpu.memory_space<vmem>>
        %dma_wait3A_72 = tpu.memref_squeeze %dma_wait3A_71 : memref<1x128xi32, #tpu.memory_space<vmem>> -> memref<128xi32, #tpu.memory_space<vmem>>
        %dma_wait3A_73 = arith.constant 0 : i32
        %dma_wait3A_74 = arith.constant 0 : i32
        %dma_wait3A_75 = tpu.memref_slice %arg3[%dma_wait3A_73, %dma_wait3A_74] : memref<10240x128xf32, #tpu.memory_space<hbm>> -> memref<10240x128xf32, #tpu.memory_space<hbm>>
        tpu.wait_indirect_dma semaphore(%arg12 : memref<!tpu.dma_semaphore, #tpu.memory_space<semaphore_mem>>) src(%dma_wait3A_75 : memref<10240x128xf32, #tpu.memory_space<hbm>>) dst(%arg10 : memref<128x128xf32, #tpu.memory_space<vmem>>)
        %run_scoped3A = arith.constant 1 : i32
        "tpu.region"() ({
          %run_scoped3A_76 = tpu.sem_alloc : memref<!tpu.dma_semaphore, #tpu.memory_space<semaphore_mem>>
          %dma_start3A_77 = arith.constant 0 : i32
          %dma_start3A_78 = tpu.memref_slice %arg9[%run_scoped3A, %dma_start3A_77] : memref<2x128xi32, #tpu.memory_space<vmem>> -> memref<1x128xi32, #tpu.memory_space<vmem>>
          %dma_start3A_79 = tpu.memref_squeeze %dma_start3A_78 : memref<1x128xi32, #tpu.memory_space<vmem>> -> memref<128xi32, #tpu.memory_space<vmem>>
          %dma_start3A_80 = arith.constant 0 : i32
          %dma_start3A_81 = arith.constant 0 : i32
          %dma_start3A_82 = tpu.memref_slice %arg11[%dma_start3A_80, %dma_start3A_81] : memref<10240x128xf32, #tpu.memory_space<vmem_shared>> -> memref<10240x128xf32, #tpu.memory_space<vmem_shared>>
          tpu.enqueue_indirect_dma source(%arg10 : memref<128x128xf32, #tpu.memory_space<vmem>>) target(%dma_start3A_82 : memref<10240x128xf32, #tpu.memory_space<vmem_shared>>) offsets(%dma_start3A_79 : memref<128xi32, #tpu.memory_space<vmem>>) semaphore(%run_scoped3A_76 : memref<!tpu.dma_semaphore, #tpu.memory_space<semaphore_mem>>) {add = true}
          %dma_wait3A_83 = arith.constant 0 : i32
          %dma_wait3A_84 = tpu.memref_slice %arg9[%run_scoped3A, %dma_wait3A_83] : memref<2x128xi32, #tpu.memory_space<vmem>> -> memref<1x128xi32, #tpu.memory_space<vmem>>
          %dma_wait3A_85 = tpu.memref_squeeze %dma_wait3A_84 : memref<1x128xi32, #tpu.memory_space<vmem>> -> memref<128xi32, #tpu.memory_space<vmem>>
          %dma_wait3A_86 = arith.constant 0 : i32
          %dma_wait3A_87 = arith.constant 0 : i32
          %dma_wait3A_88 = tpu.memref_slice %arg11[%dma_wait3A_86, %dma_wait3A_87] : memref<10240x128xf32, #tpu.memory_space<vmem_shared>> -> memref<10240x128xf32, #tpu.memory_space<vmem_shared>>
          tpu.wait_indirect_dma semaphore(%run_scoped3A_76 : memref<!tpu.dma_semaphore, #tpu.memory_space<semaphore_mem>>) src(%arg10 : memref<128x128xf32, #tpu.memory_space<vmem>>) dst(%dma_wait3A_88 : memref<10240x128xf32, #tpu.memory_space<vmem_shared>>)
          tpu.yield
        }) : () -> ()
      }
      %scan3A_60 = arith.constant 157 : i32
    } else {
    }
    %barrier3A_45 = arith.constant 0 : index
    tpu.barrier barrier_id(%barrier3A_45)
    %eq3A_46 = arith.constant 0 : i32
    %eq3A_47 = arith.cmpi eq, %arg0, %eq3A_46 : i32
    %convert_element_type3A_48 = arith.extui %eq3A_47 : i1 to i32
    %cond3A_49 = arith.constant 0 : i32
    %cond3A_50 = arith.cmpi ne, %convert_element_type3A_48, %cond3A_49 : i32
    scf.if %cond3A_50 {
      %add3A_56 = arith.constant 0 : i32
      %add3A_57 = arith.addi %mul3A_0, %add3A_56 : i32
      %dma_start3A_58 = arith.constant 0 : i32
      %dma_start3A_59 = tpu.memref_slice %arg7[%add3A_57, %dma_start3A_58] : memref<10240x128xf32, #tpu.memory_space<hbm>> -> memref<128x128xf32, #tpu.memory_space<hbm>>
      %dma_start3A_60 = arith.constant 0 : i32
      %dma_start3A_61 = tpu.memref_slice %arg11[%add3A_57, %dma_start3A_60] : memref<10240x128xf32, #tpu.memory_space<vmem_shared>> -> memref<128x128xf32, #tpu.memory_space<vmem_shared>>
      tpu.enqueue_dma source(%dma_start3A_61 : memref<128x128xf32, #tpu.memory_space<vmem_shared>>) target(%dma_start3A_59 : memref<128x128xf32, #tpu.memory_space<hbm>>) target_semaphore(%arg12 : memref<!tpu.dma_semaphore, #tpu.memory_space<semaphore_mem>>)
      %add3A_62 = arith.constant 128 : i32
      %add3A_63 = arith.addi %mul3A_0, %add3A_62 : i32
      %dma_start3A_64 = arith.constant 0 : i32
      %dma_start3A_65 = tpu.memref_slice %arg7[%add3A_63, %dma_start3A_64] : memref<10240x128xf32, #tpu.memory_space<hbm>> -> memref<128x128xf32, #tpu.memory_space<hbm>>
      %dma_start3A_66 = arith.constant 0 : i32
      %dma_start3A_67 = tpu.memref_slice %arg11[%add3A_63, %dma_start3A_66] : memref<10240x128xf32, #tpu.memory_space<vmem_shared>> -> memref<128x128xf32, #tpu.memory_space<vmem_shared>>
      tpu.enqueue_dma source(%dma_start3A_67 : memref<128x128xf32, #tpu.memory_space<vmem_shared>>) target(%dma_start3A_65 : memref<128x128xf32, #tpu.memory_space<hbm>>) target_semaphore(%arg12 : memref<!tpu.dma_semaphore, #tpu.memory_space<semaphore_mem>>)
      %add3A_68 = arith.constant 256 : i32
      %add3A_69 = arith.addi %mul3A_0, %add3A_68 : i32
      %dma_start3A_70 = arith.constant 0 : i32
      %dma_start3A_71 = tpu.memref_slice %arg7[%add3A_69, %dma_start3A_70] : memref<10240x128xf32, #tpu.memory_space<hbm>> -> memref<128x128xf32, #tpu.memory_space<hbm>>
      %dma_start3A_72 = arith.constant 0 : i32
      %dma_start3A_73 = tpu.memref_slice %arg11[%add3A_69, %dma_start3A_72] : memref<10240x128xf32, #tpu.memory_space<vmem_shared>> -> memref<128x128xf32, #tpu.memory_space<vmem_shared>>
      tpu.enqueue_dma source(%dma_start3A_73 : memref<128x128xf32, #tpu.memory_space<vmem_shared>>) target(%dma_start3A_71 : memref<128x128xf32, #tpu.memory_space<hbm>>) target_semaphore(%arg12 : memref<!tpu.dma_semaphore, #tpu.memory_space<semaphore_mem>>)
      %add3A_74 = arith.constant 384 : i32
      %add3A_75 = arith.addi %mul3A_0, %add3A_74 : i32
      %dma_start3A_76 = arith.constant 0 : i32
      %dma_start3A_77 = tpu.memref_slice %arg7[%add3A_75, %dma_start3A_76] : memref<10240x128xf32, #tpu.memory_space<hbm>> -> memref<128x128xf32, #tpu.memory_space<hbm>>
      %dma_start3A_78 = arith.constant 0 : i32
      %dma_start3A_79 = tpu.memref_slice %arg11[%add3A_75, %dma_start3A_78] : memref<10240x128xf32, #tpu.memory_space<vmem_shared>> -> memref<128x128xf32, #tpu.memory_space<vmem_shared>>
      tpu.enqueue_dma source(%dma_start3A_79 : memref<128x128xf32, #tpu.memory_space<vmem_shared>>) target(%dma_start3A_77 : memref<128x128xf32, #tpu.memory_space<hbm>>) target_semaphore(%arg12 : memref<!tpu.dma_semaphore, #tpu.memory_space<semaphore_mem>>)
      %add3A_80 = arith.constant 512 : i32
      %add3A_81 = arith.addi %mul3A_0, %add3A_80 : i32
      %dma_start3A_82 = arith.constant 0 : i32
      %dma_start3A_83 = tpu.memref_slice %arg7[%add3A_81, %dma_start3A_82] : memref<10240x128xf32, #tpu.memory_space<hbm>> -> memref<128x128xf32, #tpu.memory_space<hbm>>
      %dma_start3A_84 = arith.constant 0 : i32
      %dma_start3A_85 = tpu.memref_slice %arg11[%add3A_81, %dma_start3A_84] : memref<10240x128xf32, #tpu.memory_space<vmem_shared>> -> memref<128x128xf32, #tpu.memory_space<vmem_shared>>
      tpu.enqueue_dma source(%dma_start3A_85 : memref<128x128xf32, #tpu.memory_space<vmem_shared>>) target(%dma_start3A_83 : memref<128x128xf32, #tpu.memory_space<hbm>>) target_semaphore(%arg12 : memref<!tpu.dma_semaphore, #tpu.memory_space<semaphore_mem>>)
      %add3A_86 = arith.constant 0 : i32
      %add3A_87 = arith.addi %mul3A_0, %add3A_86 : i32
      %dma_wait3A_88 = arith.constant 0 : i32
      %dma_wait3A_89 = tpu.memref_slice %arg7[%add3A_87, %dma_wait3A_88] : memref<10240x128xf32, #tpu.memory_space<hbm>> -> memref<128x128xf32, #tpu.memory_space<hbm>>
      %dma_wait3A_90 = arith.constant 0 : i32
      %dma_wait3A_91 = tpu.memref_slice %arg11[%add3A_87, %dma_wait3A_90] : memref<10240x128xf32, #tpu.memory_space<vmem_shared>> -> memref<128x128xf32, #tpu.memory_space<vmem_shared>>
      tpu.wait_dma2 semaphore(%arg12 : memref<!tpu.dma_semaphore, #tpu.memory_space<semaphore_mem>>) src(%dma_wait3A_91 : memref<128x128xf32, #tpu.memory_space<vmem_shared>>) dst(%dma_wait3A_89 : memref<128x128xf32, #tpu.memory_space<hbm>>)
      %add3A_92 = arith.constant 128 : i32
      %add3A_93 = arith.addi %mul3A_0, %add3A_92 : i32
      %dma_wait3A_94 = arith.constant 0 : i32
      %dma_wait3A_95 = tpu.memref_slice %arg7[%add3A_93, %dma_wait3A_94] : memref<10240x128xf32, #tpu.memory_space<hbm>> -> memref<128x128xf32, #tpu.memory_space<hbm>>
      %dma_wait3A_96 = arith.constant 0 : i32
      %dma_wait3A_97 = tpu.memref_slice %arg11[%add3A_93, %dma_wait3A_96] : memref<10240x128xf32, #tpu.memory_space<vmem_shared>> -> memref<128x128xf32, #tpu.memory_space<vmem_shared>>
      tpu.wait_dma2 semaphore(%arg12 : memref<!tpu.dma_semaphore, #tpu.memory_space<semaphore_mem>>) src(%dma_wait3A_97 : memref<128x128xf32, #tpu.memory_space<vmem_shared>>) dst(%dma_wait3A_95 : memref<128x128xf32, #tpu.memory_space<hbm>>)
      %add3A_98 = arith.constant 256 : i32
      %add3A_99 = arith.addi %mul3A_0, %add3A_98 : i32
      %dma_wait3A_100 = arith.constant 0 : i32
      %dma_wait3A_101 = tpu.memref_slice %arg7[%add3A_99, %dma_wait3A_100] : memref<10240x128xf32, #tpu.memory_space<hbm>> -> memref<128x128xf32, #tpu.memory_space<hbm>>
      %dma_wait3A_102 = arith.constant 0 : i32
      %dma_wait3A_103 = tpu.memref_slice %arg11[%add3A_99, %dma_wait3A_102] : memref<10240x128xf32, #tpu.memory_space<vmem_shared>> -> memref<128x128xf32, #tpu.memory_space<vmem_shared>>
      tpu.wait_dma2 semaphore(%arg12 : memref<!tpu.dma_semaphore, #tpu.memory_space<semaphore_mem>>) src(%dma_wait3A_103 : memref<128x128xf32, #tpu.memory_space<vmem_shared>>) dst(%dma_wait3A_101 : memref<128x128xf32, #tpu.memory_space<hbm>>)
      %add3A_104 = arith.constant 384 : i32
      %add3A_105 = arith.addi %mul3A_0, %add3A_104 : i32
      %dma_wait3A_106 = arith.constant 0 : i32
      %dma_wait3A_107 = tpu.memref_slice %arg7[%add3A_105, %dma_wait3A_106] : memref<10240x128xf32, #tpu.memory_space<hbm>> -> memref<128x128xf32, #tpu.memory_space<hbm>>
      %dma_wait3A_108 = arith.constant 0 : i32
      %dma_wait3A_109 = tpu.memref_slice %arg11[%add3A_105, %dma_wait3A_108] : memref<10240x128xf32, #tpu.memory_space<vmem_shared>> -> memref<128x128xf32, #tpu.memory_space<vmem_shared>>
      tpu.wait_dma2 semaphore(%arg12 : memref<!tpu.dma_semaphore, #tpu.memory_space<semaphore_mem>>) src(%dma_wait3A_109 : memref<128x128xf32, #tpu.memory_space<vmem_shared>>) dst(%dma_wait3A_107 : memref<128x128xf32, #tpu.memory_space<hbm>>)
      %add3A_110 = arith.constant 512 : i32
      %add3A_111 = arith.addi %mul3A_0, %add3A_110 : i32
      %dma_wait3A_112 = arith.constant 0 : i32
      %dma_wait3A_113 = tpu.memref_slice %arg7[%add3A_111, %dma_wait3A_112] : memref<10240x128xf32, #tpu.memory_space<hbm>> -> memref<128x128xf32, #tpu.memory_space<hbm>>
      %dma_wait3A_114 = arith.constant 0 : i32
      %dma_wait3A_115 = tpu.memref_slice %arg11[%add3A_111, %dma_wait3A_114] : memref<10240x128xf32, #tpu.memory_space<vmem_shared>> -> memref<128x128xf32, #tpu.memory_space<vmem_shared>>
      tpu.wait_dma2 semaphore(%arg12 : memref<!tpu.dma_semaphore, #tpu.memory_space<semaphore_mem>>) src(%dma_wait3A_115 : memref<128x128xf32, #tpu.memory_space<vmem_shared>>) dst(%dma_wait3A_113 : memref<128x128xf32, #tpu.memory_space<hbm>>)
    } else {
    }
    %eq3A_51 = arith.constant 1 : i32
    %eq3A_52 = arith.cmpi eq, %arg0, %eq3A_51 : i32
    %convert_element_type3A_53 = arith.extui %eq3A_52 : i1 to i32
    %cond3A_54 = arith.constant 0 : i32
    %cond3A_55 = arith.cmpi ne, %convert_element_type3A_53, %cond3A_54 : i32
    scf.if %cond3A_55 {
      %add3A_56 = arith.constant 0 : i32
      %add3A_57 = arith.addi %mul3A_0, %add3A_56 : i32
      %dma_start3A_58 = arith.constant 0 : i32
      %dma_start3A_59 = tpu.memref_slice %arg8[%add3A_57, %dma_start3A_58] : memref<10240x128xf32, #tpu.memory_space<hbm>> -> memref<128x128xf32, #tpu.memory_space<hbm>>
      %dma_start3A_60 = arith.constant 0 : i32
      %dma_start3A_61 = tpu.memref_slice %arg11[%add3A_57, %dma_start3A_60] : memref<10240x128xf32, #tpu.memory_space<vmem_shared>> -> memref<128x128xf32, #tpu.memory_space<vmem_shared>>
      tpu.enqueue_dma source(%dma_start3A_61 : memref<128x128xf32, #tpu.memory_space<vmem_shared>>) target(%dma_start3A_59 : memref<128x128xf32, #tpu.memory_space<hbm>>) target_semaphore(%arg12 : memref<!tpu.dma_semaphore, #tpu.memory_space<semaphore_mem>>)
      %add3A_62 = arith.constant 128 : i32
      %add3A_63 = arith.addi %mul3A_0, %add3A_62 : i32
      %dma_start3A_64 = arith.constant 0 : i32
      %dma_start3A_65 = tpu.memref_slice %arg8[%add3A_63, %dma_start3A_64] : memref<10240x128xf32, #tpu.memory_space<hbm>> -> memref<128x128xf32, #tpu.memory_space<hbm>>
      %dma_start3A_66 = arith.constant 0 : i32
      %dma_start3A_67 = tpu.memref_slice %arg11[%add3A_63, %dma_start3A_66] : memref<10240x128xf32, #tpu.memory_space<vmem_shared>> -> memref<128x128xf32, #tpu.memory_space<vmem_shared>>
      tpu.enqueue_dma source(%dma_start3A_67 : memref<128x128xf32, #tpu.memory_space<vmem_shared>>) target(%dma_start3A_65 : memref<128x128xf32, #tpu.memory_space<hbm>>) target_semaphore(%arg12 : memref<!tpu.dma_semaphore, #tpu.memory_space<semaphore_mem>>)
      %add3A_68 = arith.constant 256 : i32
      %add3A_69 = arith.addi %mul3A_0, %add3A_68 : i32
      %dma_start3A_70 = arith.constant 0 : i32
      %dma_start3A_71 = tpu.memref_slice %arg8[%add3A_69, %dma_start3A_70] : memref<10240x128xf32, #tpu.memory_space<hbm>> -> memref<128x128xf32, #tpu.memory_space<hbm>>
      %dma_start3A_72 = arith.constant 0 : i32
      %dma_start3A_73 = tpu.memref_slice %arg11[%add3A_69, %dma_start3A_72] : memref<10240x128xf32, #tpu.memory_space<vmem_shared>> -> memref<128x128xf32, #tpu.memory_space<vmem_shared>>
      tpu.enqueue_dma source(%dma_start3A_73 : memref<128x128xf32, #tpu.memory_space<vmem_shared>>) target(%dma_start3A_71 : memref<128x128xf32, #tpu.memory_space<hbm>>) target_semaphore(%arg12 : memref<!tpu.dma_semaphore, #tpu.memory_space<semaphore_mem>>)
      %add3A_74 = arith.constant 384 : i32
      %add3A_75 = arith.addi %mul3A_0, %add3A_74 : i32
      %dma_start3A_76 = arith.constant 0 : i32
      %dma_start3A_77 = tpu.memref_slice %arg8[%add3A_75, %dma_start3A_76] : memref<10240x128xf32, #tpu.memory_space<hbm>> -> memref<128x128xf32, #tpu.memory_space<hbm>>
      %dma_start3A_78 = arith.constant 0 : i32
      %dma_start3A_79 = tpu.memref_slice %arg11[%add3A_75, %dma_start3A_78] : memref<10240x128xf32, #tpu.memory_space<vmem_shared>> -> memref<128x128xf32, #tpu.memory_space<vmem_shared>>
      tpu.enqueue_dma source(%dma_start3A_79 : memref<128x128xf32, #tpu.memory_space<vmem_shared>>) target(%dma_start3A_77 : memref<128x128xf32, #tpu.memory_space<hbm>>) target_semaphore(%arg12 : memref<!tpu.dma_semaphore, #tpu.memory_space<semaphore_mem>>)
      %add3A_80 = arith.constant 512 : i32
      %add3A_81 = arith.addi %mul3A_0, %add3A_80 : i32
      %dma_start3A_82 = arith.constant 0 : i32
      %dma_start3A_83 = tpu.memref_slice %arg8[%add3A_81, %dma_start3A_82] : memref<10240x128xf32, #tpu.memory_space<hbm>> -> memref<128x128xf32, #tpu.memory_space<hbm>>
      %dma_start3A_84 = arith.constant 0 : i32
      %dma_start3A_85 = tpu.memref_slice %arg11[%add3A_81, %dma_start3A_84] : memref<10240x128xf32, #tpu.memory_space<vmem_shared>> -> memref<128x128xf32, #tpu.memory_space<vmem_shared>>
      tpu.enqueue_dma source(%dma_start3A_85 : memref<128x128xf32, #tpu.memory_space<vmem_shared>>) target(%dma_start3A_83 : memref<128x128xf32, #tpu.memory_space<hbm>>) target_semaphore(%arg12 : memref<!tpu.dma_semaphore, #tpu.memory_space<semaphore_mem>>)
      %add3A_86 = arith.constant 0 : i32
      %add3A_87 = arith.addi %mul3A_0, %add3A_86 : i32
      %dma_wait3A_88 = arith.constant 0 : i32
      %dma_wait3A_89 = tpu.memref_slice %arg8[%add3A_87, %dma_wait3A_88] : memref<10240x128xf32, #tpu.memory_space<hbm>> -> memref<128x128xf32, #tpu.memory_space<hbm>>
      %dma_wait3A_90 = arith.constant 0 : i32
      %dma_wait3A_91 = tpu.memref_slice %arg11[%add3A_87, %dma_wait3A_90] : memref<10240x128xf32, #tpu.memory_space<vmem_shared>> -> memref<128x128xf32, #tpu.memory_space<vmem_shared>>
      tpu.wait_dma2 semaphore(%arg12 : memref<!tpu.dma_semaphore, #tpu.memory_space<semaphore_mem>>) src(%dma_wait3A_91 : memref<128x128xf32, #tpu.memory_space<vmem_shared>>) dst(%dma_wait3A_89 : memref<128x128xf32, #tpu.memory_space<hbm>>)
      %add3A_92 = arith.constant 128 : i32
      %add3A_93 = arith.addi %mul3A_0, %add3A_92 : i32
      %dma_wait3A_94 = arith.constant 0 : i32
      %dma_wait3A_95 = tpu.memref_slice %arg8[%add3A_93, %dma_wait3A_94] : memref<10240x128xf32, #tpu.memory_space<hbm>> -> memref<128x128xf32, #tpu.memory_space<hbm>>
      %dma_wait3A_96 = arith.constant 0 : i32
      %dma_wait3A_97 = tpu.memref_slice %arg11[%add3A_93, %dma_wait3A_96] : memref<10240x128xf32, #tpu.memory_space<vmem_shared>> -> memref<128x128xf32, #tpu.memory_space<vmem_shared>>
      tpu.wait_dma2 semaphore(%arg12 : memref<!tpu.dma_semaphore, #tpu.memory_space<semaphore_mem>>) src(%dma_wait3A_97 : memref<128x128xf32, #tpu.memory_space<vmem_shared>>) dst(%dma_wait3A_95 : memref<128x128xf32, #tpu.memory_space<hbm>>)
      %add3A_98 = arith.constant 256 : i32
      %add3A_99 = arith.addi %mul3A_0, %add3A_98 : i32
      %dma_wait3A_100 = arith.constant 0 : i32
      %dma_wait3A_101 = tpu.memref_slice %arg8[%add3A_99, %dma_wait3A_100] : memref<10240x128xf32, #tpu.memory_space<hbm>> -> memref<128x128xf32, #tpu.memory_space<hbm>>
      %dma_wait3A_102 = arith.constant 0 : i32
      %dma_wait3A_103 = tpu.memref_slice %arg11[%add3A_99, %dma_wait3A_102] : memref<10240x128xf32, #tpu.memory_space<vmem_shared>> -> memref<128x128xf32, #tpu.memory_space<vmem_shared>>
      tpu.wait_dma2 semaphore(%arg12 : memref<!tpu.dma_semaphore, #tpu.memory_space<semaphore_mem>>) src(%dma_wait3A_103 : memref<128x128xf32, #tpu.memory_space<vmem_shared>>) dst(%dma_wait3A_101 : memref<128x128xf32, #tpu.memory_space<hbm>>)
      %add3A_104 = arith.constant 384 : i32
      %add3A_105 = arith.addi %mul3A_0, %add3A_104 : i32
      %dma_wait3A_106 = arith.constant 0 : i32
      %dma_wait3A_107 = tpu.memref_slice %arg8[%add3A_105, %dma_wait3A_106] : memref<10240x128xf32, #tpu.memory_space<hbm>> -> memref<128x128xf32, #tpu.memory_space<hbm>>
      %dma_wait3A_108 = arith.constant 0 : i32
      %dma_wait3A_109 = tpu.memref_slice %arg11[%add3A_105, %dma_wait3A_108] : memref<10240x128xf32, #tpu.memory_space<vmem_shared>> -> memref<128x128xf32, #tpu.memory_space<vmem_shared>>
      tpu.wait_dma2 semaphore(%arg12 : memref<!tpu.dma_semaphore, #tpu.memory_space<semaphore_mem>>) src(%dma_wait3A_109 : memref<128x128xf32, #tpu.memory_space<vmem_shared>>) dst(%dma_wait3A_107 : memref<128x128xf32, #tpu.memory_space<hbm>>)
      %add3A_110 = arith.constant 512 : i32
      %add3A_111 = arith.addi %mul3A_0, %add3A_110 : i32
      %dma_wait3A_112 = arith.constant 0 : i32
      %dma_wait3A_113 = tpu.memref_slice %arg8[%add3A_111, %dma_wait3A_112] : memref<10240x128xf32, #tpu.memory_space<hbm>> -> memref<128x128xf32, #tpu.memory_space<hbm>>
      %dma_wait3A_114 = arith.constant 0 : i32
      %dma_wait3A_115 = tpu.memref_slice %arg11[%add3A_111, %dma_wait3A_114] : memref<10240x128xf32, #tpu.memory_space<vmem_shared>> -> memref<128x128xf32, #tpu.memory_space<vmem_shared>>
      tpu.wait_dma2 semaphore(%arg12 : memref<!tpu.dma_semaphore, #tpu.memory_space<semaphore_mem>>) src(%dma_wait3A_115 : memref<128x128xf32, #tpu.memory_space<vmem_shared>>) dst(%dma_wait3A_113 : memref<128x128xf32, #tpu.memory_space<hbm>>)
    } else {
    }
    return
  }
}

module attributes {stable_mosaic.version = 14 : i64} {
  func.func @_stage_a_body(%arg0: i32, %arg1: memref<512x1xf32, #tpu.memory_space<vmem>>, %arg2: memref<512x1xf32, #tpu.memory_space<vmem>>, %arg3: memref<512x128xf32, #tpu.memory_space<vmem>>, %arg4: memref<512x128xf32, #tpu.memory_space<vmem>>, %arg5: memref<128x128xf32, #tpu.memory_space<vmem>>, %arg6: memref<512x128xf32, #tpu.memory_space<vmem>>, %arg7: memref<512x128xf32, #tpu.memory_space<vmem>>, %arg8: memref<512x1xf32, #tpu.memory_space<vmem>>, %arg9: memref<512x1xf32, #tpu.memory_space<vmem>>) attributes {dimension_semantics = [#tpu.dimension_semantics<arbitrary>], iteration_bounds = array<i64: 20>, scalar_prefetch = 0 : i64, scratch_operands = 0 : i64, tpu.core_type = #tpu.core_type<tc>, window_params = [{transform_indices = @transform_0, window_bounds = array<i64: 512, 1>}, {transform_indices = @transform_1, window_bounds = array<i64: 512, 1>}, {transform_indices = @transform_2, window_bounds = array<i64: 512, 128>}, {transform_indices = @transform_3, window_bounds = array<i64: 512, 128>}, {pipeline_mode = #tpu.pipeline_mode<synchronous>, transform_indices = @transform_4, window_bounds = array<i64: 128, 128>}, {transform_indices = @transform_5, window_bounds = array<i64: 512, 128>}, {transform_indices = @transform_6, window_bounds = array<i64: 512, 128>}, {transform_indices = @transform_7, window_bounds = array<i64: 512, 1>}, {transform_indices = @transform_8, window_bounds = array<i64: 512, 1>}]} {
    %get3A = arith.constant 0 : index
    %get3A_0 = arith.constant 0 : index
    %get3A_1 = vector.load %arg1[%get3A, %get3A_0] : memref<512x1xf32, #tpu.memory_space<vmem>>, vector<512x1xf32>
    %add3A = arith.constant 1.000000e+00 : f32
    %add3A_2 = vector.broadcast %add3A : f32 to vector<512x1xf32>
    %add3A_3 = arith.addf %get3A_1, %add3A_2 : vector<512x1xf32>
    %rsqrt3A = math.rsqrt %add3A_3 : vector<512x1xf32>
    %get3A_4 = arith.constant 0 : index
    %get3A_5 = arith.constant 0 : index
    %get3A_6 = vector.load %arg2[%get3A_4, %get3A_5] : memref<512x1xf32, #tpu.memory_space<vmem>>, vector<512x1xf32>
    %add3A_7 = arith.constant 1.000000e+00 : f32
    %add3A_8 = vector.broadcast %add3A_7 : f32 to vector<512x1xf32>
    %add3A_9 = arith.addf %get3A_6, %add3A_8 : vector<512x1xf32>
    %rsqrt3A_10 = math.rsqrt %add3A_9 : vector<512x1xf32>
    %swap3A = arith.constant 0 : index
    %swap3A_11 = arith.constant 0 : index
    %swap3A_12 = vector.load %arg8[%swap3A, %swap3A_11] : memref<512x1xf32, #tpu.memory_space<vmem>>, vector<512x1xf32>
    tpu.vector_store %arg8[%swap3A, %swap3A_11], %rsqrt3A {strides = array<i32>} : memref<512x1xf32, #tpu.memory_space<vmem>>, vector<512x1xf32>,
    %swap3A_13 = arith.constant 0 : index
    %swap3A_14 = arith.constant 0 : index
    %swap3A_15 = vector.load %arg9[%swap3A_13, %swap3A_14] : memref<512x1xf32, #tpu.memory_space<vmem>>, vector<512x1xf32>
    tpu.vector_store %arg9[%swap3A_13, %swap3A_14], %rsqrt3A_10 {strides = array<i32>} : memref<512x1xf32, #tpu.memory_space<vmem>>, vector<512x1xf32>,
    %get3A_16 = arith.constant 0 : index
    %get3A_17 = arith.constant 0 : index
    %get3A_18 = vector.load %arg3[%get3A_16, %get3A_17] : memref<512x128xf32, #tpu.memory_space<vmem>>, vector<512x128xf32>
    %get3A_19 = arith.constant 0 : index
    %get3A_20 = arith.constant 0 : index
    %get3A_21 = vector.load %arg5[%get3A_19, %get3A_20] : memref<128x128xf32, #tpu.memory_space<vmem>>, vector<128x128xf32>
    %dot_general3A = arith.constant dense<0.000000e+00> : vector<512x128xf32>
    %dot_general3A_22 = tpu.matmul %get3A_18, %get3A_21, %dot_general3A {dimension_numbers = #tpu.dot_dimension_numbers<[1], [0], [0], [1], [0, 0, 1, 1], [], []>, transpose_lhs_hint = false} : vector<512x128xf32>, vector<128x128xf32>, vector<512x128xf32> -> vector<512x128xf32>
    %mul3A = vector.broadcast %rsqrt3A : vector<512x1xf32> to vector<512x128xf32>
    %mul3A_23 = arith.mulf %dot_general3A_22, %mul3A : vector<512x128xf32>
    %swap3A_24 = arith.constant 0 : index
    %swap3A_25 = arith.constant 0 : index
    %swap3A_26 = vector.load %arg6[%swap3A_24, %swap3A_25] : memref<512x128xf32, #tpu.memory_space<vmem>>, vector<512x128xf32>
    tpu.vector_store %arg6[%swap3A_24, %swap3A_25], %mul3A_23 {strides = array<i32>} : memref<512x128xf32, #tpu.memory_space<vmem>>, vector<512x128xf32>,
    %get3A_27 = arith.constant 0 : index
    %get3A_28 = arith.constant 0 : index
    %get3A_29 = vector.load %arg4[%get3A_27, %get3A_28] : memref<512x128xf32, #tpu.memory_space<vmem>>, vector<512x128xf32>
    %get3A_30 = arith.constant 0 : index
    %get3A_31 = arith.constant 0 : index
    %get3A_32 = vector.load %arg5[%get3A_30, %get3A_31] : memref<128x128xf32, #tpu.memory_space<vmem>>, vector<128x128xf32>
    %dot_general3A_33 = arith.constant dense<0.000000e+00> : vector<512x128xf32>
    %dot_general3A_34 = tpu.matmul %get3A_29, %get3A_32, %dot_general3A_33 {dimension_numbers = #tpu.dot_dimension_numbers<[1], [0], [0], [1], [0, 0, 1, 1], [], []>, transpose_lhs_hint = false} : vector<512x128xf32>, vector<128x128xf32>, vector<512x128xf32> -> vector<512x128xf32>
    %mul3A_35 = vector.broadcast %rsqrt3A_10 : vector<512x1xf32> to vector<512x128xf32>
    %mul3A_36 = arith.mulf %dot_general3A_34, %mul3A_35 : vector<512x128xf32>
    %swap3A_37 = arith.constant 0 : index
    %swap3A_38 = arith.constant 0 : index
    %swap3A_39 = vector.load %arg7[%swap3A_37, %swap3A_38] : memref<512x128xf32, #tpu.memory_space<vmem>>, vector<512x128xf32>
    tpu.vector_store %arg7[%swap3A_37, %swap3A_38], %mul3A_36 {strides = array<i32>} : memref<512x128xf32, #tpu.memory_space<vmem>>, vector<512x128xf32>,
    return
  }
  func.func @transform_0(%arg0: i32) -> (i32, i32) {
    %c0_i32 = arith.constant 0 : i32
    %c0_i32_0 = arith.constant 0 : i32
    return %arg0, %c0_i32 : i32, i32
  }
  func.func @transform_1(%arg0: i32) -> (i32, i32) {
    %c0_i32 = arith.constant 0 : i32
    %c0_i32_0 = arith.constant 0 : i32
    return %arg0, %c0_i32 : i32, i32
  }
  func.func @transform_2(%arg0: i32) -> (i32, i32) {
    %c0_i32 = arith.constant 0 : i32
    %c0_i32_0 = arith.constant 0 : i32
    return %arg0, %c0_i32 : i32, i32
  }
  func.func @transform_3(%arg0: i32) -> (i32, i32) {
    %c0_i32 = arith.constant 0 : i32
    %c0_i32_0 = arith.constant 0 : i32
    return %arg0, %c0_i32 : i32, i32
  }
  func.func @transform_4(%arg0: i32) -> (i32, i32) {
    %c0_i32 = arith.constant 0 : i32
    %c0_i32_0 = arith.constant 0 : i32
    %c0_i32_1 = arith.constant 0 : i32
    return %c0_i32, %c0_i32_0 : i32, i32
  }
  func.func @transform_5(%arg0: i32) -> (i32, i32) {
    %c0_i32 = arith.constant 0 : i32
    %c0_i32_0 = arith.constant 0 : i32
    return %arg0, %c0_i32 : i32, i32
  }
  func.func @transform_6(%arg0: i32) -> (i32, i32) {
    %c0_i32 = arith.constant 0 : i32
    %c0_i32_0 = arith.constant 0 : i32
    return %arg0, %c0_i32 : i32, i32
  }
  func.func @transform_7(%arg0: i32) -> (i32, i32) {
    %c0_i32 = arith.constant 0 : i32
    %c0_i32_0 = arith.constant 0 : i32
    return %arg0, %c0_i32 : i32, i32
  }
  func.func @transform_8(%arg0: i32) -> (i32, i32) {
    %c0_i32 = arith.constant 0 : i32
    %c0_i32_0 = arith.constant 0 : i32
    return %arg0, %c0_i32 : i32, i32
  }
}

module attributes {stable_mosaic.version = 14 : i64} {
  func.func @_stage_b_body(%arg0: i32, %arg1: memref<512x128xf32, #tpu.memory_space<vmem>>, %arg2: memref<512x128xf32, #tpu.memory_space<vmem>>, %arg3: memref<512x1xf32, #tpu.memory_space<vmem>>, %arg4: memref<512x128xf32, #tpu.memory_space<vmem>>, %arg5: memref<512x128xf32, #tpu.memory_space<vmem>>, %arg6: memref<512x1xf32, #tpu.memory_space<vmem>>, %arg7: memref<1x128xf32, #tpu.memory_space<vmem>>, %arg8: memref<128x128xf32, #tpu.memory_space<vmem>>, %arg9: memref<512x128xf32, #tpu.memory_space<vmem>>, %arg10: memref<512x128xf32, #tpu.memory_space<vmem>>) attributes {dimension_semantics = [#tpu.dimension_semantics<arbitrary>], iteration_bounds = array<i64: 20>, scalar_prefetch = 0 : i64, scratch_operands = 0 : i64, tpu.core_type = #tpu.core_type<tc>, window_params = [{transform_indices = @transform_0, window_bounds = array<i64: 512, 128>}, {transform_indices = @transform_1, window_bounds = array<i64: 512, 128>}, {transform_indices = @transform_2, window_bounds = array<i64: 512, 1>}, {transform_indices = @transform_3, window_bounds = array<i64: 512, 128>}, {transform_indices = @transform_4, window_bounds = array<i64: 512, 128>}, {transform_indices = @transform_5, window_bounds = array<i64: 512, 1>}, {pipeline_mode = #tpu.pipeline_mode<synchronous>, transform_indices = @transform_6, window_bounds = array<i64: 1, 128>}, {pipeline_mode = #tpu.pipeline_mode<synchronous>, transform_indices = @transform_7, window_bounds = array<i64: 128, 128>}, {transform_indices = @transform_8, window_bounds = array<i64: 512, 128>}, {transform_indices = @transform_9, window_bounds = array<i64: 512, 128>}]} {
    %get3A = arith.constant 0 : index
    %get3A_0 = arith.constant 0 : index
    %get3A_1 = vector.load %arg3[%get3A, %get3A_0] : memref<512x1xf32, #tpu.memory_space<vmem>>, vector<512x1xf32>
    %get3A_2 = arith.constant 0 : index
    %get3A_3 = arith.constant 0 : index
    %get3A_4 = vector.load %arg1[%get3A_2, %get3A_3] : memref<512x128xf32, #tpu.memory_space<vmem>>, vector<512x128xf32>
    %get3A_5 = arith.constant 0 : index
    %get3A_6 = arith.constant 0 : index
    %get3A_7 = vector.load %arg2[%get3A_5, %get3A_6] : memref<512x128xf32, #tpu.memory_space<vmem>>, vector<512x128xf32>
    %add3A = arith.addf %get3A_4, %get3A_7 : vector<512x128xf32>
    %mul3A = vector.broadcast %get3A_1 : vector<512x1xf32> to vector<512x128xf32>
    %mul3A_8 = arith.mulf %mul3A, %add3A : vector<512x128xf32>
    %get3A_9 = arith.constant 0 : index
    %get3A_10 = arith.constant 0 : index
    %get3A_11 = vector.load %arg7[%get3A_9, %get3A_10] : memref<1x128xf32, #tpu.memory_space<vmem>>, vector<1x128xf32>
    %add3A_12 = vector.broadcast %get3A_11 : vector<1x128xf32> to vector<512x128xf32>
    %add3A_13 = arith.addf %mul3A_8, %add3A_12 : vector<512x128xf32>
    %max3A = arith.constant 0.000000e+00 : f32
    %max3A_14 = vector.broadcast %max3A : f32 to vector<512x128xf32>
    %max3A_15 = arith.maximumf %add3A_13, %max3A_14 : vector<512x128xf32>
    %get3A_16 = arith.constant 0 : index
    %get3A_17 = arith.constant 0 : index
    %get3A_18 = vector.load %arg8[%get3A_16, %get3A_17] : memref<128x128xf32, #tpu.memory_space<vmem>>, vector<128x128xf32>
    %dot_general3A = arith.constant dense<0.000000e+00> : vector<512x128xf32>
    %dot_general3A_19 = tpu.matmul %max3A_15, %get3A_18, %dot_general3A {dimension_numbers = #tpu.dot_dimension_numbers<[1], [0], [0], [1], [0, 0, 1, 1], [], []>, transpose_lhs_hint = false} : vector<512x128xf32>, vector<128x128xf32>, vector<512x128xf32> -> vector<512x128xf32>
    %get3A_20 = arith.constant 0 : index
    %get3A_21 = arith.constant 0 : index
    %get3A_22 = vector.load %arg3[%get3A_20, %get3A_21] : memref<512x1xf32, #tpu.memory_space<vmem>>, vector<512x1xf32>
    %mul3A_23 = vector.broadcast %get3A_22 : vector<512x1xf32> to vector<512x128xf32>
    %mul3A_24 = arith.mulf %dot_general3A_19, %mul3A_23 : vector<512x128xf32>
    %swap3A = arith.constant 0 : index
    %swap3A_25 = arith.constant 0 : index
    %swap3A_26 = vector.load %arg9[%swap3A, %swap3A_25] : memref<512x128xf32, #tpu.memory_space<vmem>>, vector<512x128xf32>
    tpu.vector_store %arg9[%swap3A, %swap3A_25], %mul3A_24 {strides = array<i32>} : memref<512x128xf32, #tpu.memory_space<vmem>>, vector<512x128xf32>,
    %get3A_27 = arith.constant 0 : index
    %get3A_28 = arith.constant 0 : index
    %get3A_29 = vector.load %arg6[%get3A_27, %get3A_28] : memref<512x1xf32, #tpu.memory_space<vmem>>, vector<512x1xf32>
    %get3A_30 = arith.constant 0 : index
    %get3A_31 = arith.constant 0 : index
    %get3A_32 = vector.load %arg4[%get3A_30, %get3A_31] : memref<512x128xf32, #tpu.memory_space<vmem>>, vector<512x128xf32>
    %get3A_33 = arith.constant 0 : index
    %get3A_34 = arith.constant 0 : index
    %get3A_35 = vector.load %arg5[%get3A_33, %get3A_34] : memref<512x128xf32, #tpu.memory_space<vmem>>, vector<512x128xf32>
    %add3A_36 = arith.addf %get3A_32, %get3A_35 : vector<512x128xf32>
    %mul3A_37 = vector.broadcast %get3A_29 : vector<512x1xf32> to vector<512x128xf32>
    %mul3A_38 = arith.mulf %mul3A_37, %add3A_36 : vector<512x128xf32>
    %get3A_39 = arith.constant 0 : index
    %get3A_40 = arith.constant 0 : index
    %get3A_41 = vector.load %arg7[%get3A_39, %get3A_40] : memref<1x128xf32, #tpu.memory_space<vmem>>, vector<1x128xf32>
    %add3A_42 = vector.broadcast %get3A_41 : vector<1x128xf32> to vector<512x128xf32>
    %add3A_43 = arith.addf %mul3A_38, %add3A_42 : vector<512x128xf32>
    %max3A_44 = arith.constant 0.000000e+00 : f32
    %max3A_45 = vector.broadcast %max3A_44 : f32 to vector<512x128xf32>
    %max3A_46 = arith.maximumf %add3A_43, %max3A_45 : vector<512x128xf32>
    %get3A_47 = arith.constant 0 : index
    %get3A_48 = arith.constant 0 : index
    %get3A_49 = vector.load %arg8[%get3A_47, %get3A_48] : memref<128x128xf32, #tpu.memory_space<vmem>>, vector<128x128xf32>
    %dot_general3A_50 = arith.constant dense<0.000000e+00> : vector<512x128xf32>
    %dot_general3A_51 = tpu.matmul %max3A_46, %get3A_49, %dot_general3A_50 {dimension_numbers = #tpu.dot_dimension_numbers<[1], [0], [0], [1], [0, 0, 1, 1], [], []>, transpose_lhs_hint = false} : vector<512x128xf32>, vector<128x128xf32>, vector<512x128xf32> -> vector<512x128xf32>
    %get3A_52 = arith.constant 0 : index
    %get3A_53 = arith.constant 0 : index
    %get3A_54 = vector.load %arg6[%get3A_52, %get3A_53] : memref<512x1xf32, #tpu.memory_space<vmem>>, vector<512x1xf32>
    %mul3A_55 = vector.broadcast %get3A_54 : vector<512x1xf32> to vector<512x128xf32>
    %mul3A_56 = arith.mulf %dot_general3A_51, %mul3A_55 : vector<512x128xf32>
    %swap3A_57 = arith.constant 0 : index
    %swap3A_58 = arith.constant 0 : index
    %swap3A_59 = vector.load %arg10[%swap3A_57, %swap3A_58] : memref<512x128xf32, #tpu.memory_space<vmem>>, vector<512x128xf32>
    tpu.vector_store %arg10[%swap3A_57, %swap3A_58], %mul3A_56 {strides = array<i32>} : memref<512x128xf32, #tpu.memory_space<vmem>>, vector<512x128xf32>,
    return
  }
  func.func @transform_0(%arg0: i32) -> (i32, i32) {
    %c0_i32 = arith.constant 0 : i32
    %c0_i32_0 = arith.constant 0 : i32
    return %arg0, %c0_i32 : i32, i32
  }
  func.func @transform_1(%arg0: i32) -> (i32, i32) {
    %c0_i32 = arith.constant 0 : i32
    %c0_i32_0 = arith.constant 0 : i32
    return %arg0, %c0_i32 : i32, i32
  }
  func.func @transform_2(%arg0: i32) -> (i32, i32) {
    %c0_i32 = arith.constant 0 : i32
    %c0_i32_0 = arith.constant 0 : i32
    return %arg0, %c0_i32 : i32, i32
  }
  func.func @transform_3(%arg0: i32) -> (i32, i32) {
    %c0_i32 = arith.constant 0 : i32
    %c0_i32_0 = arith.constant 0 : i32
    return %arg0, %c0_i32 : i32, i32
  }
  func.func @transform_4(%arg0: i32) -> (i32, i32) {
    %c0_i32 = arith.constant 0 : i32
    %c0_i32_0 = arith.constant 0 : i32
    return %arg0, %c0_i32 : i32, i32
  }
  func.func @transform_5(%arg0: i32) -> (i32, i32) {
    %c0_i32 = arith.constant 0 : i32
    %c0_i32_0 = arith.constant 0 : i32
    return %arg0, %c0_i32 : i32, i32
  }
  func.func @transform_6(%arg0: i32) -> (i32, i32) {
    %c0_i32 = arith.constant 0 : i32
    %c0_i32_0 = arith.constant 0 : i32
    %c0_i32_1 = arith.constant 0 : i32
    return %c0_i32, %c0_i32_0 : i32, i32
  }
  func.func @transform_7(%arg0: i32) -> (i32, i32) {
    %c0_i32 = arith.constant 0 : i32
    %c0_i32_0 = arith.constant 0 : i32
    %c0_i32_1 = arith.constant 0 : i32
    return %c0_i32, %c0_i32_0 : i32, i32
  }
  func.func @transform_8(%arg0: i32) -> (i32, i32) {
    %c0_i32 = arith.constant 0 : i32
    %c0_i32_0 = arith.constant 0 : i32
    return %arg0, %c0_i32 : i32, i32
  }
  func.func @transform_9(%arg0: i32) -> (i32, i32) {
    %c0_i32 = arith.constant 0 : i32
    %c0_i32_0 = arith.constant 0 : i32
    return %arg0, %c0_i32 : i32, i32
  }
}

module attributes {stable_mosaic.version = 14 : i64} {
  func.func @_stage_c_body(%arg0: i32, %arg1: memref<512x128xf32, #tpu.memory_space<vmem>>, %arg2: memref<512x128xf32, #tpu.memory_space<vmem>>, %arg3: memref<512x1xf32, #tpu.memory_space<vmem>>, %arg4: memref<512x128xf32, #tpu.memory_space<vmem>>, %arg5: memref<512x128xf32, #tpu.memory_space<vmem>>, %arg6: memref<512x1xf32, #tpu.memory_space<vmem>>, %arg7: memref<1x128xf32, #tpu.memory_space<vmem>>, %arg8: memref<128x3xf32, #tpu.memory_space<vmem>>, %arg9: memref<1x3xf32, #tpu.memory_space<vmem>>, %arg10: memref<512x3xf32, #tpu.memory_space<vmem>>, %arg11: memref<512x3xf32, #tpu.memory_space<vmem>>) attributes {dimension_semantics = [#tpu.dimension_semantics<arbitrary>], iteration_bounds = array<i64: 20>, scalar_prefetch = 0 : i64, scratch_operands = 0 : i64, tpu.core_type = #tpu.core_type<tc>, window_params = [{transform_indices = @transform_0, window_bounds = array<i64: 512, 128>}, {transform_indices = @transform_1, window_bounds = array<i64: 512, 128>}, {transform_indices = @transform_2, window_bounds = array<i64: 512, 1>}, {transform_indices = @transform_3, window_bounds = array<i64: 512, 128>}, {transform_indices = @transform_4, window_bounds = array<i64: 512, 128>}, {transform_indices = @transform_5, window_bounds = array<i64: 512, 1>}, {pipeline_mode = #tpu.pipeline_mode<synchronous>, transform_indices = @transform_6, window_bounds = array<i64: 1, 128>}, {pipeline_mode = #tpu.pipeline_mode<synchronous>, transform_indices = @transform_7, window_bounds = array<i64: 128, 3>}, {pipeline_mode = #tpu.pipeline_mode<synchronous>, transform_indices = @transform_8, window_bounds = array<i64: 1, 3>}, {transform_indices = @transform_9, window_bounds = array<i64: 512, 3>}, {transform_indices = @transform_10, window_bounds = array<i64: 512, 3>}]} {
    %get3A = arith.constant 0 : index
    %get3A_0 = arith.constant 0 : index
    %get3A_1 = vector.load %arg3[%get3A, %get3A_0] : memref<512x1xf32, #tpu.memory_space<vmem>>, vector<512x1xf32>
    %get3A_2 = arith.constant 0 : index
    %get3A_3 = arith.constant 0 : index
    %get3A_4 = vector.load %arg1[%get3A_2, %get3A_3] : memref<512x128xf32, #tpu.memory_space<vmem>>, vector<512x128xf32>
    %get3A_5 = arith.constant 0 : index
    %get3A_6 = arith.constant 0 : index
    %get3A_7 = vector.load %arg2[%get3A_5, %get3A_6] : memref<512x128xf32, #tpu.memory_space<vmem>>, vector<512x128xf32>
    %add3A = arith.addf %get3A_4, %get3A_7 : vector<512x128xf32>
    %mul3A = vector.broadcast %get3A_1 : vector<512x1xf32> to vector<512x128xf32>
    %mul3A_8 = arith.mulf %mul3A, %add3A : vector<512x128xf32>
    %get3A_9 = arith.constant 0 : index
    %get3A_10 = arith.constant 0 : index
    %get3A_11 = vector.load %arg7[%get3A_9, %get3A_10] : memref<1x128xf32, #tpu.memory_space<vmem>>, vector<1x128xf32>
    %add3A_12 = vector.broadcast %get3A_11 : vector<1x128xf32> to vector<512x128xf32>
    %add3A_13 = arith.addf %mul3A_8, %add3A_12 : vector<512x128xf32>
    %get3A_14 = arith.constant 0 : index
    %get3A_15 = arith.constant 0 : index
    %get3A_16 = vector.load %arg8[%get3A_14, %get3A_15] : memref<128x3xf32, #tpu.memory_space<vmem>>, vector<128x3xf32>
    %dot_general3A = arith.constant dense<0.000000e+00> : vector<512x3xf32>
    %dot_general3A_17 = tpu.matmul %add3A_13, %get3A_16, %dot_general3A {dimension_numbers = #tpu.dot_dimension_numbers<[1], [0], [0], [1], [0, 0, 1, 1], [], []>, transpose_lhs_hint = false} : vector<512x128xf32>, vector<128x3xf32>, vector<512x3xf32> -> vector<512x3xf32>
    %get3A_18 = arith.constant 0 : index
    %get3A_19 = arith.constant 0 : index
    %get3A_20 = vector.load %arg9[%get3A_18, %get3A_19] : memref<1x3xf32, #tpu.memory_space<vmem>>, vector<1x3xf32>
    %add3A_21 = vector.broadcast %get3A_20 : vector<1x3xf32> to vector<512x3xf32>
    %add3A_22 = arith.addf %dot_general3A_17, %add3A_21 : vector<512x3xf32>
    %max3A = arith.constant 0.000000e+00 : f32
    %max3A_23 = vector.broadcast %max3A : f32 to vector<512x3xf32>
    %max3A_24 = arith.maximumf %add3A_22, %max3A_23 : vector<512x3xf32>
    %swap3A = arith.constant 0 : index
    %swap3A_25 = arith.constant 0 : index
    %swap3A_26 = vector.load %arg10[%swap3A, %swap3A_25] : memref<512x3xf32, #tpu.memory_space<vmem>>, vector<512x3xf32>
    tpu.vector_store %arg10[%swap3A, %swap3A_25], %max3A_24 {strides = array<i32>} : memref<512x3xf32, #tpu.memory_space<vmem>>, vector<512x3xf32>,
    %get3A_27 = arith.constant 0 : index
    %get3A_28 = arith.constant 0 : index
    %get3A_29 = vector.load %arg6[%get3A_27, %get3A_28] : memref<512x1xf32, #tpu.memory_space<vmem>>, vector<512x1xf32>
    %get3A_30 = arith.constant 0 : index
    %get3A_31 = arith.constant 0 : index
    %get3A_32 = vector.load %arg4[%get3A_30, %get3A_31] : memref<512x128xf32, #tpu.memory_space<vmem>>, vector<512x128xf32>
    %get3A_33 = arith.constant 0 : index
    %get3A_34 = arith.constant 0 : index
    %get3A_35 = vector.load %arg5[%get3A_33, %get3A_34] : memref<512x128xf32, #tpu.memory_space<vmem>>, vector<512x128xf32>
    %add3A_36 = arith.addf %get3A_32, %get3A_35 : vector<512x128xf32>
    %mul3A_37 = vector.broadcast %get3A_29 : vector<512x1xf32> to vector<512x128xf32>
    %mul3A_38 = arith.mulf %mul3A_37, %add3A_36 : vector<512x128xf32>
    %get3A_39 = arith.constant 0 : index
    %get3A_40 = arith.constant 0 : index
    %get3A_41 = vector.load %arg7[%get3A_39, %get3A_40] : memref<1x128xf32, #tpu.memory_space<vmem>>, vector<1x128xf32>
    %add3A_42 = vector.broadcast %get3A_41 : vector<1x128xf32> to vector<512x128xf32>
    %add3A_43 = arith.addf %mul3A_38, %add3A_42 : vector<512x128xf32>
    %get3A_44 = arith.constant 0 : index
    %get3A_45 = arith.constant 0 : index
    %get3A_46 = vector.load %arg8[%get3A_44, %get3A_45] : memref<128x3xf32, #tpu.memory_space<vmem>>, vector<128x3xf32>
    %dot_general3A_47 = arith.constant dense<0.000000e+00> : vector<512x3xf32>
    %dot_general3A_48 = tpu.matmul %add3A_43, %get3A_46, %dot_general3A_47 {dimension_numbers = #tpu.dot_dimension_numbers<[1], [0], [0], [1], [0, 0, 1, 1], [], []>, transpose_lhs_hint = false} : vector<512x128xf32>, vector<128x3xf32>, vector<512x3xf32> -> vector<512x3xf32>
    %get3A_49 = arith.constant 0 : index
    %get3A_50 = arith.constant 0 : index
    %get3A_51 = vector.load %arg9[%get3A_49, %get3A_50] : memref<1x3xf32, #tpu.memory_space<vmem>>, vector<1x3xf32>
    %add3A_52 = vector.broadcast %get3A_51 : vector<1x3xf32> to vector<512x3xf32>
    %add3A_53 = arith.addf %dot_general3A_48, %add3A_52 : vector<512x3xf32>
    %max3A_54 = arith.constant 0.000000e+00 : f32
    %max3A_55 = vector.broadcast %max3A_54 : f32 to vector<512x3xf32>
    %max3A_56 = arith.maximumf %add3A_53, %max3A_55 : vector<512x3xf32>
    %swap3A_57 = arith.constant 0 : index
    %swap3A_58 = arith.constant 0 : index
    %swap3A_59 = vector.load %arg11[%swap3A_57, %swap3A_58] : memref<512x3xf32, #tpu.memory_space<vmem>>, vector<512x3xf32>
    tpu.vector_store %arg11[%swap3A_57, %swap3A_58], %max3A_56 {strides = array<i32>} : memref<512x3xf32, #tpu.memory_space<vmem>>, vector<512x3xf32>,
    return
  }
  func.func @transform_0(%arg0: i32) -> (i32, i32) {
    %c0_i32 = arith.constant 0 : i32
    %c0_i32_0 = arith.constant 0 : i32
    return %arg0, %c0_i32 : i32, i32
  }
  func.func @transform_1(%arg0: i32) -> (i32, i32) {
    %c0_i32 = arith.constant 0 : i32
    %c0_i32_0 = arith.constant 0 : i32
    return %arg0, %c0_i32 : i32, i32
  }
  func.func @transform_2(%arg0: i32) -> (i32, i32) {
    %c0_i32 = arith.constant 0 : i32
    %c0_i32_0 = arith.constant 0 : i32
    return %arg0, %c0_i32 : i32, i32
  }
  func.func @transform_3(%arg0: i32) -> (i32, i32) {
    %c0_i32 = arith.constant 0 : i32
    %c0_i32_0 = arith.constant 0 : i32
    return %arg0, %c0_i32 : i32, i32
  }
  func.func @transform_4(%arg0: i32) -> (i32, i32) {
    %c0_i32 = arith.constant 0 : i32
    %c0_i32_0 = arith.constant 0 : i32
    return %arg0, %c0_i32 : i32, i32
  }
  func.func @transform_5(%arg0: i32) -> (i32, i32) {
    %c0_i32 = arith.constant 0 : i32
    %c0_i32_0 = arith.constant 0 : i32
    return %arg0, %c0_i32 : i32, i32
  }
  func.func @transform_6(%arg0: i32) -> (i32, i32) {
    %c0_i32 = arith.constant 0 : i32
    %c0_i32_0 = arith.constant 0 : i32
    %c0_i32_1 = arith.constant 0 : i32
    return %c0_i32, %c0_i32_0 : i32, i32
  }
  func.func @transform_7(%arg0: i32) -> (i32, i32) {
    %c0_i32 = arith.constant 0 : i32
    %c0_i32_0 = arith.constant 0 : i32
    %c0_i32_1 = arith.constant 0 : i32
    return %c0_i32, %c0_i32_0 : i32, i32
  }
  func.func @transform_8(%arg0: i32) -> (i32, i32) {
    %c0_i32 = arith.constant 0 : i32
    %c0_i32_0 = arith.constant 0 : i32
    %c0_i32_1 = arith.constant 0 : i32
    return %c0_i32, %c0_i32_0 : i32, i32
  }
  func.func @transform_9(%arg0: i32) -> (i32, i32) {
    %c0_i32 = arith.constant 0 : i32
    %c0_i32_0 = arith.constant 0 : i32
    return %arg0, %c0_i32 : i32, i32
  }
  func.func @transform_10(%arg0: i32) -> (i32, i32) {
    %c0_i32 = arith.constant 0 : i32
    %c0_i32_0 = arith.constant 0 : i32
    return %arg0, %c0_i32 : i32, i32
  }
}

</mosaic_0001>

<sc_bundles>
// kernel: kernel.11.cloned.1.call-start
scs
__scs_entry_jumppad:
0x0: {  	(pc) =	sbr.rel $0x88, $3  }
0x1: {  	(tag) =	ssettag $0x0;
	lr =	simm.s32 $0x1  }
0x2: {  	[smem:$0x3F93] =	sst lr;
	_ =	strace $0xD0000000  }
0x3: {  	_ = 	snop  }
0x4: {  	_ = 	snop  }
0x5: {  	_ = 	snop  }
0x6: {  	_ = 	snop  }
0x7: {  	_ = 	snop  }
__scs_overlays_trampoline_lowered:
0x8: {  	[smem:$0x3FA2] =	sst s0  }
0x9: {  	[smem:$0x3FA3] =	sst s1  }
0xa: {  	[smem:$0x3FA4] =	sst s2  }
0xb: {  	[smem:$0x3FA5] =	sst s3  }
0xc: {  	[smem:$0x3FA6] =	sst s4  }
0xd: {  	[smem:$0x3FA7] =	sst s5  }
0xe: {  	[smem:$0x3FA8] =	sst s6  }
0xf: {  	[smem:$0x3FA9] =	sst s7  }
0x10: {  	[smem:$0x3FAA] =	sst s8  }
0x11: {  	[smem:$0x3FAB] =	sst s9;
	s0 =	simm.s32 @!p0 $0x0  }
0x12: {  	s1 =	sld [smem:$0x3F91];
	s0 =	simm.s32 @p0 $0x1  }
0x13: {  	[smem:$0x3FAC] =	sst s0;
	s0 =	simm.s32 @!p1 $0x0  }
0x14: {  	s2 =	sld [smem:$0x3F90];
	s0 =	simm.s32 @p1 $0x1  }
0x15: {  	[smem:$0x3FAD] =	sst s0;
	s0 =	simm.s32 @!p2 $0x0  }
0x16: {  	s3 =	sld [smem:$0x3FDB];
	s0 =	simm.s32 @p2 $0x1  }
0x17: {  	s4 =	simm.s32 $0x1BF5;
	[smem:$0x3FAF] =	sst s0  }
0x18: {  	s0 =	sld [smem:$0x3F92];
	_ =	swait.ge [sflag:s4], $0x0  }
0x19: {  	s7 =	sld [smem:$0x3F93]  }
0x1a: {  	s8 =	sadd.s32 $0xFFFFE003, lr  }
0x1b: {  	s9 =	sadd.s32 $0xFFFFFEF7, lr;
	s5 =	simm.s32 $0xFFFFFFFF;
	p2 =	slt.u32 s8, $0xFFFFF086  }
0x1c: {  	p1 =	slt.u32 s9, $0xF7A;
	s5 =	simm.s32 @!p2 $0x0  }
0x1d: {  	s5 =	simm.s32 @p1 $0x1;
	p0 =	seq.s32 s7, s2  }
0x1e: {  	s7 =	smul.u32 @!p0 $0xF7A, s2;
	p2 =	seq.s32 @!p0 s5, $0x0  }
0x1f: {  	s9 =	smul.u32 $0xF7A, s1;
	s8 =	simm.s32 @!p0 $0x1BF5;
	p2 =	por !p2, p0  }
0x20: {  	[sflag:s8] =	ssyncset.s32 @!p0 $0xFFFFF086;
	s6 =	sadd.s32 @!p0 s3, s7;
	s7 =	simm.s32 @!p0 $0x108  }
0x21: {  	s3 =	sadd.s32 s3, s9;
	s6 =	sadd.s32 @!p0 $0x88, s6;
	s7 =	simm.s32 @p2 $0x1082  }
0x22: {  	[simem:s7], [sflag:s8] =	dma.local @!p0 [hbm:s6], $0xF7A  }
0x23: {  	s9 =	sor.u32 $0xD0000000, s2;
	s6 =	simm.s32 $0x108;
	_ =	swait.ge @!p0 [sflag:s8], $0x0  }
0x24: {  	s3 =	sadd.s32 $0x88, s3;
	s6 =	simm.s32 @!p1 $0x1082;
	[sflag:s4] =	ssyncset.s32 $0xFFFFF086  }
0x25: {  	[simem:s6], [sflag:s4] =	dma.local [hbm:s3], $0xF7A  }
0x26: {  	[smem:$0x3F93] =	sst s1;
	(tag) =	ssettag s2;
	_ =	strace s9  }
0x27: {  	s1 =	sld [smem:$0x3FA3]  }
0x28: {  	s2 =	sld [smem:$0x3FA4]  }
0x29: {  	s4 =	sld [smem:$0x3FA6]  }
0x2a: {  	p0 =	seq.s32 s5, $0x0;
	s5 =	sld [smem:$0x3FA7]  }
0x2b: {  	s6 =	sld [smem:$0x3FA8]  }
0x2c: {  	s7 =	sld [smem:$0x3FA9]  }
0x2d: {  	s3 =	simm.s32 $0x108;
	s8 =	sld [smem:$0x3FAA]  }
0x2e: {  	s3 =	simm.s32 @!p0 $0x1082;
	s9 =	sld [smem:$0x3FAB]  }
0x2f: {  	lr =	sadd.s32 s0, s3;
	s0 =	sld [smem:$0x3FA2]  }
0x30: {  	s3 =	sld [smem:$0x3FA5]  }
0x31: {  	[smem:$0x3FAE] =	sst s10  }
0x32: {  	s10 =	sld [smem:$0x3FAC];
	_ =	sdelay $0x3  }
0x33: {  	p0 =	seq.s32 s10, $0x1;
	s10 =	sld [smem:$0x3FAE];
	_ =	sdelay $0x3  }
0x34: {  	[smem:$0x3FAE] =	sst s10  }
0x35: {  	s10 =	sld [smem:$0x3FAD];
	_ =	sdelay $0x3  }
0x36: {  	p1 =	seq.s32 s10, $0x1;
	s10 =	sld [smem:$0x3FAE];
	_ =	sdelay $0x3  }
0x37: {  	[smem:$0x3FAE] =	sst s10  }
0x38: {  	s10 =	sld [smem:$0x3FAF]  }
0x39: {  	_ = 	snop;
	(pc) =	sbr.ind lr, $3  }
0x3a: {  	_ = 	snop  }
0x3b: {  	_ = 	snop  }
0x3c: {  	p2 =	seq.s32 s10, $0x1;
	s10 =	sld [smem:$0x3FAE]  }
0x3d: {  	_ =	shalt  }
0x3e: {  	_ =	shalt  }
0x3f: {  	_ =	shalt  }
0x40: {  	_ =	shalt  }
0x41: {  	_ =	shalt  }
0x42: {  	_ =	shalt  }
0x43: {  	_ =	shalt  }
0x44: {  	_ =	shalt  }
0x45: {  	_ =	shalt  }
0x46: {  	_ =	shalt  }
0x47: {  	_ =	shalt  }
0x48: {  	_ =	shalt  }
0x49: {  	_ =	shalt  }
0x4a: {  	_ =	shalt  }
0x4b: {  	_ =	shalt  }
0x4c: {  	_ =	shalt  }
0x4d: {  	_ =	shalt  }
0x4e: {  	_ =	shalt  }
0x4f: {  	_ =	shalt  }
0x50: {  	_ =	shalt  }
0x51: {  	_ =	shalt  }
0x52: {  	_ =	shalt  }
0x53: {  	_ =	shalt  }
0x54: {  	_ =	shalt  }
0x55: {  	_ =	shalt  }
0x56: {  	_ =	shalt  }
0x57: {  	_ =	shalt  }
0x58: {  	_ =	shalt  }
0x59: {  	_ =	shalt  }
0x5a: {  	_ =	shalt  }
0x5b: {  	_ =	shalt  }
0x5c: {  	_ =	shalt  }
0x5d: {  	_ =	shalt  }
0x5e: {  	_ =	shalt  }
0x5f: {  	_ =	shalt  }
0x60: {  	_ =	shalt  }
0x61: {  	_ =	shalt  }
0x62: {  	_ =	shalt  }
0x63: {  	_ =	shalt  }
0x64: {  	_ =	shalt  }
0x65: {  	_ =	shalt  }
0x66: {  	_ =	shalt  }
0x67: {  	_ =	shalt  }
0x68: {  	_ =	shalt  }
0x69: {  	_ =	shalt  }
0x6a: {  	_ =	shalt  }
0x6b: {  	_ =	shalt  }
0x6c: {  	_ =	shalt  }
0x6d: {  	_ =	shalt  }
0x6e: {  	_ =	shalt  }
0x6f: {  	_ =	shalt  }
0x70: {  	_ =	shalt  }
0x71: {  	_ =	shalt  }
0x72: {  	_ =	shalt  }
0x73: {  	_ =	shalt  }
0x74: {  	_ =	shalt  }
0x75: {  	_ =	shalt  }
0x76: {  	_ =	shalt  }
0x77: {  	_ =	shalt  }
0x78: {  	_ =	shalt  }
0x79: {  	_ =	shalt  }
0x7a: {  	_ =	shalt  }
0x7b: {  	_ =	shalt  }
0x7c: {  	_ =	shalt  }
0x7d: {  	_ =	shalt  }
0x7e: {  	_ =	shalt  }
0x7f: {  	_ =	shalt  }
0x80: {  	_ =	shalt  }
0x81: {  	_ =	shalt  }
0x82: {  	_ =	shalt  }
0x83: {  	_ =	shalt  }
0x84: {  	_ =	shalt  }
0x85: {  	_ =	shalt  }
0x86: {  	_ =	shalt  }
0x87: {  	_ =	shalt  }
.Lfunc_end0:
.L_simem_size_0:
called_computation.1_lowered:
.L_overlay_start_0:
0x88: {  	s2 =	sld [smem:$0x3FD9]  }
0x89: {  	s3 =	sld [smem:$0x3FFE];
	_ =	sdelay $0x1  }
0x8a: {  	s1 =	srdreg.scid  }
0x8b: {  	s0 =	sand.u32 $0x1, s1  }
0x8c: {  	s16 =	sshll.u32 s0, $0xA;
	s2 =	sadd.s32 s3, s2  }
0x8d: {  	s2 =	sadd.s32 s2, s16  }
0x8e: {  	[smem:$0x3FBA] =	sst s2  }
0x8f: {  	_ = 	snop  }
0x90: {  	(tm) =	ssettm $0x1  }
0x91: {  	s17 =	sld [smem:$0x3FFB];
	_ =	sdelay $0x3  }
0x92: {  	_ =	strace s17  }
0x93: {  	s2 =	sld [smem:$0x3FFC];
	_ =	sdelay $0x3  }
0x94: {  	_ =	strace s2  }
0x95: {  	s2 =	sld [smem:$0x3FFD];
	_ =	sdelay $0x3  }
0x96: {  	_ =	strace s2  }
0x97: {  	_ =	strace $0x8FFFFFFF  }
0x98: {  	s18 =	sld [smem:$0x3FDB];
	_ =	sdelay $0x1  }
0x99: {  	s19 =	simm.s32 $_scs_section_size  }
0x9a: {  	s4 =	simm.s32 $_size__tile_overlayer_lowered;
	s5 =	simm.s32 $_tile_overlayer_lowered  }
0x9b: {  	s22 =	simm.s32 $0x1BFF;
	s21 =	sshll.u32 s5, $0x1;
	s2 =	sadd.s32 s19, s18  }
0x9c: {  	s6 =	simm.s32 $0x0;
	s20 =	sshll.u32 s4, $0x1;
	s4 =	sadd.s32 s21, s2  }
0x9d: {  	[timem:s6], [sflag:s22] =	dma.local [hbm:s4], s20  }
0x9e: {  	_ =	swait.ge [sflag:s22], s20  }
0x9f: {  	s3 =	ssub.s32 $0x0, s20;
	[sflag:s22] =	ssyncset.done $0x0  }
0xa0: {  	[sflag:s22] =	ssyncadd.s32 s3;
	_ =	sdelay $0x1  }
0xa1: {  	s23 =	simm.s32 $0x1B8B  }
0xa2: {  	_ =	swait.ge [sflag:s23], $0x1  }
0xa3: {  	[sflag:s23] =	ssyncset.done $0x0  }
0xa4: {  	s25 =	simm.s32 $0x1B8E;
	s24 =	sld [smem:$0x3FFE];
	[sflag:s23] =	ssyncadd.s32 $0xFFFFFFFF  }
0xa5: {  	s26 =	simm.s32 $execute0_lowered;
	[smem:$0x3FD2] =	sst s25  }
0xa6: {  	s4 =	sshll.u32 s26, $0x1;
	_ =	strace $0x80000049;
	[dreg:$0x1] =	wrdreg $0xFFFFFFFF  }
0xa7: {  	s28 =	simm.s32 $_size_execute0_lowered;
	s2 =	sadd.s32 s2, s4;
	[dreg:$0x0] =	wrdreg $0x0  }
0xa8: {  	s4 =	sshll.u32 s28, $0x1;
	[dreg:$0x2] =	wrdreg s2  }
0xa9: {  	[dreg:$0x3] =	wrdreg s4  }
0xaa: {  	[dreg:$0x4] =	wrdreg $0xC0  }
0xab: {  	_ =	task [dreg:s6], $0x5FFFF  }
0xac: {  	[dreg:$0x1] =	wrdreg $0xFFFFFFFF  }
0xad: {  	[dreg:$0x0] =	wrdreg $0x60  }
0xae: {  	[dreg:$0x2] =	wrdreg s24  }
0xaf: {  	[dreg:$0x3] =	wrdreg $0x41000  }
0xb0: {  	[dreg:$0x4] =	wrdreg $0x9  }
0xb1: {  	_ =	task.clear_ibuf [dreg:s6], $0x5FFFF;
	_ =	strace $0x90000049  }
0xb2: {  	s29 =	simm.s32 $0x9;
	_ =	strace $0x8000004B  }
0xb3: {  	_ =	swait.ge [sflag:s29], $0x1  }
0xb4: {  	[sflag:s29] =	ssyncadd.s32 $0xFFFFFFFF  }
0xb5: {  	_ =	strace $0x9000004B  }
0xb6: {  	_ =	sfence  }
0xb7: {  	s30 =	sld [smem:$0x0];
	_ =	sdelay $0x2  }
0xb8: {  	s31 =	sshll.u32 s1, $0xD;
	s1 =	sshrl.u32 s1, $0x2  }
0xb9: {  	s3 =	sand.u32 $0x4000, s31;
	s1 =	sadd.s32 s1, s30  }
0xba: {  	s0 =	sor.u32 s3, s0;
	s1 =	sshll.u32 s1, $0x11  }
0xbb: {  	s0 =	sor.u32 s1, s0  }
0xbc: {  	s0 =	sadd.s32 $0x8F2B, s0  }
0xbd: {  	[sflag:s0] =	ssyncadd.remote.s32 $0x1  }
0xbe: {  	_ =	sfence.sel $0xFFFF  }
0xbf: {  	[dreg:$0x0] =	wrdreg $0xFFFFFFFF;
	(pc) =	sbr.abs _section_cstart, $3  }
0xc0: {  	[dreg:$0x1] =	wrdreg $0xFFFFFFFF  }
0xc1: {  	_ =	task.clear_ibuf [dreg:s6], $0x2FFFF;
	_ =	strace $0x9FFFFFFF  }
0xc2: {  	(tm) =	ssettm $0x7FFFFFFF  }
0xc3: {  	_ =	shalt  }
tec
execute0_lowered:
.L_overlay_start_1:
0x0: {  	(tag) =	ssettag $0x1  }
0x1: {  	s0 =	rddreg [dreg:$0x0]  }
0x2: {  	s2 =	rddreg [dreg:$0x1]  }
0x3: {  	s3 =	simm.s32 $0x0;
	s11 =	stileid.u32;
	s6 =	srdreg.scid  }
0x4: {  	s28 =	simm.s32 $0x0;
	[smem:$0x7FF] =	sst s3;
	s1 =	smul.u32 $0x13A0, s11  }
0x5: {  	s4 =	sadd.s32 $0x41C00, s0;
	s5 =	sadd.s32 $0x69C00, s0;
	s12 =	smul.u32 $0x280, s11  }
0x6: {  	s7 =	sand.u32 $0x1, s6;
	s6 =	sadd.s32 $0x19000, s0;
	s10 =	smul.u32 $0x50000, s11  }
0x7: {  	s13 =	sadd.s32 $0xE1C00, s0;
	s24 =	sshll.u32 s11, $0x6;
	s15 =	smul.u32 $0x2800, s11  }
0x8: {  	_ =	strace $0x8000004A;
	s8 =	ssub.s32 $0x2, s7;
	[dreg:$0x3] =	wrdreg s13  }
0x9: {  	p0 =	sne.s32 s7, $0x0;
	s1 =	sadd.s32 s1, s0;
	s9 =	sshrl.u32 s8, $0x1  }
0xa: {  	s0 =	sadd.s32 $0x109C00, s0;
	s23 =	sshrl.u32 s10, $0x2;
	s16 =	sadd.s32 $0x80, s12  }
0xb: {  	s10 =	sor.u32 $0x1C01, s24;
	s26 =	sadd.s32 $0x100, s12;
	s18 =	sadd.s32 $0x180, s12  }
0xc: {  	s19 =	sadd.s32 $0x200, s12;
	s24 =	simm.s32 $0x2;
	[dreg:$0x4] =	wrdreg s0  }
0xd: {  	s22 =	ssub.s32 s8, s9;
	s8 =	sadd.s32 s23, s2;
	s25 =	sshll.u32 s16, $0x7  }
0xe: {  	s29 =	sshll.u32 s26, $0x7;
	s14 =	sshll.u32 s18, $0x7;
	s31 =	sshll.u32 s19, $0x7  }
0xf: {  	s16 =	sshll.u32 s16, $0x4;
	s17 =	sshll.u32 s26, $0x4;
	s18 =	sshll.u32 s18, $0x4  }
.Ltmp0:
0x10: {  	s19 =	sshll.u32 s19, $0x4;
	s21 =	sadd.s32 $0x2E200, s1;
	(pc) =	sbr.rel .LBB2_1-.Ltmp0, $4  }
0x11: {  	s23 =	simm.s32 $0x1;
	s26 =	simm.s32 $0x100;
	[dreg:$0x5] =	wrdreg s8  }
0x12: {  	s8 =	sadd.s32 s25, s2;
	s30 =	sadd.s32 s29, s2;
	s13 =	sadd.s32 s14, s2  }
0x13: {  	s14 =	sadd.s32 s31, s2;
	s20 =	smax.u32 s22, $0x1;
	[dreg:$0x6] =	wrdreg s8  }
0x14: {  	s22 =	sadd.s32 $0x1A800, s1;
	s25 =	simm.s32 $0x80;
	[dreg:$0x7] =	wrdreg s30  }
.LBB2_7:
0x15: {  	s7 =	sadd.s32 s7, s21;
	[sflag:s24] =	ssyncadd.s32 $0xFFFFC000  }
0x16: {  	[tilespmem:s3], [sflag:$0x2] =	stream.linear.gather [hbm4b:s7+s3], $0x100, $0x38;
	[tilespmem:$0x18100] =	vst v63  }
0x17: {  	_ =	swait.ge [sflag:s24], $0x100  }
0x18: {  	[sflag:s24] =	ssyncset.done $0x0  }
0x19: {  	[sflag:s24] =	ssyncadd.s32 $0xFFFFFF00  }
0x1a: {  	[tilespmem:s26], [sflag:$0x1] =	stream.indirect.gather [hbm4b:s5+s25], $0x80, s3, s25, $0xb8;
	[tilespmem:$0x18100] =	vst v63  }
0x1b: {  	_ =	swait.ge [sflag:s23], $0x4000  }
0x1c: {  	[sflag:s23] =	ssyncset.done $0x0  }
0x1d: {  	[sflag:s23] =	ssyncadd.s32 $0xFFFFC000  }
0x1e: {  	[spmem:s2] =	stream.indirect.scatter.add.f32 [tilespmem:s26], [sflag:$0x2], $0x80, s25, s25, $0xb8;
	[tilespmem:$0x18100] =	vst v63  }
0x1f: {  	_ =	swait.ge [sflag:s24], $0x4000  }
0x20: {  	[sflag:s24] =	ssyncset.done $0x0  }
0x21: {  	s7 =	rddreg [dreg:$0x4];
	[sflag:s24] =	ssyncadd.s32 $0xFFFFC000  }
.LBB2_8:
0x22: {  	s8 =	sadd.s32 s7, s19;
	s9 =	sadd.s32 s7, s18;
	s11 =	sadd.s32 s7, s17  }
0x23: {  	s12 =	sadd.s32 s7, s16;
	s7 =	sadd.s32 s7, s15;
	[bflag:$0x0] =	sbarrier.arrive $0xFFFF  }
0x24: {  	[hbm:s7], [sflag:s10] =	dma.local [spmem:s29], $0x800  }
0x25: {  	[hbm:s12], [sflag:s10] =	dma.local [spmem:s30], $0x800  }
0x26: {  	[hbm:s11], [sflag:s10] =	dma.local [spmem:s31], $0x800  }
0x27: {  	[hbm:s9], [sflag:s10] =	dma.local [spmem:s0], $0x800  }
0x28: {  	[hbm:s8], [sflag:s10] =	dma.local [spmem:s1], $0x800  }
0x29: {  	_ =	swait.ge [sflag:s23], $0x800  }
0x2a: {  	[sflag:s23] =	ssyncset.done $0x0  }
0x2b: {  	[sflag:s23] =	ssyncadd.s32 $0xFFFFF800  }
0x2c: {  	_ =	swait.ge [sflag:s23], $0x800  }
0x2d: {  	[sflag:s23] =	ssyncset.done $0x0  }
0x2e: {  	[sflag:s23] =	ssyncadd.s32 $0xFFFFF800  }
0x2f: {  	_ =	swait.ge [sflag:s23], $0x800  }
0x30: {  	[sflag:s23] =	ssyncset.done $0x0  }
0x31: {  	s28 =	sadd.s32 $0x1, s28;
	[sflag:s23] =	ssyncadd.s32 $0xFFFFF800  }
0x32: {  	p1 =	sne.s32 s28, s20;
	_ =	swait.ge [sflag:s23], $0x800  }
.Ltmp1:
0x33: {  	[sflag:s23] =	ssyncset.done $0x0;
	(pc) =	sbr.rel @!p1 .LBB2_9-.Ltmp1, $4  }
0x34: {  	[sflag:s23] =	ssyncadd.s32 $0xFFFFF800  }
0x35: {  	_ =	swait.ge [sflag:s23], $0x800  }
0x36: {  	[sflag:s23] =	ssyncset.done $0x0  }
0x37: {  	[sflag:s23] =	ssyncadd.s32 $0xFFFFF800  }
.LBB2_1:
0x38: {  	s0 =	rddreg [dreg:$0x5]  }
0x39: {  	s29 =	sshrl.u32 s0, $0x3  }
0x3a: {  	[spmem:s29], [sflag:s10] =	dma.local [hbm:s6], $0x800  }
0x3b: {  	s11 =	rddreg [dreg:$0x6]  }
0x3c: {  	s30 =	sshrl.u32 s11, $0x3  }
0x3d: {  	[spmem:s30], [sflag:s10] =	dma.local [hbm:s6], $0x800  }
0x3e: {  	s12 =	rddreg [dreg:$0x7]  }
0x3f: {  	s1 =	sshrl.u32 s14, $0x3;
	s0 =	sshrl.u32 s13, $0x3;
	s31 =	sshrl.u32 s12, $0x3  }
0x40: {  	[spmem:s31], [sflag:s10] =	dma.local [hbm:s6], $0x800  }
0x41: {  	[spmem:s0], [sflag:s10] =	dma.local [hbm:s6], $0x800  }
0x42: {  	[spmem:s1], [sflag:s10] =	dma.local [hbm:s6], $0x800  }
0x43: {  	_ =	swait.ge [sflag:s23], $0x800  }
0x44: {  	[sflag:s23] =	ssyncset.done $0x0  }
0x45: {  	[sflag:s23] =	ssyncadd.s32 $0xFFFFF800  }
0x46: {  	_ =	swait.ge [sflag:s23], $0x800  }
0x47: {  	[sflag:s23] =	ssyncset.done $0x0  }
0x48: {  	[sflag:s23] =	ssyncadd.s32 $0xFFFFF800  }
0x49: {  	_ =	swait.ge [sflag:s23], $0x800  }
0x4a: {  	[sflag:s23] =	ssyncset.done $0x0  }
0x4b: {  	[sflag:s23] =	ssyncadd.s32 $0xFFFFF800  }
0x4c: {  	_ =	swait.ge [sflag:s23], $0x800  }
0x4d: {  	[sflag:s23] =	ssyncset.done $0x0  }
0x4e: {  	[sflag:s23] =	ssyncadd.s32 $0xFFFFF800  }
.Ltmp2:
0x4f: {  	_ =	swait.ge [sflag:s23], $0x800;
	(pc) =	sbr.rel @p0 .LBB2_5-.Ltmp2, $3  }
0x50: {  	[sflag:s23] =	ssyncset.done $0x0  }
0x51: {  	[sflag:s23] =	ssyncadd.s32 $0xFFFFF800  }
0x52: {  	[bflag:$0x0] =	sbarrier.arrive $0xFFFF;
	_ =	sdelay $0x1  }
0x53: {  	s7 =	sadd.s32 $0x0, s22  }
0x54: {  	[tilespmem:s3], [sflag:$0x2] =	stream.linear.gather [hbm4b:s7+s3], $0x100, $0x38;
	[tilespmem:$0x18100] =	vst v63  }
0x55: {  	_ =	swait.ge [sflag:s24], $0x100  }
0x56: {  	[sflag:s24] =	ssyncset.done $0x0  }
0x57: {  	[sflag:s24] =	ssyncadd.s32 $0xFFFFFF00  }
0x58: {  	[tilespmem:s26], [sflag:$0x1] =	stream.indirect.gather [hbm4b:s4+s25], $0x80, s3, s25, $0xb8;
	[tilespmem:$0x18100] =	vst v63  }
0x59: {  	_ =	swait.ge [sflag:s23], $0x4000  }
0x5a: {  	[sflag:s23] =	ssyncset.done $0x0  }
0x5b: {  	[sflag:s23] =	ssyncadd.s32 $0xFFFFC000  }
0x5c: {  	[spmem:s2] =	stream.indirect.scatter.add.f32 [tilespmem:s26], [sflag:$0x2], $0x80, s25, s25, $0xb8;
	[tilespmem:$0x18100] =	vst v63  }
0x5d: {  	_ =	swait.ge [sflag:s24], $0x4000  }
0x5e: {  	s8 =	simm.s32 $0x40;
	s7 =	simm.s32 $0x20;
	[sflag:s24] =	ssyncset.done $0x0  }
.LBB2_3:
0x5f: {  	s9 =	sadd.s32 s7, s22  }
0x60: {  	[sflag:s24] =	ssyncadd.s32 $0xFFFFC000;
	s7 =	smov.u32 s8;
	s11 =	sadd.s32 $0x20, s8  }
0x61: {  	[tilespmem:s3], [sflag:$0x2] =	stream.linear.gather [hbm4b:s9+s3], $0x100, $0x38;
	[tilespmem:$0x18100] =	vst v63  }
0x62: {  	p1 =	seq.s32 s8, $0x1380;
	_ =	swait.ge [sflag:s24], $0x100  }
0x63: {  	[sflag:s24] =	ssyncset.done $0x0  }
0x64: {  	[sflag:s24] =	ssyncadd.s32 $0xFFFFFF00  }
0x65: {  	[tilespmem:s26], [sflag:$0x1] =	stream.indirect.gather [hbm4b:s4+s25], $0x80, s3, s25, $0xb8;
	[tilespmem:$0x18100] =	vst v63  }
0x66: {  	_ =	swait.ge [sflag:s23], $0x4000  }
.Ltmp3:
0x67: {  	[sflag:s23] =	ssyncset.done $0x0;
	(pc) =	sbr.rel @!p1 .LBB2_3-.Ltmp3, $4  }
0x68: {  	[sflag:s23] =	ssyncadd.s32 $0xFFFFC000  }
0x69: {  	[spmem:s2] =	stream.indirect.scatter.add.f32 [tilespmem:s26], [sflag:$0x2], $0x80, s25, s25, $0xb8;
	[tilespmem:$0x18100] =	vst v63  }
0x6a: {  	_ =	swait.ge [sflag:s24], $0x4000  }
0x6b: {  	s8 =	smov.u32 s11;
	[sflag:s24] =	ssyncset.done $0x0  }
0x6c: {  	s7 =	sadd.s32 s7, s22;
	[sflag:s24] =	ssyncadd.s32 $0xFFFFC000  }
0x6d: {  	[tilespmem:s3], [sflag:$0x2] =	stream.linear.gather [hbm4b:s7+s3], $0x100, $0x38;
	[tilespmem:$0x18100] =	vst v63  }
0x6e: {  	_ =	swait.ge [sflag:s24], $0x100  }
0x6f: {  	[sflag:s24] =	ssyncset.done $0x0  }
0x70: {  	[sflag:s24] =	ssyncadd.s32 $0xFFFFFF00  }
0x71: {  	[tilespmem:s26], [sflag:$0x1] =	stream.indirect.gather [hbm4b:s4+s25], $0x80, s3, s25, $0xb8;
	[tilespmem:$0x18100] =	vst v63  }
0x72: {  	_ =	swait.ge [sflag:s23], $0x4000  }
0x73: {  	[sflag:s23] =	ssyncset.done $0x0  }
.Ltmp4:
0x74: {  	[sflag:s23] =	ssyncadd.s32 $0xFFFFC000;
	(pc) =	sbr.rel .LBB2_8-.Ltmp4, $4  }
0x75: {  	[spmem:s2] =	stream.indirect.scatter.add.f32 [tilespmem:s26], [sflag:$0x2], $0x80, s25, s25, $0xb8;
	[tilespmem:$0x18100] =	vst v63  }
0x76: {  	_ =	swait.ge [sflag:s24], $0x4000  }
0x77: {  	[sflag:s24] =	ssyncset.done $0x0  }
0x78: {  	s7 =	rddreg [dreg:$0x3];
	[sflag:s24] =	ssyncadd.s32 $0xFFFFC000  }
.LBB2_5:
0x79: {  	s7 =	sadd.s32 $0x0, s21  }
0x7a: {  	[tilespmem:s3], [sflag:$0x2] =	stream.linear.gather [hbm4b:s7+s3], $0x100, $0x38;
	[tilespmem:$0x18100] =	vst v63  }
0x7b: {  	_ =	swait.ge [sflag:s24], $0x100  }
0x7c: {  	[sflag:s24] =	ssyncset.done $0x0  }
0x7d: {  	[sflag:s24] =	ssyncadd.s32 $0xFFFFFF00  }
0x7e: {  	[tilespmem:s26], [sflag:$0x1] =	stream.indirect.gather [hbm4b:s5+s25], $0x80, s3, s25, $0xb8;
	[tilespmem:$0x18100] =	vst v63  }
0x7f: {  	_ =	swait.ge [sflag:s23], $0x4000  }
0x80: {  	[sflag:s23] =	ssyncset.done $0x0  }
0x81: {  	[sflag:s23] =	ssyncadd.s32 $0xFFFFC000  }
0x82: {  	[spmem:s2] =	stream.indirect.scatter.add.f32 [tilespmem:s26], [sflag:$0x2], $0x80, s25, s25, $0xb8;
	[tilespmem:$0x18100] =	vst v63  }
0x83: {  	_ =	swait.ge [sflag:s24], $0x4000  }
0x84: {  	s8 =	simm.s32 $0x40;
	s7 =	simm.s32 $0x20;
	[sflag:s24] =	ssyncset.done $0x0  }
.LBB2_6:
0x85: {  	s9 =	sadd.s32 s7, s21  }
0x86: {  	[sflag:s24] =	ssyncadd.s32 $0xFFFFC000;
	s7 =	smov.u32 s8;
	s11 =	sadd.s32 $0x20, s8  }
0x87: {  	[tilespmem:s3], [sflag:$0x2] =	stream.linear.gather [hbm4b:s9+s3], $0x100, $0x38;
	[tilespmem:$0x18100] =	vst v63  }
0x88: {  	p1 =	sne.s32 s8, $0x1380;
	_ =	swait.ge [sflag:s24], $0x100  }
0x89: {  	[sflag:s24] =	ssyncset.done $0x0  }
0x8a: {  	[sflag:s24] =	ssyncadd.s32 $0xFFFFFF00  }
0x8b: {  	[tilespmem:s26], [sflag:$0x1] =	stream.indirect.gather [hbm4b:s5+s25], $0x80, s3, s25, $0xb8;
	[tilespmem:$0x18100] =	vst v63  }
0x8c: {  	_ =	swait.ge [sflag:s23], $0x4000  }
.Ltmp5:
0x8d: {  	[sflag:s23] =	ssyncset.done $0x0;
	(pc) =	sbr.rel @p1 .LBB2_6-.Ltmp5, $4  }
0x8e: {  	[sflag:s23] =	ssyncadd.s32 $0xFFFFC000  }
0x8f: {  	[spmem:s2] =	stream.indirect.scatter.add.f32 [tilespmem:s26], [sflag:$0x2], $0x80, s25, s25, $0xb8;
	[tilespmem:$0x18100] =	vst v63  }
0x90: {  	_ =	swait.ge [sflag:s24], $0x4000  }
0x91: {  	s8 =	smov.u32 s11;
	[sflag:s24] =	ssyncset.done $0x0  }
.Ltmp6:
0x92: {  	_ = 	snop;
	(pc) =	sbr.rel .LBB2_7-.Ltmp6, $1  }
0x93: {  	_ =	sdelay $0x3  }
.LBB2_9:
0x94: {  	_ =	sfence.sel $0x180000  }
0x95: {  	[bflag:$0x0] =	sbarrier.arrive $0xFFFF  }
0x96: {  	_ =	strace $0x9000004A  }
0x97: {  	s0 =	stileid.u32;
	[bflag:$0x2] =	sbarrier.arrive $0xFFFF  }
0x98: {  	p0 =	sne.s32 s0, $0x0;
	s0 =	rddreg [dreg:$0x2]  }
0x99: {  	s0 =	sadd.s32 @!p0 $0x100000, s0  }
0x9a: {  	[sflag:s0] =	ssyncadd.tile.s32 @!p0 $0x1;
	_ =	shalt  }
.Lfunc_end2:
_tile_overlayer_lowered:
.L_overlay_start_2:
0x9b: {  	(tag) =	ssettag $0x2  }
0x9c: {  	s0 =	rddreg [dreg:$0x0];
	s2 =	stileid.u32  }
0x9d: {  	s1 =	rddreg [dreg:$0x1];
	p0 =	sne.s32 s2, $0x0  }
0x9e: {  	s3 =	rddreg [dreg:$0x2];
	[bflag:$0x3] =	sbarrier.arrive $0xFFFF;
	s2 =	simm.s32 @!p0 $0x1C02  }
0x9f: {  	[timem:s3], [sflag:s2] =	dma.local @!p0 [hbm:s0], s1  }
0xa0: {  	s0 =	simm.s32 @!p0 $0x2  }
0xa1: {  	_ =	swait.ge @!p0 [sflag:s0], s1  }
0xa2: {  	s1 =	ssub.s32 @!p0 $0x0, s1;
	[sflag:s0] =	ssyncset.done @!p0 $0x0  }
0xa3: {  	[sflag:s0] =	ssyncadd.s32 @!p0 s1  }
0xa4: {  	[bflag:$0x3] =	sbarrier.arrive $0xFFFF  }
0xa5: {  	_ =	shalt  }

// kernel: kernel.14.cloned.1.call-start
scs
__scs_entry_jumppad:
0x0: {  	(pc) =	sbr.rel $0x88, $3  }
0x1: {  	(tag) =	ssettag $0x0;
	lr =	simm.s32 $0x1  }
0x2: {  	[smem:$0x3F93] =	sst lr;
	_ =	strace $0xD0000000  }
0x3: {  	_ = 	snop  }
0x4: {  	_ = 	snop  }
0x5: {  	_ = 	snop  }
0x6: {  	_ = 	snop  }
0x7: {  	_ = 	snop  }
__scs_overlays_trampoline_lowered:
0x8: {  	[smem:$0x3FA2] =	sst s0  }
0x9: {  	[smem:$0x3FA3] =	sst s1  }
0xa: {  	[smem:$0x3FA4] =	sst s2  }
0xb: {  	[smem:$0x3FA5] =	sst s3  }
0xc: {  	[smem:$0x3FA6] =	sst s4  }
0xd: {  	[smem:$0x3FA7] =	sst s5  }
0xe: {  	[smem:$0x3FA8] =	sst s6  }
0xf: {  	[smem:$0x3FA9] =	sst s7  }
0x10: {  	[smem:$0x3FAA] =	sst s8  }
0x11: {  	[smem:$0x3FAB] =	sst s9;
	s0 =	simm.s32 @!p0 $0x0  }
0x12: {  	s1 =	sld [smem:$0x3F91];
	s0 =	simm.s32 @p0 $0x1  }
0x13: {  	[smem:$0x3FAC] =	sst s0;
	s0 =	simm.s32 @!p1 $0x0  }
0x14: {  	s2 =	sld [smem:$0x3F90];
	s0 =	simm.s32 @p1 $0x1  }
0x15: {  	[smem:$0x3FAD] =	sst s0;
	s0 =	simm.s32 @!p2 $0x0  }
0x16: {  	s3 =	sld [smem:$0x3FDB];
	s0 =	simm.s32 @p2 $0x1  }
0x17: {  	s4 =	simm.s32 $0x1BF5;
	[smem:$0x3FAF] =	sst s0  }
0x18: {  	s0 =	sld [smem:$0x3F92];
	_ =	swait.ge [sflag:s4], $0x0  }
0x19: {  	s7 =	sld [smem:$0x3F93]  }
0x1a: {  	s8 =	sadd.s32 $0xFFFFE003, lr  }
0x1b: {  	s9 =	sadd.s32 $0xFFFFFEF7, lr;
	s5 =	simm.s32 $0xFFFFFFFF;
	p2 =	slt.u32 s8, $0xFFFFF086  }
0x1c: {  	p1 =	slt.u32 s9, $0xF7A;
	s5 =	simm.s32 @!p2 $0x0  }
0x1d: {  	s5 =	simm.s32 @p1 $0x1;
	p0 =	seq.s32 s7, s2  }
0x1e: {  	s7 =	smul.u32 @!p0 $0xF7A, s2;
	p2 =	seq.s32 @!p0 s5, $0x0  }
0x1f: {  	s9 =	smul.u32 $0xF7A, s1;
	s8 =	simm.s32 @!p0 $0x1BF5;
	p2 =	por !p2, p0  }
0x20: {  	[sflag:s8] =	ssyncset.s32 @!p0 $0xFFFFF086;
	s6 =	sadd.s32 @!p0 s3, s7;
	s7 =	simm.s32 @!p0 $0x108  }
0x21: {  	s3 =	sadd.s32 s3, s9;
	s6 =	sadd.s32 @!p0 $0x88, s6;
	s7 =	simm.s32 @p2 $0x1082  }
0x22: {  	[simem:s7], [sflag:s8] =	dma.local @!p0 [hbm:s6], $0xF7A  }
0x23: {  	s9 =	sor.u32 $0xD0000000, s2;
	s6 =	simm.s32 $0x108;
	_ =	swait.ge @!p0 [sflag:s8], $0x0  }
0x24: {  	s3 =	sadd.s32 $0x88, s3;
	s6 =	simm.s32 @!p1 $0x1082;
	[sflag:s4] =	ssyncset.s32 $0xFFFFF086  }
0x25: {  	[simem:s6], [sflag:s4] =	dma.local [hbm:s3], $0xF7A  }
0x26: {  	[smem:$0x3F93] =	sst s1;
	(tag) =	ssettag s2;
	_ =	strace s9  }
0x27: {  	s1 =	sld [smem:$0x3FA3]  }
0x28: {  	s2 =	sld [smem:$0x3FA4]  }
0x29: {  	s4 =	sld [smem:$0x3FA6]  }
0x2a: {  	p0 =	seq.s32 s5, $0x0;
	s5 =	sld [smem:$0x3FA7]  }
0x2b: {  	s6 =	sld [smem:$0x3FA8]  }
0x2c: {  	s7 =	sld [smem:$0x3FA9]  }
0x2d: {  	s3 =	simm.s32 $0x108;
	s8 =	sld [smem:$0x3FAA]  }
0x2e: {  	s3 =	simm.s32 @!p0 $0x1082;
	s9 =	sld [smem:$0x3FAB]  }
0x2f: {  	lr =	sadd.s32 s0, s3;
	s0 =	sld [smem:$0x3FA2]  }
0x30: {  	s3 =	sld [smem:$0x3FA5]  }
0x31: {  	[smem:$0x3FAE] =	sst s10  }
0x32: {  	s10 =	sld [smem:$0x3FAC];
	_ =	sdelay $0x3  }
0x33: {  	p0 =	seq.s32 s10, $0x1;
	s10 =	sld [smem:$0x3FAE];
	_ =	sdelay $0x3  }
0x34: {  	[smem:$0x3FAE] =	sst s10  }
0x35: {  	s10 =	sld [smem:$0x3FAD];
	_ =	sdelay $0x3  }
0x36: {  	p1 =	seq.s32 s10, $0x1;
	s10 =	sld [smem:$0x3FAE];
	_ =	sdelay $0x3  }
0x37: {  	[smem:$0x3FAE] =	sst s10  }
0x38: {  	s10 =	sld [smem:$0x3FAF]  }
0x39: {  	_ = 	snop;
	(pc) =	sbr.ind lr, $3  }
0x3a: {  	_ = 	snop  }
0x3b: {  	_ = 	snop  }
0x3c: {  	p2 =	seq.s32 s10, $0x1;
	s10 =	sld [smem:$0x3FAE]  }
0x3d: {  	_ =	shalt  }
0x3e: {  	_ =	shalt  }
0x3f: {  	_ =	shalt  }
0x40: {  	_ =	shalt  }
0x41: {  	_ =	shalt  }
0x42: {  	_ =	shalt  }
0x43: {  	_ =	shalt  }
0x44: {  	_ =	shalt  }
0x45: {  	_ =	shalt  }
0x46: {  	_ =	shalt  }
0x47: {  	_ =	shalt  }
0x48: {  	_ =	shalt  }
0x49: {  	_ =	shalt  }
0x4a: {  	_ =	shalt  }
0x4b: {  	_ =	shalt  }
0x4c: {  	_ =	shalt  }
0x4d: {  	_ =	shalt  }
0x4e: {  	_ =	shalt  }
0x4f: {  	_ =	shalt  }
0x50: {  	_ =	shalt  }
0x51: {  	_ =	shalt  }
0x52: {  	_ =	shalt  }
0x53: {  	_ =	shalt  }
0x54: {  	_ =	shalt  }
0x55: {  	_ =	shalt  }
0x56: {  	_ =	shalt  }
0x57: {  	_ =	shalt  }
0x58: {  	_ =	shalt  }
0x59: {  	_ =	shalt  }
0x5a: {  	_ =	shalt  }
0x5b: {  	_ =	shalt  }
0x5c: {  	_ =	shalt  }
0x5d: {  	_ =	shalt  }
0x5e: {  	_ =	shalt  }
0x5f: {  	_ =	shalt  }
0x60: {  	_ =	shalt  }
0x61: {  	_ =	shalt  }
0x62: {  	_ =	shalt  }
0x63: {  	_ =	shalt  }
0x64: {  	_ =	shalt  }
0x65: {  	_ =	shalt  }
0x66: {  	_ =	shalt  }
0x67: {  	_ =	shalt  }
0x68: {  	_ =	shalt  }
0x69: {  	_ =	shalt  }
0x6a: {  	_ =	shalt  }
0x6b: {  	_ =	shalt  }
0x6c: {  	_ =	shalt  }
0x6d: {  	_ =	shalt  }
0x6e: {  	_ =	shalt  }
0x6f: {  	_ =	shalt  }
0x70: {  	_ =	shalt  }
0x71: {  	_ =	shalt  }
0x72: {  	_ =	shalt  }
0x73: {  	_ =	shalt  }
0x74: {  	_ =	shalt  }
0x75: {  	_ =	shalt  }
0x76: {  	_ =	shalt  }
0x77: {  	_ =	shalt  }
0x78: {  	_ =	shalt  }
0x79: {  	_ =	shalt  }
0x7a: {  	_ =	shalt  }
0x7b: {  	_ =	shalt  }
0x7c: {  	_ =	shalt  }
0x7d: {  	_ =	shalt  }
0x7e: {  	_ =	shalt  }
0x7f: {  	_ =	shalt  }
0x80: {  	_ =	shalt  }
0x81: {  	_ =	shalt  }
0x82: {  	_ =	shalt  }
0x83: {  	_ =	shalt  }
0x84: {  	_ =	shalt  }
0x85: {  	_ =	shalt  }
0x86: {  	_ =	shalt  }
0x87: {  	_ =	shalt  }
.Lfunc_end0:
.L_simem_size_0:
called_computation.2_lowered:
.L_overlay_start_0:
0x88: {  	s2 =	sld [smem:$0x3FD9]  }
0x89: {  	s3 =	sld [smem:$0x3FFE];
	_ =	sdelay $0x1  }
0x8a: {  	s1 =	srdreg.scid  }
0x8b: {  	s0 =	sand.u32 $0x1, s1  }
0x8c: {  	s16 =	sshll.u32 s0, $0xA;
	s2 =	sadd.s32 s3, s2  }
0x8d: {  	s2 =	sadd.s32 s2, s16  }
0x8e: {  	[smem:$0x3FBA] =	sst s2  }
0x8f: {  	_ = 	snop  }
0x90: {  	(tm) =	ssettm $0x1  }
0x91: {  	s17 =	sld [smem:$0x3FFB];
	_ =	sdelay $0x3  }
0x92: {  	_ =	strace s17  }
0x93: {  	s2 =	sld [smem:$0x3FFC];
	_ =	sdelay $0x3  }
0x94: {  	_ =	strace s2  }
0x95: {  	s2 =	sld [smem:$0x3FFD];
	_ =	sdelay $0x3  }
0x96: {  	_ =	strace s2  }
0x97: {  	_ =	strace $0x8FFFFFFF  }
0x98: {  	s18 =	sld [smem:$0x3FDB];
	_ =	sdelay $0x1  }
0x99: {  	s19 =	simm.s32 $_scs_section_size  }
0x9a: {  	s4 =	simm.s32 $_size__tile_overlayer_lowered;
	s5 =	simm.s32 $_tile_overlayer_lowered  }
0x9b: {  	s22 =	simm.s32 $0x1BFF;
	s21 =	sshll.u32 s5, $0x1;
	s2 =	sadd.s32 s19, s18  }
0x9c: {  	s6 =	simm.s32 $0x0;
	s20 =	sshll.u32 s4, $0x1;
	s4 =	sadd.s32 s21, s2  }
0x9d: {  	[timem:s6], [sflag:s22] =	dma.local [hbm:s4], s20  }
0x9e: {  	_ =	swait.ge [sflag:s22], s20  }
0x9f: {  	s3 =	ssub.s32 $0x0, s20;
	[sflag:s22] =	ssyncset.done $0x0  }
0xa0: {  	[sflag:s22] =	ssyncadd.s32 s3;
	_ =	sdelay $0x1  }
0xa1: {  	s23 =	simm.s32 $0x1B8B  }
0xa2: {  	_ =	swait.ge [sflag:s23], $0x1  }
0xa3: {  	[sflag:s23] =	ssyncset.done $0x0  }
0xa4: {  	s25 =	simm.s32 $0x1B8E;
	s24 =	sld [smem:$0x3FFE];
	[sflag:s23] =	ssyncadd.s32 $0xFFFFFFFF  }
0xa5: {  	s26 =	simm.s32 $execute0_lowered;
	[smem:$0x3FD2] =	sst s25  }
0xa6: {  	s4 =	sshll.u32 s26, $0x1;
	_ =	strace $0x8000004C;
	[dreg:$0x1] =	wrdreg $0xFFFFFFFF  }
0xa7: {  	s28 =	simm.s32 $_size_execute0_lowered;
	s2 =	sadd.s32 s2, s4;
	[dreg:$0x0] =	wrdreg $0x0  }
0xa8: {  	s4 =	sshll.u32 s28, $0x1;
	[dreg:$0x2] =	wrdreg s2  }
0xa9: {  	[dreg:$0x3] =	wrdreg s4  }
0xaa: {  	[dreg:$0x4] =	wrdreg $0xC0  }
0xab: {  	_ =	task [dreg:s6], $0x5FFFF  }
0xac: {  	[dreg:$0x1] =	wrdreg $0xFFFFFFFF  }
0xad: {  	[dreg:$0x0] =	wrdreg $0x60  }
0xae: {  	[dreg:$0x2] =	wrdreg s24  }
0xaf: {  	[dreg:$0x3] =	wrdreg $0x41000  }
0xb0: {  	[dreg:$0x4] =	wrdreg $0x9  }
0xb1: {  	_ =	task.clear_ibuf [dreg:s6], $0x5FFFF;
	_ =	strace $0x9000004C  }
0xb2: {  	s29 =	simm.s32 $0x9;
	_ =	strace $0x8000004E  }
0xb3: {  	_ =	swait.ge [sflag:s29], $0x1  }
0xb4: {  	[sflag:s29] =	ssyncadd.s32 $0xFFFFFFFF  }
0xb5: {  	_ =	strace $0x9000004E  }
0xb6: {  	_ =	sfence  }
0xb7: {  	s30 =	sld [smem:$0x0];
	_ =	sdelay $0x2  }
0xb8: {  	s31 =	sshll.u32 s1, $0xD;
	s1 =	sshrl.u32 s1, $0x2  }
0xb9: {  	s3 =	sand.u32 $0x4000, s31;
	s1 =	sadd.s32 s1, s30  }
0xba: {  	s0 =	sor.u32 s3, s0;
	s1 =	sshll.u32 s1, $0x11  }
0xbb: {  	s0 =	sor.u32 s1, s0  }
0xbc: {  	s0 =	sadd.s32 $0x8F2B, s0  }
0xbd: {  	[sflag:s0] =	ssyncadd.remote.s32 $0x1  }
0xbe: {  	_ =	sfence.sel $0xFFFF  }
0xbf: {  	[dreg:$0x0] =	wrdreg $0xFFFFFFFF;
	(pc) =	sbr.abs _section_cstart, $3  }
0xc0: {  	[dreg:$0x1] =	wrdreg $0xFFFFFFFF  }
0xc1: {  	_ =	task.clear_ibuf [dreg:s6], $0x2FFFF;
	_ =	strace $0x9FFFFFFF  }
0xc2: {  	(tm) =	ssettm $0x7FFFFFFF  }
0xc3: {  	_ =	shalt  }
tec
execute0_lowered:
.L_overlay_start_1:
0x0: {  	(tag) =	ssettag $0x1  }
0x1: {  	s0 =	rddreg [dreg:$0x0]  }
0x2: {  	s2 =	rddreg [dreg:$0x1]  }
0x3: {  	s3 =	simm.s32 $0x0;
	s11 =	stileid.u32;
	s6 =	srdreg.scid  }
0x4: {  	s28 =	simm.s32 $0x0;
	[smem:$0x7FF] =	sst s3;
	s1 =	smul.u32 $0x13A0, s11  }
0x5: {  	s4 =	sadd.s32 $0x41C00, s0;
	s5 =	sadd.s32 $0x69C00, s0;
	s12 =	smul.u32 $0x280, s11  }
0x6: {  	s7 =	sand.u32 $0x1, s6;
	s6 =	sadd.s32 $0x19000, s0;
	s10 =	smul.u32 $0x50000, s11  }
0x7: {  	s13 =	sadd.s32 $0xE1C00, s0;
	s24 =	sshll.u32 s11, $0x6;
	s15 =	smul.u32 $0x2800, s11  }
0x8: {  	_ =	strace $0x8000004D;
	s8 =	ssub.s32 $0x2, s7;
	[dreg:$0x3] =	wrdreg s13  }
0x9: {  	p0 =	sne.s32 s7, $0x0;
	s1 =	sadd.s32 s1, s0;
	s9 =	sshrl.u32 s8, $0x1  }
0xa: {  	s0 =	sadd.s32 $0x109C00, s0;
	s23 =	sshrl.u32 s10, $0x2;
	s16 =	sadd.s32 $0x80, s12  }
0xb: {  	s10 =	sor.u32 $0x1C01, s24;
	s26 =	sadd.s32 $0x100, s12;
	s18 =	sadd.s32 $0x180, s12  }
0xc: {  	s19 =	sadd.s32 $0x200, s12;
	s24 =	simm.s32 $0x2;
	[dreg:$0x4] =	wrdreg s0  }
0xd: {  	s22 =	ssub.s32 s8, s9;
	s8 =	sadd.s32 s23, s2;
	s25 =	sshll.u32 s16, $0x7  }
0xe: {  	s29 =	sshll.u32 s26, $0x7;
	s14 =	sshll.u32 s18, $0x7;
	s31 =	sshll.u32 s19, $0x7  }
0xf: {  	s16 =	sshll.u32 s16, $0x4;
	s17 =	sshll.u32 s26, $0x4;
	s18 =	sshll.u32 s18, $0x4  }
.Ltmp0:
0x10: {  	s19 =	sshll.u32 s19, $0x4;
	s21 =	sadd.s32 $0x2E200, s1;
	(pc) =	sbr.rel .LBB2_1-.Ltmp0, $4  }
0x11: {  	s23 =	simm.s32 $0x1;
	s26 =	simm.s32 $0x100;
	[dreg:$0x5] =	wrdreg s8  }
0x12: {  	s8 =	sadd.s32 s25, s2;
	s30 =	sadd.s32 s29, s2;
	s13 =	sadd.s32 s14, s2  }
0x13: {  	s14 =	sadd.s32 s31, s2;
	s20 =	smax.u32 s22, $0x1;
	[dreg:$0x6] =	wrdreg s8  }
0x14: {  	s22 =	sadd.s32 $0x1A800, s1;
	s25 =	simm.s32 $0x80;
	[dreg:$0x7] =	wrdreg s30  }
.LBB2_7:
0x15: {  	s7 =	sadd.s32 s7, s21;
	[sflag:s24] =	ssyncadd.s32 $0xFFFFC000  }
0x16: {  	[tilespmem:s3], [sflag:$0x2] =	stream.linear.gather [hbm4b:s7+s3], $0x100, $0x38;
	[tilespmem:$0x18100] =	vst v63  }
0x17: {  	_ =	swait.ge [sflag:s24], $0x100  }
0x18: {  	[sflag:s24] =	ssyncset.done $0x0  }
0x19: {  	[sflag:s24] =	ssyncadd.s32 $0xFFFFFF00  }
0x1a: {  	[tilespmem:s26], [sflag:$0x1] =	stream.indirect.gather [hbm4b:s5+s25], $0x80, s3, s25, $0xb8;
	[tilespmem:$0x18100] =	vst v63  }
0x1b: {  	_ =	swait.ge [sflag:s23], $0x4000  }
0x1c: {  	[sflag:s23] =	ssyncset.done $0x0  }
0x1d: {  	[sflag:s23] =	ssyncadd.s32 $0xFFFFC000  }
0x1e: {  	[spmem:s2] =	stream.indirect.scatter.add.f32 [tilespmem:s26], [sflag:$0x2], $0x80, s25, s25, $0xb8;
	[tilespmem:$0x18100] =	vst v63  }
0x1f: {  	_ =	swait.ge [sflag:s24], $0x4000  }
0x20: {  	[sflag:s24] =	ssyncset.done $0x0  }
0x21: {  	s7 =	rddreg [dreg:$0x4];
	[sflag:s24] =	ssyncadd.s32 $0xFFFFC000  }
.LBB2_8:
0x22: {  	s8 =	sadd.s32 s7, s19;
	s9 =	sadd.s32 s7, s18;
	s11 =	sadd.s32 s7, s17  }
0x23: {  	s12 =	sadd.s32 s7, s16;
	s7 =	sadd.s32 s7, s15;
	[bflag:$0x0] =	sbarrier.arrive $0xFFFF  }
0x24: {  	[hbm:s7], [sflag:s10] =	dma.local [spmem:s29], $0x800  }
0x25: {  	[hbm:s12], [sflag:s10] =	dma.local [spmem:s30], $0x800  }
0x26: {  	[hbm:s11], [sflag:s10] =	dma.local [spmem:s31], $0x800  }
0x27: {  	[hbm:s9], [sflag:s10] =	dma.local [spmem:s0], $0x800  }
0x28: {  	[hbm:s8], [sflag:s10] =	dma.local [spmem:s1], $0x800  }
0x29: {  	_ =	swait.ge [sflag:s23], $0x800  }
0x2a: {  	[sflag:s23] =	ssyncset.done $0x0  }
0x2b: {  	[sflag:s23] =	ssyncadd.s32 $0xFFFFF800  }
0x2c: {  	_ =	swait.ge [sflag:s23], $0x800  }
0x2d: {  	[sflag:s23] =	ssyncset.done $0x0  }
0x2e: {  	[sflag:s23] =	ssyncadd.s32 $0xFFFFF800  }
0x2f: {  	_ =	swait.ge [sflag:s23], $0x800  }
0x30: {  	[sflag:s23] =	ssyncset.done $0x0  }
0x31: {  	s28 =	sadd.s32 $0x1, s28;
	[sflag:s23] =	ssyncadd.s32 $0xFFFFF800  }
0x32: {  	p1 =	sne.s32 s28, s20;
	_ =	swait.ge [sflag:s23], $0x800  }
.Ltmp1:
0x33: {  	[sflag:s23] =	ssyncset.done $0x0;
	(pc) =	sbr.rel @!p1 .LBB2_9-.Ltmp1, $4  }
0x34: {  	[sflag:s23] =	ssyncadd.s32 $0xFFFFF800  }
0x35: {  	_ =	swait.ge [sflag:s23], $0x800  }
0x36: {  	[sflag:s23] =	ssyncset.done $0x0  }
0x37: {  	[sflag:s23] =	ssyncadd.s32 $0xFFFFF800  }
.LBB2_1:
0x38: {  	s0 =	rddreg [dreg:$0x5]  }
0x39: {  	s29 =	sshrl.u32 s0, $0x3  }
0x3a: {  	[spmem:s29], [sflag:s10] =	dma.local [hbm:s6], $0x800  }
0x3b: {  	s11 =	rddreg [dreg:$0x6]  }
0x3c: {  	s30 =	sshrl.u32 s11, $0x3  }
0x3d: {  	[spmem:s30], [sflag:s10] =	dma.local [hbm:s6], $0x800  }
0x3e: {  	s12 =	rddreg [dreg:$0x7]  }
0x3f: {  	s1 =	sshrl.u32 s14, $0x3;
	s0 =	sshrl.u32 s13, $0x3;
	s31 =	sshrl.u32 s12, $0x3  }
0x40: {  	[spmem:s31], [sflag:s10] =	dma.local [hbm:s6], $0x800  }
0x41: {  	[spmem:s0], [sflag:s10] =	dma.local [hbm:s6], $0x800  }
0x42: {  	[spmem:s1], [sflag:s10] =	dma.local [hbm:s6], $0x800  }
0x43: {  	_ =	swait.ge [sflag:s23], $0x800  }
0x44: {  	[sflag:s23] =	ssyncset.done $0x0  }
0x45: {  	[sflag:s23] =	ssyncadd.s32 $0xFFFFF800  }
0x46: {  	_ =	swait.ge [sflag:s23], $0x800  }
0x47: {  	[sflag:s23] =	ssyncset.done $0x0  }
0x48: {  	[sflag:s23] =	ssyncadd.s32 $0xFFFFF800  }
0x49: {  	_ =	swait.ge [sflag:s23], $0x800  }
0x4a: {  	[sflag:s23] =	ssyncset.done $0x0  }
0x4b: {  	[sflag:s23] =	ssyncadd.s32 $0xFFFFF800  }
0x4c: {  	_ =	swait.ge [sflag:s23], $0x800  }
0x4d: {  	[sflag:s23] =	ssyncset.done $0x0  }
0x4e: {  	[sflag:s23] =	ssyncadd.s32 $0xFFFFF800  }
.Ltmp2:
0x4f: {  	_ =	swait.ge [sflag:s23], $0x800;
	(pc) =	sbr.rel @p0 .LBB2_5-.Ltmp2, $3  }
0x50: {  	[sflag:s23] =	ssyncset.done $0x0  }
0x51: {  	[sflag:s23] =	ssyncadd.s32 $0xFFFFF800  }
0x52: {  	[bflag:$0x0] =	sbarrier.arrive $0xFFFF;
	_ =	sdelay $0x1  }
0x53: {  	s7 =	sadd.s32 $0x0, s22  }
0x54: {  	[tilespmem:s3], [sflag:$0x2] =	stream.linear.gather [hbm4b:s7+s3], $0x100, $0x38;
	[tilespmem:$0x18100] =	vst v63  }
0x55: {  	_ =	swait.ge [sflag:s24], $0x100  }
0x56: {  	[sflag:s24] =	ssyncset.done $0x0  }
0x57: {  	[sflag:s24] =	ssyncadd.s32 $0xFFFFFF00  }
0x58: {  	[tilespmem:s26], [sflag:$0x1] =	stream.indirect.gather [hbm4b:s4+s25], $0x80, s3, s25, $0xb8;
	[tilespmem:$0x18100] =	vst v63  }
0x59: {  	_ =	swait.ge [sflag:s23], $0x4000  }
0x5a: {  	[sflag:s23] =	ssyncset.done $0x0  }
0x5b: {  	[sflag:s23] =	ssyncadd.s32 $0xFFFFC000  }
0x5c: {  	[spmem:s2] =	stream.indirect.scatter.add.f32 [tilespmem:s26], [sflag:$0x2], $0x80, s25, s25, $0xb8;
	[tilespmem:$0x18100] =	vst v63  }
0x5d: {  	_ =	swait.ge [sflag:s24], $0x4000  }
0x5e: {  	s8 =	simm.s32 $0x40;
	s7 =	simm.s32 $0x20;
	[sflag:s24] =	ssyncset.done $0x0  }
.LBB2_3:
0x5f: {  	s9 =	sadd.s32 s7, s22  }
0x60: {  	[sflag:s24] =	ssyncadd.s32 $0xFFFFC000;
	s7 =	smov.u32 s8;
	s11 =	sadd.s32 $0x20, s8  }
0x61: {  	[tilespmem:s3], [sflag:$0x2] =	stream.linear.gather [hbm4b:s9+s3], $0x100, $0x38;
	[tilespmem:$0x18100] =	vst v63  }
0x62: {  	p1 =	seq.s32 s8, $0x1380;
	_ =	swait.ge [sflag:s24], $0x100  }
0x63: {  	[sflag:s24] =	ssyncset.done $0x0  }
0x64: {  	[sflag:s24] =	ssyncadd.s32 $0xFFFFFF00  }
0x65: {  	[tilespmem:s26], [sflag:$0x1] =	stream.indirect.gather [hbm4b:s4+s25], $0x80, s3, s25, $0xb8;
	[tilespmem:$0x18100] =	vst v63  }
0x66: {  	_ =	swait.ge [sflag:s23], $0x4000  }
.Ltmp3:
0x67: {  	[sflag:s23] =	ssyncset.done $0x0;
	(pc) =	sbr.rel @!p1 .LBB2_3-.Ltmp3, $4  }
0x68: {  	[sflag:s23] =	ssyncadd.s32 $0xFFFFC000  }
0x69: {  	[spmem:s2] =	stream.indirect.scatter.add.f32 [tilespmem:s26], [sflag:$0x2], $0x80, s25, s25, $0xb8;
	[tilespmem:$0x18100] =	vst v63  }
0x6a: {  	_ =	swait.ge [sflag:s24], $0x4000  }
0x6b: {  	s8 =	smov.u32 s11;
	[sflag:s24] =	ssyncset.done $0x0  }
0x6c: {  	s7 =	sadd.s32 s7, s22;
	[sflag:s24] =	ssyncadd.s32 $0xFFFFC000  }
0x6d: {  	[tilespmem:s3], [sflag:$0x2] =	stream.linear.gather [hbm4b:s7+s3], $0x100, $0x38;
	[tilespmem:$0x18100] =	vst v63  }
0x6e: {  	_ =	swait.ge [sflag:s24], $0x100  }
0x6f: {  	[sflag:s24] =	ssyncset.done $0x0  }
0x70: {  	[sflag:s24] =	ssyncadd.s32 $0xFFFFFF00  }
0x71: {  	[tilespmem:s26], [sflag:$0x1] =	stream.indirect.gather [hbm4b:s4+s25], $0x80, s3, s25, $0xb8;
	[tilespmem:$0x18100] =	vst v63  }
0x72: {  	_ =	swait.ge [sflag:s23], $0x4000  }
0x73: {  	[sflag:s23] =	ssyncset.done $0x0  }
.Ltmp4:
0x74: {  	[sflag:s23] =	ssyncadd.s32 $0xFFFFC000;
	(pc) =	sbr.rel .LBB2_8-.Ltmp4, $4  }
0x75: {  	[spmem:s2] =	stream.indirect.scatter.add.f32 [tilespmem:s26], [sflag:$0x2], $0x80, s25, s25, $0xb8;
	[tilespmem:$0x18100] =	vst v63  }
0x76: {  	_ =	swait.ge [sflag:s24], $0x4000  }
0x77: {  	[sflag:s24] =	ssyncset.done $0x0  }
0x78: {  	s7 =	rddreg [dreg:$0x3];
	[sflag:s24] =	ssyncadd.s32 $0xFFFFC000  }
.LBB2_5:
0x79: {  	s7 =	sadd.s32 $0x0, s21  }
0x7a: {  	[tilespmem:s3], [sflag:$0x2] =	stream.linear.gather [hbm4b:s7+s3], $0x100, $0x38;
	[tilespmem:$0x18100] =	vst v63  }
0x7b: {  	_ =	swait.ge [sflag:s24], $0x100  }
0x7c: {  	[sflag:s24] =	ssyncset.done $0x0  }
0x7d: {  	[sflag:s24] =	ssyncadd.s32 $0xFFFFFF00  }
0x7e: {  	[tilespmem:s26], [sflag:$0x1] =	stream.indirect.gather [hbm4b:s5+s25], $0x80, s3, s25, $0xb8;
	[tilespmem:$0x18100] =	vst v63  }
0x7f: {  	_ =	swait.ge [sflag:s23], $0x4000  }
0x80: {  	[sflag:s23] =	ssyncset.done $0x0  }
0x81: {  	[sflag:s23] =	ssyncadd.s32 $0xFFFFC000  }
0x82: {  	[spmem:s2] =	stream.indirect.scatter.add.f32 [tilespmem:s26], [sflag:$0x2], $0x80, s25, s25, $0xb8;
	[tilespmem:$0x18100] =	vst v63  }
0x83: {  	_ =	swait.ge [sflag:s24], $0x4000  }
0x84: {  	s8 =	simm.s32 $0x40;
	s7 =	simm.s32 $0x20;
	[sflag:s24] =	ssyncset.done $0x0  }
.LBB2_6:
0x85: {  	s9 =	sadd.s32 s7, s21  }
0x86: {  	[sflag:s24] =	ssyncadd.s32 $0xFFFFC000;
	s7 =	smov.u32 s8;
	s11 =	sadd.s32 $0x20, s8  }
0x87: {  	[tilespmem:s3], [sflag:$0x2] =	stream.linear.gather [hbm4b:s9+s3], $0x100, $0x38;
	[tilespmem:$0x18100] =	vst v63  }
0x88: {  	p1 =	sne.s32 s8, $0x1380;
	_ =	swait.ge [sflag:s24], $0x100  }
0x89: {  	[sflag:s24] =	ssyncset.done $0x0  }
0x8a: {  	[sflag:s24] =	ssyncadd.s32 $0xFFFFFF00  }
0x8b: {  	[tilespmem:s26], [sflag:$0x1] =	stream.indirect.gather [hbm4b:s5+s25], $0x80, s3, s25, $0xb8;
	[tilespmem:$0x18100] =	vst v63  }
0x8c: {  	_ =	swait.ge [sflag:s23], $0x4000  }
.Ltmp5:
0x8d: {  	[sflag:s23] =	ssyncset.done $0x0;
	(pc) =	sbr.rel @p1 .LBB2_6-.Ltmp5, $4  }
0x8e: {  	[sflag:s23] =	ssyncadd.s32 $0xFFFFC000  }
0x8f: {  	[spmem:s2] =	stream.indirect.scatter.add.f32 [tilespmem:s26], [sflag:$0x2], $0x80, s25, s25, $0xb8;
	[tilespmem:$0x18100] =	vst v63  }
0x90: {  	_ =	swait.ge [sflag:s24], $0x4000  }
0x91: {  	s8 =	smov.u32 s11;
	[sflag:s24] =	ssyncset.done $0x0  }
.Ltmp6:
0x92: {  	_ = 	snop;
	(pc) =	sbr.rel .LBB2_7-.Ltmp6, $1  }
0x93: {  	_ =	sdelay $0x3  }
.LBB2_9:
0x94: {  	_ =	sfence.sel $0x180000  }
0x95: {  	[bflag:$0x0] =	sbarrier.arrive $0xFFFF  }
0x96: {  	_ =	strace $0x9000004D  }
0x97: {  	s0 =	stileid.u32;
	[bflag:$0x2] =	sbarrier.arrive $0xFFFF  }
0x98: {  	p0 =	sne.s32 s0, $0x0;
	s0 =	rddreg [dreg:$0x2]  }
0x99: {  	s0 =	sadd.s32 @!p0 $0x100000, s0  }
0x9a: {  	[sflag:s0] =	ssyncadd.tile.s32 @!p0 $0x1;
	_ =	shalt  }
.Lfunc_end2:
_tile_overlayer_lowered:
.L_overlay_start_2:
0x9b: {  	(tag) =	ssettag $0x2  }
0x9c: {  	s0 =	rddreg [dreg:$0x0];
	s2 =	stileid.u32  }
0x9d: {  	s1 =	rddreg [dreg:$0x1];
	p0 =	sne.s32 s2, $0x0  }
0x9e: {  	s3 =	rddreg [dreg:$0x2];
	[bflag:$0x3] =	sbarrier.arrive $0xFFFF;
	s2 =	simm.s32 @!p0 $0x1C02  }
0x9f: {  	[timem:s3], [sflag:s2] =	dma.local @!p0 [hbm:s0], s1  }
0xa0: {  	s0 =	simm.s32 @!p0 $0x2  }
0xa1: {  	_ =	swait.ge @!p0 [sflag:s0], s1  }
0xa2: {  	s1 =	ssub.s32 @!p0 $0x0, s1;
	[sflag:s0] =	ssyncset.done @!p0 $0x0  }
0xa3: {  	[sflag:s0] =	ssyncadd.s32 @!p0 s1  }
0xa4: {  	[bflag:$0x3] =	sbarrier.arrive $0xFFFF  }
0xa5: {  	_ =	shalt  }

// kernel: kernel.8.cloned.1.call-start
scs
__scs_entry_jumppad:
0x0: {  	(pc) =	sbr.rel $0x88, $3  }
0x1: {  	(tag) =	ssettag $0x0;
	lr =	simm.s32 $0x1  }
0x2: {  	[smem:$0x3F93] =	sst lr;
	_ =	strace $0xD0000000  }
0x3: {  	_ = 	snop  }
0x4: {  	_ = 	snop  }
0x5: {  	_ = 	snop  }
0x6: {  	_ = 	snop  }
0x7: {  	_ = 	snop  }
__scs_overlays_trampoline_lowered:
0x8: {  	[smem:$0x3FA2] =	sst s0  }
0x9: {  	[smem:$0x3FA3] =	sst s1  }
0xa: {  	[smem:$0x3FA4] =	sst s2  }
0xb: {  	[smem:$0x3FA5] =	sst s3  }
0xc: {  	[smem:$0x3FA6] =	sst s4  }
0xd: {  	[smem:$0x3FA7] =	sst s5  }
0xe: {  	[smem:$0x3FA8] =	sst s6  }
0xf: {  	[smem:$0x3FA9] =	sst s7  }
0x10: {  	[smem:$0x3FAA] =	sst s8  }
0x11: {  	[smem:$0x3FAB] =	sst s9;
	s0 =	simm.s32 @!p0 $0x0  }
0x12: {  	s1 =	sld [smem:$0x3F91];
	s0 =	simm.s32 @p0 $0x1  }
0x13: {  	[smem:$0x3FAC] =	sst s0;
	s0 =	simm.s32 @!p1 $0x0  }
0x14: {  	s2 =	sld [smem:$0x3F90];
	s0 =	simm.s32 @p1 $0x1  }
0x15: {  	[smem:$0x3FAD] =	sst s0;
	s0 =	simm.s32 @!p2 $0x0  }
0x16: {  	s3 =	sld [smem:$0x3FDB];
	s0 =	simm.s32 @p2 $0x1  }
0x17: {  	s4 =	simm.s32 $0x1BF5;
	[smem:$0x3FAF] =	sst s0  }
0x18: {  	s0 =	sld [smem:$0x3F92];
	_ =	swait.ge [sflag:s4], $0x0  }
0x19: {  	s7 =	sld [smem:$0x3F93]  }
0x1a: {  	s8 =	sadd.s32 $0xFFFFE003, lr  }
0x1b: {  	s9 =	sadd.s32 $0xFFFFFEF7, lr;
	s5 =	simm.s32 $0xFFFFFFFF;
	p2 =	slt.u32 s8, $0xFFFFF086  }
0x1c: {  	p1 =	slt.u32 s9, $0xF7A;
	s5 =	simm.s32 @!p2 $0x0  }
0x1d: {  	s5 =	simm.s32 @p1 $0x1;
	p0 =	seq.s32 s7, s2  }
0x1e: {  	s7 =	smul.u32 @!p0 $0xF7A, s2;
	p2 =	seq.s32 @!p0 s5, $0x0  }
0x1f: {  	s9 =	smul.u32 $0xF7A, s1;
	s8 =	simm.s32 @!p0 $0x1BF5;
	p2 =	por !p2, p0  }
0x20: {  	[sflag:s8] =	ssyncset.s32 @!p0 $0xFFFFF086;
	s6 =	sadd.s32 @!p0 s3, s7;
	s7 =	simm.s32 @!p0 $0x108  }
0x21: {  	s3 =	sadd.s32 s3, s9;
	s6 =	sadd.s32 @!p0 $0x88, s6;
	s7 =	simm.s32 @p2 $0x1082  }
0x22: {  	[simem:s7], [sflag:s8] =	dma.local @!p0 [hbm:s6], $0xF7A  }
0x23: {  	s9 =	sor.u32 $0xD0000000, s2;
	s6 =	simm.s32 $0x108;
	_ =	swait.ge @!p0 [sflag:s8], $0x0  }
0x24: {  	s3 =	sadd.s32 $0x88, s3;
	s6 =	simm.s32 @!p1 $0x1082;
	[sflag:s4] =	ssyncset.s32 $0xFFFFF086  }
0x25: {  	[simem:s6], [sflag:s4] =	dma.local [hbm:s3], $0xF7A  }
0x26: {  	[smem:$0x3F93] =	sst s1;
	(tag) =	ssettag s2;
	_ =	strace s9  }
0x27: {  	s1 =	sld [smem:$0x3FA3]  }
0x28: {  	s2 =	sld [smem:$0x3FA4]  }
0x29: {  	s4 =	sld [smem:$0x3FA6]  }
0x2a: {  	p0 =	seq.s32 s5, $0x0;
	s5 =	sld [smem:$0x3FA7]  }
0x2b: {  	s6 =	sld [smem:$0x3FA8]  }
0x2c: {  	s7 =	sld [smem:$0x3FA9]  }
0x2d: {  	s3 =	simm.s32 $0x108;
	s8 =	sld [smem:$0x3FAA]  }
0x2e: {  	s3 =	simm.s32 @!p0 $0x1082;
	s9 =	sld [smem:$0x3FAB]  }
0x2f: {  	lr =	sadd.s32 s0, s3;
	s0 =	sld [smem:$0x3FA2]  }
0x30: {  	s3 =	sld [smem:$0x3FA5]  }
0x31: {  	[smem:$0x3FAE] =	sst s10  }
0x32: {  	s10 =	sld [smem:$0x3FAC];
	_ =	sdelay $0x3  }
0x33: {  	p0 =	seq.s32 s10, $0x1;
	s10 =	sld [smem:$0x3FAE];
	_ =	sdelay $0x3  }
0x34: {  	[smem:$0x3FAE] =	sst s10  }
0x35: {  	s10 =	sld [smem:$0x3FAD];
	_ =	sdelay $0x3  }
0x36: {  	p1 =	seq.s32 s10, $0x1;
	s10 =	sld [smem:$0x3FAE];
	_ =	sdelay $0x3  }
0x37: {  	[smem:$0x3FAE] =	sst s10  }
0x38: {  	s10 =	sld [smem:$0x3FAF]  }
0x39: {  	_ = 	snop;
	(pc) =	sbr.ind lr, $3  }
0x3a: {  	_ = 	snop  }
0x3b: {  	_ = 	snop  }
0x3c: {  	p2 =	seq.s32 s10, $0x1;
	s10 =	sld [smem:$0x3FAE]  }
0x3d: {  	_ =	shalt  }
0x3e: {  	_ =	shalt  }
0x3f: {  	_ =	shalt  }
0x40: {  	_ =	shalt  }
0x41: {  	_ =	shalt  }
0x42: {  	_ =	shalt  }
0x43: {  	_ =	shalt  }
0x44: {  	_ =	shalt  }
0x45: {  	_ =	shalt  }
0x46: {  	_ =	shalt  }
0x47: {  	_ =	shalt  }
0x48: {  	_ =	shalt  }
0x49: {  	_ =	shalt  }
0x4a: {  	_ =	shalt  }
0x4b: {  	_ =	shalt  }
0x4c: {  	_ =	shalt  }
0x4d: {  	_ =	shalt  }
0x4e: {  	_ =	shalt  }
0x4f: {  	_ =	shalt  }
0x50: {  	_ =	shalt  }
0x51: {  	_ =	shalt  }
0x52: {  	_ =	shalt  }
0x53: {  	_ =	shalt  }
0x54: {  	_ =	shalt  }
0x55: {  	_ =	shalt  }
0x56: {  	_ =	shalt  }
0x57: {  	_ =	shalt  }
0x58: {  	_ =	shalt  }
0x59: {  	_ =	shalt  }
0x5a: {  	_ =	shalt  }
0x5b: {  	_ =	shalt  }
0x5c: {  	_ =	shalt  }
0x5d: {  	_ =	shalt  }
0x5e: {  	_ =	shalt  }
0x5f: {  	_ =	shalt  }
0x60: {  	_ =	shalt  }
0x61: {  	_ =	shalt  }
0x62: {  	_ =	shalt  }
0x63: {  	_ =	shalt  }
0x64: {  	_ =	shalt  }
0x65: {  	_ =	shalt  }
0x66: {  	_ =	shalt  }
0x67: {  	_ =	shalt  }
0x68: {  	_ =	shalt  }
0x69: {  	_ =	shalt  }
0x6a: {  	_ =	shalt  }
0x6b: {  	_ =	shalt  }
0x6c: {  	_ =	shalt  }
0x6d: {  	_ =	shalt  }
0x6e: {  	_ =	shalt  }
0x6f: {  	_ =	shalt  }
0x70: {  	_ =	shalt  }
0x71: {  	_ =	shalt  }
0x72: {  	_ =	shalt  }
0x73: {  	_ =	shalt  }
0x74: {  	_ =	shalt  }
0x75: {  	_ =	shalt  }
0x76: {  	_ =	shalt  }
0x77: {  	_ =	shalt  }
0x78: {  	_ =	shalt  }
0x79: {  	_ =	shalt  }
0x7a: {  	_ =	shalt  }
0x7b: {  	_ =	shalt  }
0x7c: {  	_ =	shalt  }
0x7d: {  	_ =	shalt  }
0x7e: {  	_ =	shalt  }
0x7f: {  	_ =	shalt  }
0x80: {  	_ =	shalt  }
0x81: {  	_ =	shalt  }
0x82: {  	_ =	shalt  }
0x83: {  	_ =	shalt  }
0x84: {  	_ =	shalt  }
0x85: {  	_ =	shalt  }
0x86: {  	_ =	shalt  }
0x87: {  	_ =	shalt  }
.Lfunc_end0:
.L_simem_size_0:
called_computation_lowered:
.L_overlay_start_0:
0x88: {  	s2 =	sld [smem:$0x3FD9]  }
0x89: {  	s3 =	sld [smem:$0x3FFE];
	_ =	sdelay $0x1  }
0x8a: {  	s1 =	srdreg.scid  }
0x8b: {  	s0 =	sand.u32 $0x1, s1  }
0x8c: {  	s14 =	sshll.u32 s0, $0xA;
	s2 =	sadd.s32 s3, s2  }
0x8d: {  	s2 =	sadd.s32 s2, s14  }
0x8e: {  	[smem:$0x3FBA] =	sst s2  }
0x8f: {  	_ = 	snop  }
0x90: {  	s2 =	sld [smem:$0x3FD0];
	_ =	sdelay $0x2  }
0x91: {  	s15 =	simm.s32 $0xA;
	s4 =	simm.s32 $0x10  }
0x92: {  	[smem:s4], [sflag:s15] =	dma.local [hbm:s2], $0x1  }
0x93: {  	_ =	swait.eq [sflag:s15], $0x1  }
0x94: {  	[sflag:s15] =	ssyncset.done $0x0  }
0x95: {  	[sflag:s15] =	ssyncadd.s32 $0xFFFFFFFF  }
0x96: {  	s16 =	sld [smem:$0x13];
	(tm) =	ssettm $0x1  }
0x97: {  	s17 =	sld [smem:$0x3FFB];
	_ =	sdelay $0x3  }
0x98: {  	_ =	strace s17  }
0x99: {  	s3 =	sld [smem:$0x3FFC];
	_ =	sdelay $0x3  }
0x9a: {  	_ =	strace s3  }
0x9b: {  	s3 =	sld [smem:$0x3FFD];
	_ =	sdelay $0x3  }
0x9c: {  	_ =	strace s3  }
0x9d: {  	_ =	strace $0x8FFFFFFF  }
0x9e: {  	s18 =	sld [smem:$0x3FDB];
	_ =	sdelay $0x1  }
0x9f: {  	s19 =	simm.s32 $_scs_section_size  }
0xa0: {  	s5 =	simm.s32 $_size__tile_overlayer_lowered;
	s6 =	simm.s32 $_tile_overlayer_lowered  }
0xa1: {  	s22 =	simm.s32 $0x1BFF;
	s21 =	sshll.u32 s6, $0x1;
	s3 =	sadd.s32 s19, s18  }
0xa2: {  	s7 =	simm.s32 $0x0;
	s20 =	sshll.u32 s5, $0x1;
	s5 =	sadd.s32 s21, s3  }
0xa3: {  	[timem:s7], [sflag:s22] =	dma.local [hbm:s5], s20  }
0xa4: {  	_ =	swait.ge [sflag:s22], s20  }
0xa5: {  	s4 =	ssub.s32 $0x0, s20;
	[sflag:s22] =	ssyncset.done $0x0  }
0xa6: {  	[sflag:s22] =	ssyncadd.s32 s4;
	_ =	sdelay $0x1  }
0xa7: {  	s23 =	simm.s32 $0x1B8B  }
0xa8: {  	_ =	swait.ge [sflag:s23], $0x1  }
0xa9: {  	[sflag:s23] =	ssyncset.done $0x0  }
0xaa: {  	s25 =	simm.s32 $0x1B8E;
	s24 =	sld [smem:$0x3FFE];
	[sflag:s23] =	ssyncadd.s32 $0xFFFFFFFF  }
0xab: {  	s26 =	simm.s32 $execute0_lowered;
	[smem:$0x3FD2] =	sst s25  }
0xac: {  	s5 =	sshll.u32 s26, $0x1;
	_ =	strace $0x80000046;
	[dreg:$0x1] =	wrdreg $0xFFFFFFFF  }
0xad: {  	s28 =	simm.s32 $_size_execute0_lowered;
	s3 =	sadd.s32 s3, s5;
	[dreg:$0x0] =	wrdreg $0x0  }
0xae: {  	s5 =	sshll.u32 s28, $0x1;
	[dreg:$0x2] =	wrdreg s3  }
0xaf: {  	[dreg:$0x3] =	wrdreg s5  }
0xb0: {  	[dreg:$0x4] =	wrdreg $0xC0  }
0xb1: {  	_ =	task [dreg:s7], $0x5FFFF  }
0xb2: {  	[dreg:$0x1] =	wrdreg $0xFFFFFFFF  }
0xb3: {  	[dreg:$0x0] =	wrdreg $0x60  }
0xb4: {  	[dreg:$0x2] =	wrdreg s24  }
0xb5: {  	[dreg:$0x3] =	wrdreg s16  }
0xb6: {  	[dreg:$0x4] =	wrdreg $0x90800  }
0xb7: {  	[dreg:$0x5] =	wrdreg $0x9  }
0xb8: {  	_ =	task.clear_ibuf [dreg:s7], $0x6FFFF;
	_ =	strace $0x90000046  }
0xb9: {  	s29 =	simm.s32 $0x9;
	_ =	strace $0x80000048  }
0xba: {  	_ =	swait.ge [sflag:s29], $0x1  }
0xbb: {  	[sflag:s29] =	ssyncadd.s32 $0xFFFFFFFF  }
0xbc: {  	_ =	strace $0x90000048  }
0xbd: {  	_ =	sfence  }
0xbe: {  	s30 =	sld [smem:$0x0];
	_ =	sdelay $0x2  }
0xbf: {  	s31 =	sshll.u32 s1, $0xD;
	s1 =	sshrl.u32 s1, $0x2  }
0xc0: {  	s3 =	sand.u32 $0x4000, s31;
	s1 =	sadd.s32 s1, s30  }
0xc1: {  	s0 =	sor.u32 s3, s0;
	s1 =	sshll.u32 s1, $0x11  }
0xc2: {  	s0 =	sor.u32 s1, s0  }
0xc3: {  	s0 =	sadd.s32 $0x8F2B, s0  }
0xc4: {  	[sflag:s0] =	ssyncadd.remote.s32 $0x1  }
0xc5: {  	_ =	sfence.sel $0xFFFF  }
0xc6: {  	[dreg:$0x0] =	wrdreg $0xFFFFFFFF;
	(pc) =	sbr.abs _section_cstart, $3  }
0xc7: {  	[dreg:$0x1] =	wrdreg $0xFFFFFFFF  }
0xc8: {  	_ =	task.clear_ibuf [dreg:s7], $0x2FFFF;
	_ =	strace $0x9FFFFFFF  }
0xc9: {  	(tm) =	ssettm $0x7FFFFFFF  }
tec
execute0_lowered:
.L_overlay_start_1:
0x0: {  	(tag) =	ssettag $0x1  }
0x1: {  	s7 =	rddreg [dreg:$0x0]  }
0x2: {  	s2 =	rddreg [dreg:$0x1]  }
0x3: {  	s3 =	rddreg [dreg:$0x2];
	s1 =	stileid.u32  }
0x4: {  	s0 =	rddreg [dreg:$0x3];
	s4 =	simm.s32 $0x0;
	s6 =	srdreg.scid  }
0x5: {  	s14 =	simm.s32 $0x5000;
	s17 =	simm.s32 $0x80;
	s18 =	simm.s32 $0x0  }
0x6: {  	s5 =	smul.u32 $0xA00, s1;
	[smem:$0x7FF] =	sst s4;
	s12 =	sand.u32 $0x1, s6  }
0x7: {  	s6 =	sadd.s32 $0x19800, s7;
	s11 =	sshll.u32 s1, $0xA;
	s15 =	sshll.u32 s1, $0x6  }
0x8: {  	_ =	strace $0x80000047;
	s8 =	ssub.s32 $0x2, s12;
	s16 =	sadd.s32 s11, s3  }
.Ltmp0:
0x9: {  	p0 =	sne.s32 s12, $0x0;
	s12 =	simm.s32 $0x5080;
	(pc) =	sbr.rel .LBB2_1-.Ltmp0, $4  }
0xa: {  	s15 =	sor.u32 $0x1C01, s15;
	s10 =	sadd.s32 s5, s7;
	s5 =	sadd.s32 $0x19000, s7  }
0xb: {  	s7 =	sadd.s32 $0x1A000, s7;
	s9 =	sshrl.u32 s8, $0x1;
	s16 =	sshrl.u32 s16, $0x3  }
0xc: {  	s13 =	ssub.s32 s8, s9;
	s8 =	sadd.s32 $0xF000, s10;
	s9 =	sshll.u32 s1, $0x7  }
0xd: {  	v0 =	vimm.f32 $1.000000000e+00;
	s10 =	sadd.s32 $0x5000, s10;
	s11 =	smax.u32 s13, $0x1;
	s13 =	simm.s32 $0x1  }
.LBB2_7:
0xe: {  	s19 =	smov.u32 s7  }
.LBB2_8:
0xf: {  	[bflag:$0x0] =	sbarrier.arrive $0xFFFF  }
0x10: {  	[spmem:s3] =	stream.indirect.scatter.add.f32 [tilespmem:s12], [sflag:$0x1], $0x80, s14, s17, $0xb8;
	[tilespmem:$0x9480] =	vst v63  }
0x11: {  	_ =	swait.ge [sflag:s13], $0x4000  }
0x12: {  	s18 =	sadd.s32 $0x1, s18;
	[sflag:s13] =	ssyncset.done $0x0  }
0x13: {  	p1 =	sne.s32 s18, s11;
	[sflag:s13] =	ssyncadd.s32 $0xFFFFC000  }
.Ltmp1:
0x14: {  	s19 =	sadd.s32 s19, s9;
	[bflag:$0x0] =	sbarrier.arrive $0xFFFF;
	(pc) =	sbr.rel @!p1 .LBB2_9-.Ltmp1, $4  }
0x15: {  	[hbm:s19], [sflag:s15] =	dma.local [spmem:s16], $0x80  }
0x16: {  	_ =	swait.ge [sflag:s13], $0x80  }
0x17: {  	[sflag:s13] =	ssyncset.done $0x0  }
0x18: {  	[sflag:s13] =	ssyncadd.s32 $0xFFFFFF80  }
.LBB2_1:
0x19: {  	[tilespmem:s12], [sflag:$0x1] =	stream.linear.gather [hbm4b:s5+s4], $0x4000, $0x38;
	[tilespmem:$0x9480] =	vst v63  }
0x1a: {  	_ =	swait.ge [sflag:s13], $0x4000  }
0x1b: {  	[sflag:s13] =	ssyncset.done $0x0  }
0x1c: {  	[sflag:s13] =	ssyncadd.s32 $0xFFFFC000  }
0x1d: {  	[tilespmem:s14], [sflag:$0x1] =	stream.linear.gather [hbm4b:s2+s4], $0x80, $0x38;
	[tilespmem:$0x9480] =	vst v63  }
0x1e: {  	_ =	swait.ge [sflag:s13], $0x80  }
0x1f: {  	[sflag:s13] =	ssyncset.done $0x0  }
0x20: {  	[sflag:s13] =	ssyncadd.s32 $0xFFFFFF80  }
0x21: {  	[spmem:s16], [sflag:s15] =	dma.local [hbm:s5], $0x80  }
.Ltmp2:
0x22: {  	_ =	swait.ge [sflag:s13], $0x80;
	(pc) =	sbr.rel @p0 .LBB2_5-.Ltmp2, $4  }
0x23: {  	[sflag:s13] =	ssyncset.done $0x0  }
0x24: {  	[sflag:s13] =	ssyncadd.s32 $0xFFFFFF80  }
0x25: {  	[bflag:$0x0] =	sbarrier.arrive $0xFFFF  }
0x26: {  	s19 =	simm.s32 $0x0  }
0x27: {  	[tilespmem:s19], [sflag:$0x1] =	stream.linear.gather [hbm4b:s10+s19], $0x4E80, $0x38;
	[tilespmem:$0x9480] =	vst v63  }
0x28: {  	_ =	swait.ge [sflag:s13], $0x4E80  }
0x29: {  	[sflag:s13] =	ssyncset.done $0x0  }
0x2a: {  	[sflag:s13] =	ssyncadd.s32 $0xFFFFB180  }
.LBB2_3:
0x2b: {  	s20 =	sshra.s32 s19, $0x2  }
0x2c: {  	v1 =	vld [tilespmem:s20+$0x0];
	_ =	sdelay $0x7  }
0x2d: {  	[tilespmem:v1+s12+$0x0] =	vst.idx.add.f32.msk $0xffff, v0  }
0x2e: {  	v1 =	vld [tilespmem:s20+$0x10];
	_ =	sdelay $0x7  }
0x2f: {  	[tilespmem:v1+s12+$0x0] =	vst.idx.add.f32.msk $0xffff, v0  }
0x30: {  	v1 =	vld [tilespmem:s20+$0x20];
	_ =	sdelay $0x7  }
0x31: {  	[tilespmem:v1+s12+$0x0] =	vst.idx.add.f32.msk $0xffff, v0  }
0x32: {  	v1 =	vld [tilespmem:s20+$0x30];
	_ =	sdelay $0x7  }
0x33: {  	[tilespmem:v1+s12+$0x0] =	vst.idx.add.f32.msk $0xffff, v0  }
0x34: {  	v1 =	vld [tilespmem:s20+$0x40];
	_ =	sdelay $0x7  }
0x35: {  	[tilespmem:v1+s12+$0x0] =	vst.idx.add.f32.msk $0xffff, v0  }
0x36: {  	v1 =	vld [tilespmem:s20+$0x50];
	_ =	sdelay $0x7  }
0x37: {  	[tilespmem:v1+s12+$0x0] =	vst.idx.add.f32.msk $0xffff, v0  }
0x38: {  	v1 =	vld [tilespmem:s20+$0x60];
	_ =	sdelay $0x7  }
0x39: {  	[tilespmem:v1+s12+$0x0] =	vst.idx.add.f32.msk $0xffff, v0  }
0x3a: {  	v1 =	vld [tilespmem:s20+$0x70];
	_ =	sdelay $0x2  }
0x3b: {  	p1 =	seq.s32 s19, $0x13800  }
.Ltmp3:
0x3c: {  	_ = 	snop;
	(pc) =	sbr.rel @!p1 .LBB2_3-.Ltmp3, $2  }
0x3d: {  	_ =	sdelay $0x2  }
0x3e: {  	s19 =	sadd.s32 $0x200, s19;
	[tilespmem:v1+s12+$0x0] =	vst.idx.add.f32.msk $0xffff, v0  }
.Ltmp4:
0x3f: {  	(pc) =	sbr.rel .LBB2_8-.Ltmp4, $2  }
0x40: {  	_ =	sdelay $0x2  }
0x41: {  	s19 =	smov.u32 s6  }
.LBB2_5:
0x42: {  	[tilespmem:s19], [sflag:$0x1] =	stream.linear.gather [hbm4b:s8+s19], $0x4E80, $0x38;
	[tilespmem:$0x9480] =	vst v63  }
0x43: {  	_ =	swait.ge [sflag:s13], $0x4E80  }
0x44: {  	[sflag:s13] =	ssyncset.done $0x0  }
0x45: {  	[sflag:s13] =	ssyncadd.s32 $0xFFFFB180  }
.LBB2_6:
0x46: {  	s20 =	sshra.s32 s19, $0x2  }
0x47: {  	v1 =	vld [tilespmem:s20+$0x0];
	_ =	sdelay $0x7  }
0x48: {  	[tilespmem:v1+s12+$0x0] =	vst.idx.add.f32.msk $0xffff, v0  }
0x49: {  	v1 =	vld [tilespmem:s20+$0x10];
	_ =	sdelay $0x7  }
0x4a: {  	[tilespmem:v1+s12+$0x0] =	vst.idx.add.f32.msk $0xffff, v0  }
0x4b: {  	v1 =	vld [tilespmem:s20+$0x20];
	_ =	sdelay $0x7  }
0x4c: {  	[tilespmem:v1+s12+$0x0] =	vst.idx.add.f32.msk $0xffff, v0  }
0x4d: {  	v1 =	vld [tilespmem:s20+$0x30];
	_ =	sdelay $0x7  }
0x4e: {  	[tilespmem:v1+s12+$0x0] =	vst.idx.add.f32.msk $0xffff, v0  }
0x4f: {  	v1 =	vld [tilespmem:s20+$0x40];
	_ =	sdelay $0x7  }
0x50: {  	[tilespmem:v1+s12+$0x0] =	vst.idx.add.f32.msk $0xffff, v0  }
0x51: {  	v1 =	vld [tilespmem:s20+$0x50];
	_ =	sdelay $0x7  }
0x52: {  	[tilespmem:v1+s12+$0x0] =	vst.idx.add.f32.msk $0xffff, v0  }
0x53: {  	v1 =	vld [tilespmem:s20+$0x60];
	_ =	sdelay $0x7  }
0x54: {  	[tilespmem:v1+s12+$0x0] =	vst.idx.add.f32.msk $0xffff, v0  }
0x55: {  	v1 =	vld [tilespmem:s20+$0x70];
	_ =	sdelay $0x2  }
0x56: {  	p1 =	sne.s32 s19, $0x13800  }
.Ltmp5:
0x57: {  	_ = 	snop;
	(pc) =	sbr.rel @p1 .LBB2_6-.Ltmp5, $2  }
0x58: {  	_ =	sdelay $0x2  }
0x59: {  	s19 =	sadd.s32 $0x200, s19;
	[tilespmem:v1+s12+$0x0] =	vst.idx.add.f32.msk $0xffff, v0  }
.Ltmp6:
0x5a: {  	_ = 	snop;
	(pc) =	sbr.rel .LBB2_7-.Ltmp6, $1  }
0x5b: {  	_ =	sdelay $0x3  }
.LBB2_9:
0x5c: {  	_ =	sfence.sel $0x180000  }
0x5d: {  	[bflag:$0x0] =	sbarrier.arrive $0xFFFF  }
0x5e: {  	p0 =	sne.s32 s1, $0x0;
	_ =	strace $0x90000047  }
0x5f: {  	s0 =	sadd.s32 @!p0 $0x100000, s0;
	[bflag:$0x2] =	sbarrier.arrive $0xFFFF  }
0x60: {  	[sflag:s0] =	ssyncadd.tile.s32 @!p0 $0x1;
	_ =	shalt  }
.Lfunc_end2:
_tile_overlayer_lowered:
.L_overlay_start_2:
0x61: {  	(tag) =	ssettag $0x2  }
0x62: {  	s0 =	rddreg [dreg:$0x0];
	s2 =	stileid.u32  }
0x63: {  	s1 =	rddreg [dreg:$0x1];
	p0 =	sne.s32 s2, $0x0  }
0x64: {  	s3 =	rddreg [dreg:$0x2];
	[bflag:$0x3] =	sbarrier.arrive $0xFFFF;
	s2 =	simm.s32 @!p0 $0x1C01  }
0x65: {  	[timem:s3], [sflag:s2] =	dma.local @!p0 [hbm:s0], s1  }
0x66: {  	s0 =	simm.s32 @!p0 $0x1  }
0x67: {  	_ =	swait.ge @!p0 [sflag:s0], s1  }
0x68: {  	s1 =	ssub.s32 @!p0 $0x0, s1;
	[sflag:s0] =	ssyncset.done @!p0 $0x0  }
0x69: {  	[sflag:s0] =	ssyncadd.s32 @!p0 s1  }
0x6a: {  	[bflag:$0x3] =	sbarrier.arrive $0xFFFF  }
0x6b: {  	_ =	shalt  }

</sc_bundles>
